<compile_context>
chip_gen: v7x
topology: tpu7x:2x2x1
jax: 0.10.2.dev20260603
libtpu: 0.0.44.dev20260713+nightly
codegen_flags: <defaults>
</compile_context>

<pallas_src>
import functools

import jax
import jax.numpy as jnp
import numpy as np
from jax import lax
from jax.experimental import pallas as pl
from jax.experimental.pallas import tpu as pltpu
from jax.experimental.pallas import tpu_sc as plsc

N = 10000
NPAD = 10240
EMB = 256
HID = 512
NCHUNK = 4
CW = 128
GCOLS = 3 * HID
GROWS = GCOLS // CW
NTILES = 16
RPT = NPAD // NTILES
BM = 512



def _k0_body(seq_ref, pos_ref, aa_ref, wt_ref, wb_ref, b_ref, o_ref):
    s = seq_ref[...]
    ids = jax.lax.broadcasted_iota(jnp.int32, (BM, 32), 1)
    onehot = (ids == s).astype(jnp.float32)
    t = jnp.dot(aa_ref[...], wt_ref[...], preferred_element_type=jnp.float32)
    aa_part = jnp.dot(onehot, t, preferred_element_type=jnp.float32)
    pos_part = jnp.dot(pos_ref[...], wb_ref[...],
                       preferred_element_type=jnp.float32)
    o_ref[...] = aa_part + pos_part + b_ref[...]


def _input_proj(seq2, pos, aa32, w_top, w_bot, b):
    grid = (NPAD // BM,)
    return pl.pallas_call(
        _k0_body,
        grid=grid,
        in_specs=[
            pl.BlockSpec((BM, 1), lambda r: (r, 0)),
            pl.BlockSpec((BM, EMB), lambda r: (r, 0)),
            pl.BlockSpec((32, EMB), lambda r: (0, 0)),
            pl.BlockSpec((EMB, HID), lambda r: (0, 0)),
            pl.BlockSpec((EMB, HID), lambda r: (0, 0)),
            pl.BlockSpec((1, HID), lambda r: (0, 0)),
        ],
        out_specs=pl.BlockSpec((BM, HID), lambda r: (r, 0)),
        out_shape=jax.ShapeDtypeStruct((NPAD, HID), jnp.float32),
    )(seq2, pos, aa32, w_top, w_bot, b)


def _k1_body(h_ref, w_ref, o_ref):
    o_ref[...] = jnp.dot(h_ref[...], w_ref[...],
                         preferred_element_type=jnp.float32)


def _fused_matmul(h, w3):
    grid = (NPAD // BM,)
    return pl.pallas_call(
        _k1_body,
        grid=grid,
        in_specs=[
            pl.BlockSpec((BM, HID), lambda r: (r, 0)),
            pl.BlockSpec((HID, GCOLS), lambda r: (0, 0)),
        ],
        out_specs=pl.BlockSpec((BM, GCOLS), lambda r: (r, 0)),
        out_shape=jax.ShapeDtypeStruct((NPAD, GCOLS), jnp.float32),
    )(h, w3)


def _k2_body(residual, g_ref, s_ref, deg_ref, h_ref, mb_ref, lb_ref,
             lg_ref, lbn_ref, o_ref):
    g = g_ref[...]
    lin = g[:, :HID]
    a = g[:, HID:2 * HID]
    s = jnp.concatenate([s_ref[c] for c in range(NCHUNK)], axis=-1)
    deg = deg_ref[...][:, 0:1]
    x = lin + lb_ref[...] + deg * (a + mb_ref[...]) + s
    y = jnp.maximum(x, 0.0)
    mu = jnp.mean(y, axis=-1, keepdims=True)
    var = jnp.mean((y - mu) ** 2, axis=-1, keepdims=True)
    ln = (y - mu) / jnp.sqrt(var + 1e-5) * lg_ref[...] + lbn_ref[...]
    o_ref[...] = h_ref[...] + ln if residual else ln


def _combine(residual, g, s, deg, h, msg_b, lin_b, ln_g, ln_b):
    grid = (NPAD // BM,)
    return pl.pallas_call(
        functools.partial(_k2_body, residual),
        grid=grid,
        in_specs=[
            pl.BlockSpec((BM, GCOLS), lambda r: (r, 0)),
            pl.BlockSpec((NCHUNK, BM, CW), lambda r: (0, r, 0)),
            pl.BlockSpec((BM, CW), lambda r: (r, 0)),
            pl.BlockSpec((BM, HID), lambda r: (r, 0)),
            pl.BlockSpec((1, HID), lambda r: (0, 0)),
            pl.BlockSpec((1, HID), lambda r: (0, 0)),
            pl.BlockSpec((1, HID), lambda r: (0, 0)),
            pl.BlockSpec((1, HID), lambda r: (0, 0)),
        ],
        out_specs=pl.BlockSpec((BM, HID), lambda r: (r, 0)),
        out_shape=jax.ShapeDtypeStruct((NPAD, HID), jnp.float32),
    )(g, s, deg, h, msg_b, lin_b, ln_g, ln_b)


def _k3_body(h_ref, w1_ref, b1_ref, w2_ref, b2_ref, w3_ref, b3_ref, o_ref):
    d = jnp.maximum(jnp.dot(h_ref[...], w1_ref[...],
                            preferred_element_type=jnp.float32)
                    + b1_ref[...], 0.0)
    d = jnp.maximum(jnp.dot(d, w2_ref[...],
                            preferred_element_type=jnp.float32)
                    + b2_ref[...], 0.0)
    o = jnp.dot(d, w3_ref[...], preferred_element_type=jnp.float32) \
        + b3_ref[...]
    o_ref[...] = jnp.tanh(o) * np.pi


def _decoder(h, w1, b1, w2, b2, w3p, b3p):
    grid = (NPAD // BM,)
    return pl.pallas_call(
        _k3_body,
        grid=grid,
        in_specs=[
            pl.BlockSpec((BM, HID), lambda r: (r, 0)),
            pl.BlockSpec((HID, HID), lambda r: (0, 0)),
            pl.BlockSpec((1, HID), lambda r: (0, 0)),
            pl.BlockSpec((HID, HID // 2), lambda r: (0, 0)),
            pl.BlockSpec((1, HID // 2), lambda r: (0, 0)),
            pl.BlockSpec((HID // 2, CW), lambda r: (0, 0)),
            pl.BlockSpec((1, CW), lambda r: (0, 0)),
        ],
        out_specs=pl.BlockSpec((BM, CW), lambda r: (r, 0)),
        out_shape=jax.ShapeDtypeStruct((NPAD, CW), jnp.float32),
    )(h, w1, b1, w2, b2, w3p, b3p)




def _sc_scatter(nblk, gflat, gidx, dst2, zeros):
    mesh = plsc.VectorSubcoreMesh(core_axis_name="c", subcore_axis_name="s")

    @functools.partial(
        pl.kernel,
        out_type=jax.ShapeDtypeStruct((NCHUNK, NPAD, CW), jnp.float32),
        mesh=mesh,
        scratch_types=[
            pltpu.VMEM((nblk, 128), jnp.int32),
            pltpu.VMEM((nblk, 128), jnp.int32),
            pltpu.VMEM((128, CW), jnp.float32),
            pltpu.VMEM_SHARED((NPAD, CW), jnp.float32),
            pltpu.SemaphoreType.DMA,
        ],
    )
    def scatter_kernel(gflat_hbm, gidx_hbm, dst_hbm, zeros_hbm, out_hbm,
                       gidx_v, dst_v, rows_v, acc_sh, sem):
        cid = lax.axis_index("c")
        tid = lax.axis_index("s")
        pltpu.sync_copy(dst_hbm.at[tid], dst_v)
        for p in range(NCHUNK // 2):
            c = cid * (NCHUNK // 2) + p
            pltpu.sync_copy(zeros_hbm.at[pl.ds(tid * RPT, RPT)],
                            acc_sh.at[pl.ds(tid * RPT, RPT)])
            pltpu.sync_copy(gidx_hbm.at[c].at[tid], gidx_v)
            plsc.subcore_barrier()

            def body(j, carry):
                pltpu.async_copy(gflat_hbm.at[gidx_v.at[j]], rows_v,
                                 sem).wait()
                pltpu.sync_copy(rows_v, acc_sh.at[dst_v.at[j]], add=True)
                return carry

            lax.fori_loop(0, nblk, body, 0)
            plsc.subcore_barrier()
            pltpu.sync_copy(acc_sh.at[pl.ds(tid * RPT, RPT)],
                            out_hbm.at[c].at[pl.ds(tid * RPT, RPT)])
            plsc.subcore_barrier()

    return scatter_kernel(gflat, gidx, dst2, zeros)


def _sc_degree(nblk, dst2, ones, zeros):
    mesh = plsc.VectorSubcoreMesh(core_axis_name="c", subcore_axis_name="s")

    @functools.partial(
        pl.kernel,
        out_type=jax.ShapeDtypeStruct((NPAD, CW), jnp.float32),
        mesh=mesh,
        scratch_types=[
            pltpu.VMEM((nblk, 128), jnp.int32),
            pltpu.VMEM((128, CW), jnp.float32),
            pltpu.VMEM_SHARED((NPAD, CW), jnp.float32),
        ],
    )
    def degree_kernel(dst_hbm, ones_hbm, zeros_hbm, out_hbm,
                      dst_v, ones_v, acc_sh):
        cid = lax.axis_index("c")
        tid = lax.axis_index("s")

        @pl.when(cid == 0)
        def _():
            pltpu.sync_copy(dst_hbm.at[tid], dst_v)
            pltpu.sync_copy(ones_hbm, ones_v)
            pltpu.sync_copy(zeros_hbm.at[pl.ds(tid * RPT, RPT)],
                            acc_sh.at[pl.ds(tid * RPT, RPT)])
            plsc.subcore_barrier()

            def body(j, carry):
                pltpu.sync_copy(ones_v, acc_sh.at[dst_v.at[j]], add=True)
                return carry

            lax.fori_loop(0, nblk, body, 0)
            plsc.subcore_barrier()
            pltpu.sync_copy(acc_sh.at[pl.ds(tid * RPT, RPT)],
                            out_hbm.at[pl.ds(tid * RPT, RPT)])

    return degree_kernel(dst2, ones, zeros)




def kernel(params, sequence, edge_index):
    p = params
    src = edge_index[0]
    dst = edge_index[1]
    e = src.shape[0]
    epad = ((e + NTILES * 128 - 1) // (NTILES * 128)) * (NTILES * 128)
    nblk = epad // (NTILES * 128)

    srcp = jnp.concatenate(
        [src, jnp.zeros((epad - e,), jnp.int32)])
    dstp = jnp.concatenate(
        [dst, jnp.full((epad - e,), N, jnp.int32)])
    grow = GROWS * srcp + 2 * HID // CW
    gidx = (grow[None, :]
            + jnp.arange(NCHUNK, dtype=jnp.int32)[:, None]).reshape(
                NCHUNK, NTILES, nblk, 128)
    dst2 = dstp.reshape(NTILES, nblk, 128)
    zeros = jnp.zeros((NPAD, CW), jnp.float32)
    ones = jnp.ones((128, CW), jnp.float32)

    seq2 = jnp.concatenate(
        [sequence, jnp.full((NPAD - N,), 31, jnp.int32)])[:, None]
    pos = jnp.concatenate(
        [p["pos_emb"], jnp.zeros((NPAD - N, EMB), jnp.float32)])
    aa32 = jnp.concatenate(
        [p["aa_emb"], jnp.zeros((12, EMB), jnp.float32)])

    deg = _sc_degree(nblk, dst2, ones, zeros)

    h = _input_proj(seq2, pos, aa32, p["in_W"][:EMB], p["in_W"][EMB:],
                    p["in_b"][None, :])

    for i, lp in enumerate(p["layers"]):
        w3 = jnp.concatenate(
            [lp["lin_W"], lp["msg_W"][:HID], lp["msg_W"][HID:]], axis=1)
        g = _fused_matmul(h, w3)
        s = _sc_scatter(nblk, g.reshape(NPAD * GROWS, CW), gidx, dst2, zeros)
        h = _combine(i > 0, g, s, deg, h, lp["msg_b"][None, :],
                     lp["lin_b"][None, :], lp["ln_g"][None, :],
                     lp["ln_b"][None, :])

    w3p = jnp.concatenate(
        [p["dec3_W"], jnp.zeros((HID // 2, CW - 2), jnp.float32)], axis=1)
    b3p = jnp.concatenate([p["dec3_b"], jnp.zeros((CW - 2,), jnp.float32)])
    out = _decoder(h, p["dec1_W"], p["dec1_b"][None, :],
                   p["dec2_W"], p["dec2_b"][None, :], w3p, b3p[None, :])
    return out[:N, :2]

# --- scband reference (transcript-rebuilt; emitter-appended) ---
"""Pipeline reference for scband-structure-generator-71614284694141 (READ-ONLY COPY).

The authoritative reference and input builder live on the scoring server;
editing this copy changes nothing except your own understanding.
"""

import jax, jax.numpy as jnp
import numpy as np

N_RES = 10000
EMB = 256
HID = 512
N_LAYERS = 4


def _linear_init(key, fan_in, fan_out):
    k1, k2 = jax.random.split(key)
    lim = 1.0 / np.sqrt(fan_in)
    W = jax.random.uniform(k1, (fan_in, fan_out), minval=-lim, maxval=lim, dtype=jnp.float32)
    b = jax.random.uniform(k2, (fan_out,), minval=-lim, maxval=lim, dtype=jnp.float32)
    return W, b


def _build_edge_index(n):
    # Mirrors StructureGenerator._construct_edges: backbone (i,i+1)/(i+1,i) plus
    # 3 random long-range contacts per node with |i-j| > 3.
    rng = np.random.RandomState(0)
    src_parts = [np.arange(n - 1), np.arange(1, n)]
    dst_parts = [np.arange(1, n), np.arange(n - 1)]
    c_src = np.empty(3 * n, dtype=np.int64)
    c_dst = np.empty(3 * n, dtype=np.int64)
    for i in range(n):
        cand = np.concatenate([np.arange(0, max(i - 3, 0)), np.arange(min(i + 4, n), n)])
        sampled = rng.choice(cand, size=3, replace=False)
        c_src[3 * i:3 * i + 3] = i
        c_dst[3 * i:3 * i + 3] = sampled
    src_parts.append(c_src)
    dst_parts.append(c_dst)
    ei = np.stack([np.concatenate(src_parts), np.concatenate(dst_parts)]).astype(np.int32)
    return ei


def setup_inputs(seed: int = 0):
    key = jax.random.key(seed)
    ks = jax.random.split(key, 16)
    sequence = jax.random.randint(ks[0], (N_RES,), 0, 20, dtype=jnp.int32)
    edge_index = jnp.asarray(_build_edge_index(N_RES))
    params = {}
    params["aa_emb"] = jax.random.normal(ks[1], (20, EMB), dtype=jnp.float32)
    params["pos_emb"] = jax.random.normal(ks[2], (N_RES, EMB), dtype=jnp.float32)
    params["in_W"], params["in_b"] = _linear_init(ks[3], 2 * EMB, HID)
    layers = []
    for i in range(N_LAYERS):
        kk = jax.random.split(ks[4 + i], 2)
        lin_W, lin_b = _linear_init(kk[0], HID, HID)
        msg_W, msg_b = _linear_init(kk[1], 2 * HID, HID)
        layers.append({"lin_W": lin_W, "lin_b": lin_b, "msg_W": msg_W, "msg_b": msg_b,
                       "ln_g": jnp.ones((HID,), jnp.float32), "ln_b": jnp.zeros((HID,), jnp.float32)})
    params["layers"] = layers
    params["dec1_W"], params["dec1_b"] = _linear_init(ks[8], HID, HID)
    params["dec2_W"], params["dec2_b"] = _linear_init(ks[9], HID, HID // 2)
    params["dec3_W"], params["dec3_b"] = _linear_init(ks[10], HID // 2, 2)
    return {"params": params, "sequence": sequence, "edge_index": edge_index}


def _layer_norm(x, g, b, eps=1e-5):
    mu = x.mean(-1, keepdims=True)
    var = ((x - mu) ** 2).mean(-1, keepdims=True)
    return (x - mu) / jnp.sqrt(var + eps) * g + b


def _forward(params, sequence, edge_index):
    n = sequence.shape[0]
    aa = jnp.take(params["aa_emb"], sequence, axis=0)
    pos = jnp.take(params["pos_emb"], jnp.arange(n), axis=0)
    h = jnp.concatenate([aa, pos], axis=-1) @ params["in_W"] + params["in_b"]
    src = edge_index[0]
    dst = edge_index[1]
    for i, lp in enumerate(params["layers"]):
        x_j = jnp.take(h, src, axis=0)
        x_i = jnp.take(h, dst, axis=0)
        msg = jnp.concatenate([x_i, x_j], axis=-1) @ lp["msg_W"] + lp["msg_b"]
        aggr = jnp.zeros_like(h).at[dst].add(msg)
        h_new = jax.nn.relu(h @ lp["lin_W"] + lp["lin_b"] + aggr)
        h_new = _layer_norm(h_new, lp["ln_g"], lp["ln_b"])
        h = h + h_new if i > 0 else h_new
    d = jax.nn.relu(h @ params["dec1_W"] + params["dec1_b"])
    d = jax.nn.relu(d @ params["dec2_W"] + params["dec2_b"])
    out = d @ params["dec3_W"] + params["dec3_b"]
    return jnp.tanh(out) * np.pi


def reference(params, sequence, edge_index):
    return _forward(params, sequence, edge_index)

if __name__ == "__main__":
    import jax
    _d = setup_inputs()
    print(jax.jit(kernel)(*tuple(_d.values())))

</pallas_src>

<mosaic_0001>
#map = affine_map<(d0, d1) -> (0, 0)>
#map1 = affine_map<(d0, d1) -> (0, 0, 0, 0)>
#map2 = affine_map<(d0, d1) -> (0, 0, 0)>
module attributes {stable_mosaic.version = 14 : i64} {
  func.func @scatter_kernel(%arg0: i32, %arg1: i32, %arg2: memref<122880x128xf32, #tpu.memory_space<hbm>>, %arg3: memref<4x16x25x128xi32, #tpu.memory_space<hbm>>, %arg4: memref<16x25x128xi32, #tpu.memory_space<hbm>>, %arg5: memref<10240x128xf32, #tpu.memory_space<hbm>>, %arg6: memref<4x10240x128xf32, #tpu.memory_space<hbm>>, %arg7: memref<25x128xi32, #tpu.memory_space<vmem>>, %arg8: memref<25x128xi32, #tpu.memory_space<vmem>>, %arg9: memref<128x128xf32, #tpu.memory_space<vmem>>, %arg10: memref<10240x128xf32, #tpu.memory_space<vmem_shared>>, %arg11: memref<!tpu.dma_semaphore, #tpu.memory_space<semaphore_mem>>) attributes {dimension_semantics = [#tpu.dimension_semantics<core_parallel>, #tpu.dimension_semantics<subcore_parallel>], iteration_bounds = array<i64: 2, 16>, scalar_prefetch = 0 : i64, scratch_operands = 5 : i64, tpu.core_type = #tpu.core_type<sc_vector_subcore>, window_params = [{transform_indices = #map}, {transform_indices = #map1}, {transform_indices = #map2}, {transform_indices = #map}, {transform_indices = #map2}]} {
    "tpu.region"() ({
      %run_scoped3A = tpu.sem_alloc : memref<!tpu.dma_semaphore, #tpu.memory_space<semaphore_mem>>
      %dma_start3A = arith.constant 0 : i32
      %dma_start3A_38 = arith.constant 0 : i32
      %dma_start3A_39 = tpu.memref_slice %arg4[%arg1, %dma_start3A, %dma_start3A_38] : memref<16x25x128xi32, #tpu.memory_space<hbm>> -> memref<1x25x128xi32, #tpu.memory_space<hbm>>
      %dma_start3A_40 = tpu.memref_squeeze %dma_start3A_39 : memref<1x25x128xi32, #tpu.memory_space<hbm>> -> memref<25x128xi32, #tpu.memory_space<hbm>>
      %dma_start3A_41 = arith.constant 0 : i32
      %dma_start3A_42 = arith.constant 0 : i32
      %dma_start3A_43 = tpu.memref_slice %arg4[%arg1, %dma_start3A_41, %dma_start3A_42] : memref<16x25x128xi32, #tpu.memory_space<hbm>> -> memref<1x25x128xi32, #tpu.memory_space<hbm>>
      %dma_start3A_44 = tpu.memref_squeeze %dma_start3A_43 : memref<1x25x128xi32, #tpu.memory_space<hbm>> -> memref<25x128xi32, #tpu.memory_space<hbm>>
      tpu.enqueue_dma source(%dma_start3A_44 : memref<25x128xi32, #tpu.memory_space<hbm>>) target(%arg8 : memref<25x128xi32, #tpu.memory_space<vmem>>) target_semaphore(%run_scoped3A : memref<!tpu.dma_semaphore, #tpu.memory_space<semaphore_mem>>)
      %dma_wait3A = arith.constant 0 : i32
      %dma_wait3A_45 = arith.constant 0 : i32
      %dma_wait3A_46 = tpu.memref_slice %arg4[%arg1, %dma_wait3A, %dma_wait3A_45] : memref<16x25x128xi32, #tpu.memory_space<hbm>> -> memref<1x25x128xi32, #tpu.memory_space<hbm>>
      %dma_wait3A_47 = tpu.memref_squeeze %dma_wait3A_46 : memref<1x25x128xi32, #tpu.memory_space<hbm>> -> memref<25x128xi32, #tpu.memory_space<hbm>>
      %dma_wait3A_48 = arith.constant 0 : i32
      %dma_wait3A_49 = arith.constant 0 : i32
      %dma_wait3A_50 = tpu.memref_slice %arg4[%arg1, %dma_wait3A_48, %dma_wait3A_49] : memref<16x25x128xi32, #tpu.memory_space<hbm>> -> memref<1x25x128xi32, #tpu.memory_space<hbm>>
      %dma_wait3A_51 = tpu.memref_squeeze %dma_wait3A_50 : memref<1x25x128xi32, #tpu.memory_space<hbm>> -> memref<25x128xi32, #tpu.memory_space<hbm>>
      tpu.wait_dma2 semaphore(%run_scoped3A : memref<!tpu.dma_semaphore, #tpu.memory_space<semaphore_mem>>) src(%dma_wait3A_51 : memref<25x128xi32, #tpu.memory_space<hbm>>) dst(%arg8 : memref<25x128xi32, #tpu.memory_space<vmem>>)
      tpu.yield
    }) : () -> ()
    %mul3A = arith.constant 2 : i32
    %mul3A_0 = arith.muli %arg0, %mul3A : i32
    %add3A = arith.constant 0 : i32
    %add3A_1 = arith.addi %mul3A_0, %add3A : i32
    %mul3A_2 = arith.constant 640 : i32
    %mul3A_3 = arith.muli %arg1, %mul3A_2 : i32
    %mul3A_4 = arith.constant 640 : i32
    %mul3A_5 = arith.muli %arg1, %mul3A_4 : i32
    "tpu.region"() ({
      %run_scoped3A = tpu.sem_alloc : memref<!tpu.dma_semaphore, #tpu.memory_space<semaphore_mem>>
      %dma_start3A = arith.constant 0 : i32
      %dma_start3A_38 = tpu.memref_slice %arg10[%mul3A_5, %dma_start3A] : memref<10240x128xf32, #tpu.memory_space<vmem_shared>> -> memref<640x128xf32, #tpu.memory_space<vmem_shared>>
      %dma_start3A_39 = arith.constant 0 : i32
      %dma_start3A_40 = tpu.memref_slice %arg5[%mul3A_3, %dma_start3A_39] : memref<10240x128xf32, #tpu.memory_space<hbm>> -> memref<640x128xf32, #tpu.memory_space<hbm>>
      tpu.enqueue_dma source(%dma_start3A_40 : memref<640x128xf32, #tpu.memory_space<hbm>>) target(%dma_start3A_38 : memref<640x128xf32, #tpu.memory_space<vmem_shared>>) target_semaphore(%run_scoped3A : memref<!tpu.dma_semaphore, #tpu.memory_space<semaphore_mem>>)
      %dma_wait3A = arith.constant 0 : i32
      %dma_wait3A_41 = tpu.memref_slice %arg10[%mul3A_5, %dma_wait3A] : memref<10240x128xf32, #tpu.memory_space<vmem_shared>> -> memref<640x128xf32, #tpu.memory_space<vmem_shared>>
      %dma_wait3A_42 = arith.constant 0 : i32
      %dma_wait3A_43 = tpu.memref_slice %arg5[%mul3A_3, %dma_wait3A_42] : memref<10240x128xf32, #tpu.memory_space<hbm>> -> memref<640x128xf32, #tpu.memory_space<hbm>>
      tpu.wait_dma2 semaphore(%run_scoped3A : memref<!tpu.dma_semaphore, #tpu.memory_space<semaphore_mem>>) src(%dma_wait3A_43 : memref<640x128xf32, #tpu.memory_space<hbm>>) dst(%dma_wait3A_41 : memref<640x128xf32, #tpu.memory_space<vmem_shared>>)
      tpu.yield
    }) : () -> ()
    "tpu.region"() ({
      %run_scoped3A = tpu.sem_alloc : memref<!tpu.dma_semaphore, #tpu.memory_space<semaphore_mem>>
      %dma_start3A = arith.constant 0 : i32
      %dma_start3A_38 = arith.constant 0 : i32
      %dma_start3A_39 = arith.constant 0 : i32
      %dma_start3A_40 = tpu.memref_slice %arg3[%add3A_1, %dma_start3A, %dma_start3A_38, %dma_start3A_39] : memref<4x16x25x128xi32, #tpu.memory_space<hbm>> -> memref<1x16x25x128xi32, #tpu.memory_space<hbm>>
      %dma_start3A_41 = tpu.memref_squeeze %dma_start3A_40 : memref<1x16x25x128xi32, #tpu.memory_space<hbm>> -> memref<16x25x128xi32, #tpu.memory_space<hbm>>
      %dma_start3A_42 = arith.constant 0 : i32
      %dma_start3A_43 = arith.constant 0 : i32
      %dma_start3A_44 = tpu.memref_slice %dma_start3A_41[%arg1, %dma_start3A_42, %dma_start3A_43] : memref<16x25x128xi32, #tpu.memory_space<hbm>> -> memref<1x25x128xi32, #tpu.memory_space<hbm>>
      %dma_start3A_45 = tpu.memref_squeeze %dma_start3A_44 : memref<1x25x128xi32, #tpu.memory_space<hbm>> -> memref<25x128xi32, #tpu.memory_space<hbm>>
      %dma_start3A_46 = arith.constant 0 : i32
      %dma_start3A_47 = arith.constant 0 : i32
      %dma_start3A_48 = arith.constant 0 : i32
      %dma_start3A_49 = tpu.memref_slice %arg3[%add3A_1, %dma_start3A_46, %dma_start3A_47, %dma_start3A_48] : memref<4x16x25x128xi32, #tpu.memory_space<hbm>> -> memref<1x16x25x128xi32, #tpu.memory_space<hbm>>
      %dma_start3A_50 = tpu.memref_squeeze %dma_start3A_49 : memref<1x16x25x128xi32, #tpu.memory_space<hbm>> -> memref<16x25x128xi32, #tpu.memory_space<hbm>>
      %dma_start3A_51 = arith.constant 0 : i32
      %dma_start3A_52 = arith.constant 0 : i32
      %dma_start3A_53 = tpu.memref_slice %dma_start3A_50[%arg1, %dma_start3A_51, %dma_start3A_52] : memref<16x25x128xi32, #tpu.memory_space<hbm>> -> memref<1x25x128xi32, #tpu.memory_space<hbm>>
      %dma_start3A_54 = tpu.memref_squeeze %dma_start3A_53 : memref<1x25x128xi32, #tpu.memory_space<hbm>> -> memref<25x128xi32, #tpu.memory_space<hbm>>
      tpu.enqueue_dma source(%dma_start3A_54 : memref<25x128xi32, #tpu.memory_space<hbm>>) target(%arg7 : memref<25x128xi32, #tpu.memory_space<vmem>>) target_semaphore(%run_scoped3A : memref<!tpu.dma_semaphore, #tpu.memory_space<semaphore_mem>>)
      %dma_wait3A = arith.constant 0 : i32
      %dma_wait3A_55 = arith.constant 0 : i32
      %dma_wait3A_56 = arith.constant 0 : i32
      %dma_wait3A_57 = tpu.memref_slice %arg3[%add3A_1, %dma_wait3A, %dma_wait3A_55, %dma_wait3A_56] : memref<4x16x25x128xi32, #tpu.memory_space<hbm>> -> memref<1x16x25x128xi32, #tpu.memory_space<hbm>>
      %dma_wait3A_58 = tpu.memref_squeeze %dma_wait3A_57 : memref<1x16x25x128xi32, #tpu.memory_space<hbm>> -> memref<16x25x128xi32, #tpu.memory_space<hbm>>
      %dma_wait3A_59 = arith.constant 0 : i32
      %dma_wait3A_60 = arith.constant 0 : i32
      %dma_wait3A_61 = tpu.memref_slice %dma_wait3A_58[%arg1, %dma_wait3A_59, %dma_wait3A_60] : memref<16x25x128xi32, #tpu.memory_space<hbm>> -> memref<1x25x128xi32, #tpu.memory_space<hbm>>
      %dma_wait3A_62 = tpu.memref_squeeze %dma_wait3A_61 : memref<1x25x128xi32, #tpu.memory_space<hbm>> -> memref<25x128xi32, #tpu.memory_space<hbm>>
      %dma_wait3A_63 = arith.constant 0 : i32
      %dma_wait3A_64 = arith.constant 0 : i32
      %dma_wait3A_65 = arith.constant 0 : i32
      %dma_wait3A_66 = tpu.memref_slice %arg3[%add3A_1, %dma_wait3A_63, %dma_wait3A_64, %dma_wait3A_65] : memref<4x16x25x128xi32, #tpu.memory_space<hbm>> -> memref<1x16x25x128xi32, #tpu.memory_space<hbm>>
      %dma_wait3A_67 = tpu.memref_squeeze %dma_wait3A_66 : memref<1x16x25x128xi32, #tpu.memory_space<hbm>> -> memref<16x25x128xi32, #tpu.memory_space<hbm>>
      %dma_wait3A_68 = arith.constant 0 : i32
      %dma_wait3A_69 = arith.constant 0 : i32
      %dma_wait3A_70 = tpu.memref_slice %dma_wait3A_67[%arg1, %dma_wait3A_68, %dma_wait3A_69] : memref<16x25x128xi32, #tpu.memory_space<hbm>> -> memref<1x25x128xi32, #tpu.memory_space<hbm>>
      %dma_wait3A_71 = tpu.memref_squeeze %dma_wait3A_70 : memref<1x25x128xi32, #tpu.memory_space<hbm>> -> memref<25x128xi32, #tpu.memory_space<hbm>>
      tpu.wait_dma2 semaphore(%run_scoped3A : memref<!tpu.dma_semaphore, #tpu.memory_space<semaphore_mem>>) src(%dma_wait3A_71 : memref<25x128xi32, #tpu.memory_space<hbm>>) dst(%arg7 : memref<25x128xi32, #tpu.memory_space<vmem>>)
      tpu.yield
    }) : () -> ()
    %barrier3A = arith.constant 0 : index
    tpu.barrier barrier_id(%barrier3A)
    %scan3A = arith.constant 0 : i32
    %scan3A_6 = arith.constant 0 : i32
    %scan3A_7 = arith.constant 25 : i32
    %scan3A_8 = arith.addi %scan3A_6, %scan3A_7 : i32
    %scan3A_9 = arith.constant 1 : i32
    scf.for %scan3A_38 = %scan3A_6 to %scan3A_8 step %scan3A_9  : i32 {
      %dma_start3A = arith.constant 0 : i32
      %dma_start3A_39 = tpu.memref_slice %arg7[%scan3A_38, %dma_start3A] : memref<25x128xi32, #tpu.memory_space<vmem>> -> memref<1x128xi32, #tpu.memory_space<vmem>>
      %dma_start3A_40 = tpu.memref_squeeze %dma_start3A_39 : memref<1x128xi32, #tpu.memory_space<vmem>> -> memref<128xi32, #tpu.memory_space<vmem>>
      %dma_start3A_41 = arith.constant 0 : i32
      %dma_start3A_42 = arith.constant 0 : i32
      %dma_start3A_43 = tpu.memref_slice %arg2[%dma_start3A_41, %dma_start3A_42] : memref<122880x128xf32, #tpu.memory_space<hbm>> -> memref<122880x128xf32, #tpu.memory_space<hbm>>
      tpu.enqueue_indirect_dma source(%dma_start3A_43 : memref<122880x128xf32, #tpu.memory_space<hbm>>) target(%arg9 : memref<128x128xf32, #tpu.memory_space<vmem>>) offsets(%dma_start3A_40 : memref<128xi32, #tpu.memory_space<vmem>>) semaphore(%arg11 : memref<!tpu.dma_semaphore, #tpu.memory_space<semaphore_mem>>)
      %dma_wait3A = arith.constant 0 : i32
      %dma_wait3A_44 = tpu.memref_slice %arg7[%scan3A_38, %dma_wait3A] : memref<25x128xi32, #tpu.memory_space<vmem>> -> memref<1x128xi32, #tpu.memory_space<vmem>>
      %dma_wait3A_45 = tpu.memref_squeeze %dma_wait3A_44 : memref<1x128xi32, #tpu.memory_space<vmem>> -> memref<128xi32, #tpu.memory_space<vmem>>
      %dma_wait3A_46 = arith.constant 0 : i32
      %dma_wait3A_47 = arith.constant 0 : i32
      %dma_wait3A_48 = tpu.memref_slice %arg2[%dma_wait3A_46, %dma_wait3A_47] : memref<122880x128xf32, #tpu.memory_space<hbm>> -> memref<122880x128xf32, #tpu.memory_space<hbm>>
      tpu.wait_indirect_dma semaphore(%arg11 : memref<!tpu.dma_semaphore, #tpu.memory_space<semaphore_mem>>) src(%dma_wait3A_48 : memref<122880x128xf32, #tpu.memory_space<hbm>>) dst(%arg9 : memref<128x128xf32, #tpu.memory_space<vmem>>)
      "tpu.region"() ({
        %run_scoped3A = tpu.sem_alloc : memref<!tpu.dma_semaphore, #tpu.memory_space<semaphore_mem>>
        %dma_start3A_49 = arith.constant 0 : i32
        %dma_start3A_50 = tpu.memref_slice %arg8[%scan3A_38, %dma_start3A_49] : memref<25x128xi32, #tpu.memory_space<vmem>> -> memref<1x128xi32, #tpu.memory_space<vmem>>
        %dma_start3A_51 = tpu.memref_squeeze %dma_start3A_50 : memref<1x128xi32, #tpu.memory_space<vmem>> -> memref<128xi32, #tpu.memory_space<vmem>>
        %dma_start3A_52 = arith.constant 0 : i32
        %dma_start3A_53 = arith.constant 0 : i32
        %dma_start3A_54 = tpu.memref_slice %arg10[%dma_start3A_52, %dma_start3A_53] : memref<10240x128xf32, #tpu.memory_space<vmem_shared>> -> memref<10240x128xf32, #tpu.memory_space<vmem_shared>>
        tpu.enqueue_indirect_dma source(%arg9 : memref<128x128xf32, #tpu.memory_space<vmem>>) target(%dma_start3A_54 : memref<10240x128xf32, #tpu.memory_space<vmem_shared>>) offsets(%dma_start3A_51 : memref<128xi32, #tpu.memory_space<vmem>>) semaphore(%run_scoped3A : memref<!tpu.dma_semaphore, #tpu.memory_space<semaphore_mem>>) {add = true}
        %dma_wait3A_55 = arith.constant 0 : i32
        %dma_wait3A_56 = tpu.memref_slice %arg8[%scan3A_38, %dma_wait3A_55] : memref<25x128xi32, #tpu.memory_space<vmem>> -> memref<1x128xi32, #tpu.memory_space<vmem>>
        %dma_wait3A_57 = tpu.memref_squeeze %dma_wait3A_56 : memref<1x128xi32, #tpu.memory_space<vmem>> -> memref<128xi32, #tpu.memory_space<vmem>>
        %dma_wait3A_58 = arith.constant 0 : i32
        %dma_wait3A_59 = arith.constant 0 : i32
        %dma_wait3A_60 = tpu.memref_slice %arg10[%dma_wait3A_58, %dma_wait3A_59] : memref<10240x128xf32, #tpu.memory_space<vmem_shared>> -> memref<10240x128xf32, #tpu.memory_space<vmem_shared>>
        tpu.wait_indirect_dma semaphore(%run_scoped3A : memref<!tpu.dma_semaphore, #tpu.memory_space<semaphore_mem>>) src(%arg9 : memref<128x128xf32, #tpu.memory_space<vmem>>) dst(%dma_wait3A_60 : memref<10240x128xf32, #tpu.memory_space<vmem_shared>>)
        tpu.yield
      }) : () -> ()
    }
    %scan3A_10 = arith.constant 25 : i32
    %barrier3A_11 = arith.constant 0 : index
    tpu.barrier barrier_id(%barrier3A_11)
    %mul3A_12 = arith.constant 640 : i32
    %mul3A_13 = arith.muli %arg1, %mul3A_12 : i32
    %mul3A_14 = arith.constant 640 : i32
    %mul3A_15 = arith.muli %arg1, %mul3A_14 : i32
    "tpu.region"() ({
      %run_scoped3A = tpu.sem_alloc : memref<!tpu.dma_semaphore, #tpu.memory_space<semaphore_mem>>
      %dma_start3A = arith.constant 0 : i32
      %dma_start3A_38 = arith.constant 0 : i32
      %dma_start3A_39 = tpu.memref_slice %arg6[%add3A_1, %dma_start3A, %dma_start3A_38] : memref<4x10240x128xf32, #tpu.memory_space<hbm>> -> memref<1x10240x128xf32, #tpu.memory_space<hbm>>
      %dma_start3A_40 = tpu.memref_squeeze %dma_start3A_39 : memref<1x10240x128xf32, #tpu.memory_space<hbm>> -> memref<10240x128xf32, #tpu.memory_space<hbm>>
      %dma_start3A_41 = arith.constant 0 : i32
      %dma_start3A_42 = tpu.memref_slice %dma_start3A_40[%mul3A_15, %dma_start3A_41] : memref<10240x128xf32, #tpu.memory_space<hbm>> -> memref<640x128xf32, #tpu.memory_space<hbm>>
      %dma_start3A_43 = arith.constant 0 : i32
      %dma_start3A_44 = tpu.memref_slice %arg10[%mul3A_13, %dma_start3A_43] : memref<10240x128xf32, #tpu.memory_space<vmem_shared>> -> memref<640x128xf32, #tpu.memory_space<vmem_shared>>
      tpu.enqueue_dma source(%dma_start3A_44 : memref<640x128xf32, #tpu.memory_space<vmem_shared>>) target(%dma_start3A_42 : memref<640x128xf32, #tpu.memory_space<hbm>>) target_semaphore(%run_scoped3A : memref<!tpu.dma_semaphore, #tpu.memory_space<semaphore_mem>>)
      %dma_wait3A = arith.constant 0 : i32
      %dma_wait3A_45 = arith.constant 0 : i32
      %dma_wait3A_46 = tpu.memref_slice %arg6[%add3A_1, %dma_wait3A, %dma_wait3A_45] : memref<4x10240x128xf32, #tpu.memory_space<hbm>> -> memref<1x10240x128xf32, #tpu.memory_space<hbm>>
      %dma_wait3A_47 = tpu.memref_squeeze %dma_wait3A_46 : memref<1x10240x128xf32, #tpu.memory_space<hbm>> -> memref<10240x128xf32, #tpu.memory_space<hbm>>
      %dma_wait3A_48 = arith.constant 0 : i32
      %dma_wait3A_49 = tpu.memref_slice %dma_wait3A_47[%mul3A_15, %dma_wait3A_48] : memref<10240x128xf32, #tpu.memory_space<hbm>> -> memref<640x128xf32, #tpu.memory_space<hbm>>
      %dma_wait3A_50 = arith.constant 0 : i32
      %dma_wait3A_51 = tpu.memref_slice %arg10[%mul3A_13, %dma_wait3A_50] : memref<10240x128xf32, #tpu.memory_space<vmem_shared>> -> memref<640x128xf32, #tpu.memory_space<vmem_shared>>
      tpu.wait_dma2 semaphore(%run_scoped3A : memref<!tpu.dma_semaphore, #tpu.memory_space<semaphore_mem>>) src(%dma_wait3A_51 : memref<640x128xf32, #tpu.memory_space<vmem_shared>>) dst(%dma_wait3A_49 : memref<640x128xf32, #tpu.memory_space<hbm>>)
      tpu.yield
    }) : () -> ()
    %barrier3A_16 = arith.constant 0 : index
    tpu.barrier barrier_id(%barrier3A_16)
    %mul3A_17 = arith.constant 2 : i32
    %mul3A_18 = arith.muli %arg0, %mul3A_17 : i32
    %add3A_19 = arith.constant 1 : i32
    %add3A_20 = arith.addi %mul3A_18, %add3A_19 : i32
    %mul3A_21 = arith.constant 640 : i32
    %mul3A_22 = arith.muli %arg1, %mul3A_21 : i32
    %mul3A_23 = arith.constant 640 : i32
    %mul3A_24 = arith.muli %arg1, %mul3A_23 : i32
    "tpu.region"() ({
      %run_scoped3A = tpu.sem_alloc : memref<!tpu.dma_semaphore, #tpu.memory_space<semaphore_mem>>
      %dma_start3A = arith.constant 0 : i32
      %dma_start3A_38 = tpu.memref_slice %arg10[%mul3A_24, %dma_start3A] : memref<10240x128xf32, #tpu.memory_space<vmem_shared>> -> memref<640x128xf32, #tpu.memory_space<vmem_shared>>
      %dma_start3A_39 = arith.constant 0 : i32
      %dma_start3A_40 = tpu.memref_slice %arg5[%mul3A_22, %dma_start3A_39] : memref<10240x128xf32, #tpu.memory_space<hbm>> -> memref<640x128xf32, #tpu.memory_space<hbm>>
      tpu.enqueue_dma source(%dma_start3A_40 : memref<640x128xf32, #tpu.memory_space<hbm>>) target(%dma_start3A_38 : memref<640x128xf32, #tpu.memory_space<vmem_shared>>) target_semaphore(%run_scoped3A : memref<!tpu.dma_semaphore, #tpu.memory_space<semaphore_mem>>)
      %dma_wait3A = arith.constant 0 : i32
      %dma_wait3A_41 = tpu.memref_slice %arg10[%mul3A_24, %dma_wait3A] : memref<10240x128xf32, #tpu.memory_space<vmem_shared>> -> memref<640x128xf32, #tpu.memory_space<vmem_shared>>
      %dma_wait3A_42 = arith.constant 0 : i32
      %dma_wait3A_43 = tpu.memref_slice %arg5[%mul3A_22, %dma_wait3A_42] : memref<10240x128xf32, #tpu.memory_space<hbm>> -> memref<640x128xf32, #tpu.memory_space<hbm>>
      tpu.wait_dma2 semaphore(%run_scoped3A : memref<!tpu.dma_semaphore, #tpu.memory_space<semaphore_mem>>) src(%dma_wait3A_43 : memref<640x128xf32, #tpu.memory_space<hbm>>) dst(%dma_wait3A_41 : memref<640x128xf32, #tpu.memory_space<vmem_shared>>)
      tpu.yield
    }) : () -> ()
    "tpu.region"() ({
      %run_scoped3A = tpu.sem_alloc : memref<!tpu.dma_semaphore, #tpu.memory_space<semaphore_mem>>
      %dma_start3A = arith.constant 0 : i32
      %dma_start3A_38 = arith.constant 0 : i32
      %dma_start3A_39 = arith.constant 0 : i32
      %dma_start3A_40 = tpu.memref_slice %arg3[%add3A_20, %dma_start3A, %dma_start3A_38, %dma_start3A_39] : memref<4x16x25x128xi32, #tpu.memory_space<hbm>> -> memref<1x16x25x128xi32, #tpu.memory_space<hbm>>
      %dma_start3A_41 = tpu.memref_squeeze %dma_start3A_40 : memref<1x16x25x128xi32, #tpu.memory_space<hbm>> -> memref<16x25x128xi32, #tpu.memory_space<hbm>>
      %dma_start3A_42 = arith.constant 0 : i32
      %dma_start3A_43 = arith.constant 0 : i32
      %dma_start3A_44 = tpu.memref_slice %dma_start3A_41[%arg1, %dma_start3A_42, %dma_start3A_43] : memref<16x25x128xi32, #tpu.memory_space<hbm>> -> memref<1x25x128xi32, #tpu.memory_space<hbm>>
      %dma_start3A_45 = tpu.memref_squeeze %dma_start3A_44 : memref<1x25x128xi32, #tpu.memory_space<hbm>> -> memref<25x128xi32, #tpu.memory_space<hbm>>
      %dma_start3A_46 = arith.constant 0 : i32
      %dma_start3A_47 = arith.constant 0 : i32
      %dma_start3A_48 = arith.constant 0 : i32
      %dma_start3A_49 = tpu.memref_slice %arg3[%add3A_20, %dma_start3A_46, %dma_start3A_47, %dma_start3A_48] : memref<4x16x25x128xi32, #tpu.memory_space<hbm>> -> memref<1x16x25x128xi32, #tpu.memory_space<hbm>>
      %dma_start3A_50 = tpu.memref_squeeze %dma_start3A_49 : memref<1x16x25x128xi32, #tpu.memory_space<hbm>> -> memref<16x25x128xi32, #tpu.memory_space<hbm>>
      %dma_start3A_51 = arith.constant 0 : i32
      %dma_start3A_52 = arith.constant 0 : i32
      %dma_start3A_53 = tpu.memref_slice %dma_start3A_50[%arg1, %dma_start3A_51, %dma_start3A_52] : memref<16x25x128xi32, #tpu.memory_space<hbm>> -> memref<1x25x128xi32, #tpu.memory_space<hbm>>
      %dma_start3A_54 = tpu.memref_squeeze %dma_start3A_53 : memref<1x25x128xi32, #tpu.memory_space<hbm>> -> memref<25x128xi32, #tpu.memory_space<hbm>>
      tpu.enqueue_dma source(%dma_start3A_54 : memref<25x128xi32, #tpu.memory_space<hbm>>) target(%arg7 : memref<25x128xi32, #tpu.memory_space<vmem>>) target_semaphore(%run_scoped3A : memref<!tpu.dma_semaphore, #tpu.memory_space<semaphore_mem>>)
      %dma_wait3A = arith.constant 0 : i32
      %dma_wait3A_55 = arith.constant 0 : i32
      %dma_wait3A_56 = arith.constant 0 : i32
      %dma_wait3A_57 = tpu.memref_slice %arg3[%add3A_20, %dma_wait3A, %dma_wait3A_55, %dma_wait3A_56] : memref<4x16x25x128xi32, #tpu.memory_space<hbm>> -> memref<1x16x25x128xi32, #tpu.memory_space<hbm>>
      %dma_wait3A_58 = tpu.memref_squeeze %dma_wait3A_57 : memref<1x16x25x128xi32, #tpu.memory_space<hbm>> -> memref<16x25x128xi32, #tpu.memory_space<hbm>>
      %dma_wait3A_59 = arith.constant 0 : i32
      %dma_wait3A_60 = arith.constant 0 : i32
      %dma_wait3A_61 = tpu.memref_slice %dma_wait3A_58[%arg1, %dma_wait3A_59, %dma_wait3A_60] : memref<16x25x128xi32, #tpu.memory_space<hbm>> -> memref<1x25x128xi32, #tpu.memory_space<hbm>>
      %dma_wait3A_62 = tpu.memref_squeeze %dma_wait3A_61 : memref<1x25x128xi32, #tpu.memory_space<hbm>> -> memref<25x128xi32, #tpu.memory_space<hbm>>
      %dma_wait3A_63 = arith.constant 0 : i32
      %dma_wait3A_64 = arith.constant 0 : i32
      %dma_wait3A_65 = arith.constant 0 : i32
      %dma_wait3A_66 = tpu.memref_slice %arg3[%add3A_20, %dma_wait3A_63, %dma_wait3A_64, %dma_wait3A_65] : memref<4x16x25x128xi32, #tpu.memory_space<hbm>> -> memref<1x16x25x128xi32, #tpu.memory_space<hbm>>
      %dma_wait3A_67 = tpu.memref_squeeze %dma_wait3A_66 : memref<1x16x25x128xi32, #tpu.memory_space<hbm>> -> memref<16x25x128xi32, #tpu.memory_space<hbm>>
      %dma_wait3A_68 = arith.constant 0 : i32
      %dma_wait3A_69 = arith.constant 0 : i32
      %dma_wait3A_70 = tpu.memref_slice %dma_wait3A_67[%arg1, %dma_wait3A_68, %dma_wait3A_69] : memref<16x25x128xi32, #tpu.memory_space<hbm>> -> memref<1x25x128xi32, #tpu.memory_space<hbm>>
      %dma_wait3A_71 = tpu.memref_squeeze %dma_wait3A_70 : memref<1x25x128xi32, #tpu.memory_space<hbm>> -> memref<25x128xi32, #tpu.memory_space<hbm>>
      tpu.wait_dma2 semaphore(%run_scoped3A : memref<!tpu.dma_semaphore, #tpu.memory_space<semaphore_mem>>) src(%dma_wait3A_71 : memref<25x128xi32, #tpu.memory_space<hbm>>) dst(%arg7 : memref<25x128xi32, #tpu.memory_space<vmem>>)
      tpu.yield
    }) : () -> ()
    %barrier3A_25 = arith.constant 0 : index
    tpu.barrier barrier_id(%barrier3A_25)
    %scan3A_26 = arith.constant 0 : i32
    %scan3A_27 = arith.constant 0 : i32
    %scan3A_28 = arith.constant 25 : i32
    %scan3A_29 = arith.addi %scan3A_27, %scan3A_28 : i32
    %scan3A_30 = arith.constant 1 : i32
    scf.for %scan3A_38 = %scan3A_27 to %scan3A_29 step %scan3A_30  : i32 {
      %dma_start3A = arith.constant 0 : i32
      %dma_start3A_39 = tpu.memref_slice %arg7[%scan3A_38, %dma_start3A] : memref<25x128xi32, #tpu.memory_space<vmem>> -> memref<1x128xi32, #tpu.memory_space<vmem>>
      %dma_start3A_40 = tpu.memref_squeeze %dma_start3A_39 : memref<1x128xi32, #tpu.memory_space<vmem>> -> memref<128xi32, #tpu.memory_space<vmem>>
      %dma_start3A_41 = arith.constant 0 : i32
      %dma_start3A_42 = arith.constant 0 : i32
      %dma_start3A_43 = tpu.memref_slice %arg2[%dma_start3A_41, %dma_start3A_42] : memref<122880x128xf32, #tpu.memory_space<hbm>> -> memref<122880x128xf32, #tpu.memory_space<hbm>>
      tpu.enqueue_indirect_dma source(%dma_start3A_43 : memref<122880x128xf32, #tpu.memory_space<hbm>>) target(%arg9 : memref<128x128xf32, #tpu.memory_space<vmem>>) offsets(%dma_start3A_40 : memref<128xi32, #tpu.memory_space<vmem>>) semaphore(%arg11 : memref<!tpu.dma_semaphore, #tpu.memory_space<semaphore_mem>>)
      %dma_wait3A = arith.constant 0 : i32
      %dma_wait3A_44 = tpu.memref_slice %arg7[%scan3A_38, %dma_wait3A] : memref<25x128xi32, #tpu.memory_space<vmem>> -> memref<1x128xi32, #tpu.memory_space<vmem>>
      %dma_wait3A_45 = tpu.memref_squeeze %dma_wait3A_44 : memref<1x128xi32, #tpu.memory_space<vmem>> -> memref<128xi32, #tpu.memory_space<vmem>>
      %dma_wait3A_46 = arith.constant 0 : i32
      %dma_wait3A_47 = arith.constant 0 : i32
      %dma_wait3A_48 = tpu.memref_slice %arg2[%dma_wait3A_46, %dma_wait3A_47] : memref<122880x128xf32, #tpu.memory_space<hbm>> -> memref<122880x128xf32, #tpu.memory_space<hbm>>
      tpu.wait_indirect_dma semaphore(%arg11 : memref<!tpu.dma_semaphore, #tpu.memory_space<semaphore_mem>>) src(%dma_wait3A_48 : memref<122880x128xf32, #tpu.memory_space<hbm>>) dst(%arg9 : memref<128x128xf32, #tpu.memory_space<vmem>>)
      "tpu.region"() ({
        %run_scoped3A = tpu.sem_alloc : memref<!tpu.dma_semaphore, #tpu.memory_space<semaphore_mem>>
        %dma_start3A_49 = arith.constant 0 : i32
        %dma_start3A_50 = tpu.memref_slice %arg8[%scan3A_38, %dma_start3A_49] : memref<25x128xi32, #tpu.memory_space<vmem>> -> memref<1x128xi32, #tpu.memory_space<vmem>>
        %dma_start3A_51 = tpu.memref_squeeze %dma_start3A_50 : memref<1x128xi32, #tpu.memory_space<vmem>> -> memref<128xi32, #tpu.memory_space<vmem>>
        %dma_start3A_52 = arith.constant 0 : i32
        %dma_start3A_53 = arith.constant 0 : i32
        %dma_start3A_54 = tpu.memref_slice %arg10[%dma_start3A_52, %dma_start3A_53] : memref<10240x128xf32, #tpu.memory_space<vmem_shared>> -> memref<10240x128xf32, #tpu.memory_space<vmem_shared>>
        tpu.enqueue_indirect_dma source(%arg9 : memref<128x128xf32, #tpu.memory_space<vmem>>) target(%dma_start3A_54 : memref<10240x128xf32, #tpu.memory_space<vmem_shared>>) offsets(%dma_start3A_51 : memref<128xi32, #tpu.memory_space<vmem>>) semaphore(%run_scoped3A : memref<!tpu.dma_semaphore, #tpu.memory_space<semaphore_mem>>) {add = true}
        %dma_wait3A_55 = arith.constant 0 : i32
        %dma_wait3A_56 = tpu.memref_slice %arg8[%scan3A_38, %dma_wait3A_55] : memref<25x128xi32, #tpu.memory_space<vmem>> -> memref<1x128xi32, #tpu.memory_space<vmem>>
        %dma_wait3A_57 = tpu.memref_squeeze %dma_wait3A_56 : memref<1x128xi32, #tpu.memory_space<vmem>> -> memref<128xi32, #tpu.memory_space<vmem>>
        %dma_wait3A_58 = arith.constant 0 : i32
        %dma_wait3A_59 = arith.constant 0 : i32
        %dma_wait3A_60 = tpu.memref_slice %arg10[%dma_wait3A_58, %dma_wait3A_59] : memref<10240x128xf32, #tpu.memory_space<vmem_shared>> -> memref<10240x128xf32, #tpu.memory_space<vmem_shared>>
        tpu.wait_indirect_dma semaphore(%run_scoped3A : memref<!tpu.dma_semaphore, #tpu.memory_space<semaphore_mem>>) src(%arg9 : memref<128x128xf32, #tpu.memory_space<vmem>>) dst(%dma_wait3A_60 : memref<10240x128xf32, #tpu.memory_space<vmem_shared>>)
        tpu.yield
      }) : () -> ()
    }
    %scan3A_31 = arith.constant 25 : i32
    %barrier3A_32 = arith.constant 0 : index
    tpu.barrier barrier_id(%barrier3A_32)
    %mul3A_33 = arith.constant 640 : i32
    %mul3A_34 = arith.muli %arg1, %mul3A_33 : i32
    %mul3A_35 = arith.constant 640 : i32
    %mul3A_36 = arith.muli %arg1, %mul3A_35 : i32
    "tpu.region"() ({
      %run_scoped3A = tpu.sem_alloc : memref<!tpu.dma_semaphore, #tpu.memory_space<semaphore_mem>>
      %dma_start3A = arith.constant 0 : i32
      %dma_start3A_38 = arith.constant 0 : i32
      %dma_start3A_39 = tpu.memref_slice %arg6[%add3A_20, %dma_start3A, %dma_start3A_38] : memref<4x10240x128xf32, #tpu.memory_space<hbm>> -> memref<1x10240x128xf32, #tpu.memory_space<hbm>>
      %dma_start3A_40 = tpu.memref_squeeze %dma_start3A_39 : memref<1x10240x128xf32, #tpu.memory_space<hbm>> -> memref<10240x128xf32, #tpu.memory_space<hbm>>
      %dma_start3A_41 = arith.constant 0 : i32
      %dma_start3A_42 = tpu.memref_slice %dma_start3A_40[%mul3A_36, %dma_start3A_41] : memref<10240x128xf32, #tpu.memory_space<hbm>> -> memref<640x128xf32, #tpu.memory_space<hbm>>
      %dma_start3A_43 = arith.constant 0 : i32
      %dma_start3A_44 = tpu.memref_slice %arg10[%mul3A_34, %dma_start3A_43] : memref<10240x128xf32, #tpu.memory_space<vmem_shared>> -> memref<640x128xf32, #tpu.memory_space<vmem_shared>>
      tpu.enqueue_dma source(%dma_start3A_44 : memref<640x128xf32, #tpu.memory_space<vmem_shared>>) target(%dma_start3A_42 : memref<640x128xf32, #tpu.memory_space<hbm>>) target_semaphore(%run_scoped3A : memref<!tpu.dma_semaphore, #tpu.memory_space<semaphore_mem>>)
      %dma_wait3A = arith.constant 0 : i32
      %dma_wait3A_45 = arith.constant 0 : i32
      %dma_wait3A_46 = tpu.memref_slice %arg6[%add3A_20, %dma_wait3A, %dma_wait3A_45] : memref<4x10240x128xf32, #tpu.memory_space<hbm>> -> memref<1x10240x128xf32, #tpu.memory_space<hbm>>
      %dma_wait3A_47 = tpu.memref_squeeze %dma_wait3A_46 : memref<1x10240x128xf32, #tpu.memory_space<hbm>> -> memref<10240x128xf32, #tpu.memory_space<hbm>>
      %dma_wait3A_48 = arith.constant 0 : i32
      %dma_wait3A_49 = tpu.memref_slice %dma_wait3A_47[%mul3A_36, %dma_wait3A_48] : memref<10240x128xf32, #tpu.memory_space<hbm>> -> memref<640x128xf32, #tpu.memory_space<hbm>>
      %dma_wait3A_50 = arith.constant 0 : i32
      %dma_wait3A_51 = tpu.memref_slice %arg10[%mul3A_34, %dma_wait3A_50] : memref<10240x128xf32, #tpu.memory_space<vmem_shared>> -> memref<640x128xf32, #tpu.memory_space<vmem_shared>>
      tpu.wait_dma2 semaphore(%run_scoped3A : memref<!tpu.dma_semaphore, #tpu.memory_space<semaphore_mem>>) src(%dma_wait3A_51 : memref<640x128xf32, #tpu.memory_space<vmem_shared>>) dst(%dma_wait3A_49 : memref<640x128xf32, #tpu.memory_space<hbm>>)
      tpu.yield
    }) : () -> ()
    %barrier3A_37 = arith.constant 0 : index
    tpu.barrier barrier_id(%barrier3A_37)
    return
  }
}

#map = affine_map<(d0, d1) -> (0, 0, 0)>
#map1 = affine_map<(d0, d1) -> (0, 0)>
module attributes {stable_mosaic.version = 14 : i64} {
  func.func @degree_kernel(%arg0: i32, %arg1: i32, %arg2: memref<16x25x128xi32, #tpu.memory_space<hbm>>, %arg3: memref<128x128xf32, #tpu.memory_space<hbm>>, %arg4: memref<10240x128xf32, #tpu.memory_space<hbm>>, %arg5: memref<10240x128xf32, #tpu.memory_space<hbm>>, %arg6: memref<25x128xi32, #tpu.memory_space<vmem>>, %arg7: memref<128x128xf32, #tpu.memory_space<vmem>>, %arg8: memref<10240x128xf32, #tpu.memory_space<vmem_shared>>) attributes {dimension_semantics = [#tpu.dimension_semantics<core_parallel>, #tpu.dimension_semantics<subcore_parallel>], iteration_bounds = array<i64: 2, 16>, scalar_prefetch = 0 : i64, scratch_operands = 3 : i64, tpu.core_type = #tpu.core_type<sc_vector_subcore>, window_params = [{transform_indices = #map}, {transform_indices = #map1}, {transform_indices = #map1}, {transform_indices = #map1}]} {
    %eq3A = arith.constant 0 : i32
    %eq3A_0 = arith.cmpi eq, %arg0, %eq3A : i32
    %convert_element_type3A = arith.extui %eq3A_0 : i1 to i32
    %cond3A = arith.constant 0 : i32
    %cond3A_1 = arith.cmpi ne, %convert_element_type3A, %cond3A : i32
    scf.if %cond3A_1 {
      "tpu.region"() ({
        %run_scoped3A = tpu.sem_alloc : memref<!tpu.dma_semaphore, #tpu.memory_space<semaphore_mem>>
        %dma_start3A = arith.constant 0 : i32
        %dma_start3A_15 = arith.constant 0 : i32
        %dma_start3A_16 = tpu.memref_slice %arg2[%arg1, %dma_start3A, %dma_start3A_15] : memref<16x25x128xi32, #tpu.memory_space<hbm>> -> memref<1x25x128xi32, #tpu.memory_space<hbm>>
        %dma_start3A_17 = tpu.memref_squeeze %dma_start3A_16 : memref<1x25x128xi32, #tpu.memory_space<hbm>> -> memref<25x128xi32, #tpu.memory_space<hbm>>
        %dma_start3A_18 = arith.constant 0 : i32
        %dma_start3A_19 = arith.constant 0 : i32
        %dma_start3A_20 = tpu.memref_slice %arg2[%arg1, %dma_start3A_18, %dma_start3A_19] : memref<16x25x128xi32, #tpu.memory_space<hbm>> -> memref<1x25x128xi32, #tpu.memory_space<hbm>>
        %dma_start3A_21 = tpu.memref_squeeze %dma_start3A_20 : memref<1x25x128xi32, #tpu.memory_space<hbm>> -> memref<25x128xi32, #tpu.memory_space<hbm>>
        tpu.enqueue_dma source(%dma_start3A_21 : memref<25x128xi32, #tpu.memory_space<hbm>>) target(%arg6 : memref<25x128xi32, #tpu.memory_space<vmem>>) target_semaphore(%run_scoped3A : memref<!tpu.dma_semaphore, #tpu.memory_space<semaphore_mem>>)
        %dma_wait3A = arith.constant 0 : i32
        %dma_wait3A_22 = arith.constant 0 : i32
        %dma_wait3A_23 = tpu.memref_slice %arg2[%arg1, %dma_wait3A, %dma_wait3A_22] : memref<16x25x128xi32, #tpu.memory_space<hbm>> -> memref<1x25x128xi32, #tpu.memory_space<hbm>>
        %dma_wait3A_24 = tpu.memref_squeeze %dma_wait3A_23 : memref<1x25x128xi32, #tpu.memory_space<hbm>> -> memref<25x128xi32, #tpu.memory_space<hbm>>
        %dma_wait3A_25 = arith.constant 0 : i32
        %dma_wait3A_26 = arith.constant 0 : i32
        %dma_wait3A_27 = tpu.memref_slice %arg2[%arg1, %dma_wait3A_25, %dma_wait3A_26] : memref<16x25x128xi32, #tpu.memory_space<hbm>> -> memref<1x25x128xi32, #tpu.memory_space<hbm>>
        %dma_wait3A_28 = tpu.memref_squeeze %dma_wait3A_27 : memref<1x25x128xi32, #tpu.memory_space<hbm>> -> memref<25x128xi32, #tpu.memory_space<hbm>>
        tpu.wait_dma2 semaphore(%run_scoped3A : memref<!tpu.dma_semaphore, #tpu.memory_space<semaphore_mem>>) src(%dma_wait3A_28 : memref<25x128xi32, #tpu.memory_space<hbm>>) dst(%arg6 : memref<25x128xi32, #tpu.memory_space<vmem>>)
        tpu.yield
      }) : () -> ()
      "tpu.region"() ({
        %run_scoped3A = tpu.sem_alloc : memref<!tpu.dma_semaphore, #tpu.memory_space<semaphore_mem>>
        tpu.enqueue_dma source(%arg3 : memref<128x128xf32, #tpu.memory_space<hbm>>) target(%arg7 : memref<128x128xf32, #tpu.memory_space<vmem>>) target_semaphore(%run_scoped3A : memref<!tpu.dma_semaphore, #tpu.memory_space<semaphore_mem>>)
        tpu.wait_dma2 semaphore(%run_scoped3A : memref<!tpu.dma_semaphore, #tpu.memory_space<semaphore_mem>>) src(%arg3 : memref<128x128xf32, #tpu.memory_space<hbm>>) dst(%arg7 : memref<128x128xf32, #tpu.memory_space<vmem>>)
        tpu.yield
      }) : () -> ()
      %mul3A = arith.constant 640 : i32
      %mul3A_2 = arith.muli %arg1, %mul3A : i32
      %mul3A_3 = arith.constant 640 : i32
      %mul3A_4 = arith.muli %arg1, %mul3A_3 : i32
      "tpu.region"() ({
        %run_scoped3A = tpu.sem_alloc : memref<!tpu.dma_semaphore, #tpu.memory_space<semaphore_mem>>
        %dma_start3A = arith.constant 0 : i32
        %dma_start3A_15 = tpu.memref_slice %arg8[%mul3A_4, %dma_start3A] : memref<10240x128xf32, #tpu.memory_space<vmem_shared>> -> memref<640x128xf32, #tpu.memory_space<vmem_shared>>
        %dma_start3A_16 = arith.constant 0 : i32
        %dma_start3A_17 = tpu.memref_slice %arg4[%mul3A_2, %dma_start3A_16] : memref<10240x128xf32, #tpu.memory_space<hbm>> -> memref<640x128xf32, #tpu.memory_space<hbm>>
        tpu.enqueue_dma source(%dma_start3A_17 : memref<640x128xf32, #tpu.memory_space<hbm>>) target(%dma_start3A_15 : memref<640x128xf32, #tpu.memory_space<vmem_shared>>) target_semaphore(%run_scoped3A : memref<!tpu.dma_semaphore, #tpu.memory_space<semaphore_mem>>)
        %dma_wait3A = arith.constant 0 : i32
        %dma_wait3A_18 = tpu.memref_slice %arg8[%mul3A_4, %dma_wait3A] : memref<10240x128xf32, #tpu.memory_space<vmem_shared>> -> memref<640x128xf32, #tpu.memory_space<vmem_shared>>
        %dma_wait3A_19 = arith.constant 0 : i32
        %dma_wait3A_20 = tpu.memref_slice %arg4[%mul3A_2, %dma_wait3A_19] : memref<10240x128xf32, #tpu.memory_space<hbm>> -> memref<640x128xf32, #tpu.memory_space<hbm>>
        tpu.wait_dma2 semaphore(%run_scoped3A : memref<!tpu.dma_semaphore, #tpu.memory_space<semaphore_mem>>) src(%dma_wait3A_20 : memref<640x128xf32, #tpu.memory_space<hbm>>) dst(%dma_wait3A_18 : memref<640x128xf32, #tpu.memory_space<vmem_shared>>)
        tpu.yield
      }) : () -> ()
      %barrier3A = arith.constant 0 : index
      tpu.barrier barrier_id(%barrier3A)
      %scan3A = arith.constant 0 : i32
      %scan3A_5 = arith.constant 0 : i32
      %scan3A_6 = arith.constant 25 : i32
      %scan3A_7 = arith.addi %scan3A_5, %scan3A_6 : i32
      %scan3A_8 = arith.constant 1 : i32
      scf.for %scan3A_15 = %scan3A_5 to %scan3A_7 step %scan3A_8  : i32 {
        "tpu.region"() ({
          %run_scoped3A = tpu.sem_alloc : memref<!tpu.dma_semaphore, #tpu.memory_space<semaphore_mem>>
          %dma_start3A = arith.constant 0 : i32
          %dma_start3A_16 = tpu.memref_slice %arg6[%scan3A_15, %dma_start3A] : memref<25x128xi32, #tpu.memory_space<vmem>> -> memref<1x128xi32, #tpu.memory_space<vmem>>
          %dma_start3A_17 = tpu.memref_squeeze %dma_start3A_16 : memref<1x128xi32, #tpu.memory_space<vmem>> -> memref<128xi32, #tpu.memory_space<vmem>>
          %dma_start3A_18 = arith.constant 0 : i32
          %dma_start3A_19 = arith.constant 0 : i32
          %dma_start3A_20 = tpu.memref_slice %arg8[%dma_start3A_18, %dma_start3A_19] : memref<10240x128xf32, #tpu.memory_space<vmem_shared>> -> memref<10240x128xf32, #tpu.memory_space<vmem_shared>>
          tpu.enqueue_indirect_dma source(%arg7 : memref<128x128xf32, #tpu.memory_space<vmem>>) target(%dma_start3A_20 : memref<10240x128xf32, #tpu.memory_space<vmem_shared>>) offsets(%dma_start3A_17 : memref<128xi32, #tpu.memory_space<vmem>>) semaphore(%run_scoped3A : memref<!tpu.dma_semaphore, #tpu.memory_space<semaphore_mem>>) {add = true}
          %dma_wait3A = arith.constant 0 : i32
          %dma_wait3A_21 = tpu.memref_slice %arg6[%scan3A_15, %dma_wait3A] : memref<25x128xi32, #tpu.memory_space<vmem>> -> memref<1x128xi32, #tpu.memory_space<vmem>>
          %dma_wait3A_22 = tpu.memref_squeeze %dma_wait3A_21 : memref<1x128xi32, #tpu.memory_space<vmem>> -> memref<128xi32, #tpu.memory_space<vmem>>
          %dma_wait3A_23 = arith.constant 0 : i32
          %dma_wait3A_24 = arith.constant 0 : i32
          %dma_wait3A_25 = tpu.memref_slice %arg8[%dma_wait3A_23, %dma_wait3A_24] : memref<10240x128xf32, #tpu.memory_space<vmem_shared>> -> memref<10240x128xf32, #tpu.memory_space<vmem_shared>>
          tpu.wait_indirect_dma semaphore(%run_scoped3A : memref<!tpu.dma_semaphore, #tpu.memory_space<semaphore_mem>>) src(%arg7 : memref<128x128xf32, #tpu.memory_space<vmem>>) dst(%dma_wait3A_25 : memref<10240x128xf32, #tpu.memory_space<vmem_shared>>)
          tpu.yield
        }) : () -> ()
      }
      %scan3A_9 = arith.constant 25 : i32
      %barrier3A_10 = arith.constant 0 : index
      tpu.barrier barrier_id(%barrier3A_10)
      %mul3A_11 = arith.constant 640 : i32
      %mul3A_12 = arith.muli %arg1, %mul3A_11 : i32
      %mul3A_13 = arith.constant 640 : i32
      %mul3A_14 = arith.muli %arg1, %mul3A_13 : i32
      "tpu.region"() ({
        %run_scoped3A = tpu.sem_alloc : memref<!tpu.dma_semaphore, #tpu.memory_space<semaphore_mem>>
        %dma_start3A = arith.constant 0 : i32
        %dma_start3A_15 = tpu.memref_slice %arg5[%mul3A_14, %dma_start3A] : memref<10240x128xf32, #tpu.memory_space<hbm>> -> memref<640x128xf32, #tpu.memory_space<hbm>>
        %dma_start3A_16 = arith.constant 0 : i32
        %dma_start3A_17 = tpu.memref_slice %arg8[%mul3A_12, %dma_start3A_16] : memref<10240x128xf32, #tpu.memory_space<vmem_shared>> -> memref<640x128xf32, #tpu.memory_space<vmem_shared>>
        tpu.enqueue_dma source(%dma_start3A_17 : memref<640x128xf32, #tpu.memory_space<vmem_shared>>) target(%dma_start3A_15 : memref<640x128xf32, #tpu.memory_space<hbm>>) target_semaphore(%run_scoped3A : memref<!tpu.dma_semaphore, #tpu.memory_space<semaphore_mem>>)
        %dma_wait3A = arith.constant 0 : i32
        %dma_wait3A_18 = tpu.memref_slice %arg5[%mul3A_14, %dma_wait3A] : memref<10240x128xf32, #tpu.memory_space<hbm>> -> memref<640x128xf32, #tpu.memory_space<hbm>>
        %dma_wait3A_19 = arith.constant 0 : i32
        %dma_wait3A_20 = tpu.memref_slice %arg8[%mul3A_12, %dma_wait3A_19] : memref<10240x128xf32, #tpu.memory_space<vmem_shared>> -> memref<640x128xf32, #tpu.memory_space<vmem_shared>>
        tpu.wait_dma2 semaphore(%run_scoped3A : memref<!tpu.dma_semaphore, #tpu.memory_space<semaphore_mem>>) src(%dma_wait3A_20 : memref<640x128xf32, #tpu.memory_space<vmem_shared>>) dst(%dma_wait3A_18 : memref<640x128xf32, #tpu.memory_space<hbm>>)
        tpu.yield
      }) : () -> ()
    } else {
    }
    return
  }
}

#map = affine_map<(d0, d1) -> (0, 0)>
#map1 = affine_map<(d0, d1) -> (0, 0, 0, 0)>
#map2 = affine_map<(d0, d1) -> (0, 0, 0)>
module attributes {stable_mosaic.version = 14 : i64} {
  func.func @scatter_kernel(%arg0: i32, %arg1: i32, %arg2: memref<122880x128xf32, #tpu.memory_space<hbm>>, %arg3: memref<4x16x25x128xi32, #tpu.memory_space<hbm>>, %arg4: memref<16x25x128xi32, #tpu.memory_space<hbm>>, %arg5: memref<10240x128xf32, #tpu.memory_space<hbm>>, %arg6: memref<4x10240x128xf32, #tpu.memory_space<hbm>>, %arg7: memref<25x128xi32, #tpu.memory_space<vmem>>, %arg8: memref<25x128xi32, #tpu.memory_space<vmem>>, %arg9: memref<128x128xf32, #tpu.memory_space<vmem>>, %arg10: memref<10240x128xf32, #tpu.memory_space<vmem_shared>>, %arg11: memref<!tpu.dma_semaphore, #tpu.memory_space<semaphore_mem>>) attributes {dimension_semantics = [#tpu.dimension_semantics<core_parallel>, #tpu.dimension_semantics<subcore_parallel>], iteration_bounds = array<i64: 2, 16>, scalar_prefetch = 0 : i64, scratch_operands = 5 : i64, tpu.core_type = #tpu.core_type<sc_vector_subcore>, window_params = [{transform_indices = #map}, {transform_indices = #map1}, {transform_indices = #map2}, {transform_indices = #map}, {transform_indices = #map2}]} {
    "tpu.region"() ({
      %run_scoped3A = tpu.sem_alloc : memref<!tpu.dma_semaphore, #tpu.memory_space<semaphore_mem>>
      %dma_start3A = arith.constant 0 : i32
      %dma_start3A_38 = arith.constant 0 : i32
      %dma_start3A_39 = tpu.memref_slice %arg4[%arg1, %dma_start3A, %dma_start3A_38] : memref<16x25x128xi32, #tpu.memory_space<hbm>> -> memref<1x25x128xi32, #tpu.memory_space<hbm>>
      %dma_start3A_40 = tpu.memref_squeeze %dma_start3A_39 : memref<1x25x128xi32, #tpu.memory_space<hbm>> -> memref<25x128xi32, #tpu.memory_space<hbm>>
      %dma_start3A_41 = arith.constant 0 : i32
      %dma_start3A_42 = arith.constant 0 : i32
      %dma_start3A_43 = tpu.memref_slice %arg4[%arg1, %dma_start3A_41, %dma_start3A_42] : memref<16x25x128xi32, #tpu.memory_space<hbm>> -> memref<1x25x128xi32, #tpu.memory_space<hbm>>
      %dma_start3A_44 = tpu.memref_squeeze %dma_start3A_43 : memref<1x25x128xi32, #tpu.memory_space<hbm>> -> memref<25x128xi32, #tpu.memory_space<hbm>>
      tpu.enqueue_dma source(%dma_start3A_44 : memref<25x128xi32, #tpu.memory_space<hbm>>) target(%arg8 : memref<25x128xi32, #tpu.memory_space<vmem>>) target_semaphore(%run_scoped3A : memref<!tpu.dma_semaphore, #tpu.memory_space<semaphore_mem>>)
      %dma_wait3A = arith.constant 0 : i32
      %dma_wait3A_45 = arith.constant 0 : i32
      %dma_wait3A_46 = tpu.memref_slice %arg4[%arg1, %dma_wait3A, %dma_wait3A_45] : memref<16x25x128xi32, #tpu.memory_space<hbm>> -> memref<1x25x128xi32, #tpu.memory_space<hbm>>
      %dma_wait3A_47 = tpu.memref_squeeze %dma_wait3A_46 : memref<1x25x128xi32, #tpu.memory_space<hbm>> -> memref<25x128xi32, #tpu.memory_space<hbm>>
      %dma_wait3A_48 = arith.constant 0 : i32
      %dma_wait3A_49 = arith.constant 0 : i32
      %dma_wait3A_50 = tpu.memref_slice %arg4[%arg1, %dma_wait3A_48, %dma_wait3A_49] : memref<16x25x128xi32, #tpu.memory_space<hbm>> -> memref<1x25x128xi32, #tpu.memory_space<hbm>>
      %dma_wait3A_51 = tpu.memref_squeeze %dma_wait3A_50 : memref<1x25x128xi32, #tpu.memory_space<hbm>> -> memref<25x128xi32, #tpu.memory_space<hbm>>
      tpu.wait_dma2 semaphore(%run_scoped3A : memref<!tpu.dma_semaphore, #tpu.memory_space<semaphore_mem>>) src(%dma_wait3A_51 : memref<25x128xi32, #tpu.memory_space<hbm>>) dst(%arg8 : memref<25x128xi32, #tpu.memory_space<vmem>>)
      tpu.yield
    }) : () -> ()
    %mul3A = arith.constant 2 : i32
    %mul3A_0 = arith.muli %arg0, %mul3A : i32
    %add3A = arith.constant 0 : i32
    %add3A_1 = arith.addi %mul3A_0, %add3A : i32
    %mul3A_2 = arith.constant 640 : i32
    %mul3A_3 = arith.muli %arg1, %mul3A_2 : i32
    %mul3A_4 = arith.constant 640 : i32
    %mul3A_5 = arith.muli %arg1, %mul3A_4 : i32
    "tpu.region"() ({
      %run_scoped3A = tpu.sem_alloc : memref<!tpu.dma_semaphore, #tpu.memory_space<semaphore_mem>>
      %dma_start3A = arith.constant 0 : i32
      %dma_start3A_38 = tpu.memref_slice %arg10[%mul3A_5, %dma_start3A] : memref<10240x128xf32, #tpu.memory_space<vmem_shared>> -> memref<640x128xf32, #tpu.memory_space<vmem_shared>>
      %dma_start3A_39 = arith.constant 0 : i32
      %dma_start3A_40 = tpu.memref_slice %arg5[%mul3A_3, %dma_start3A_39] : memref<10240x128xf32, #tpu.memory_space<hbm>> -> memref<640x128xf32, #tpu.memory_space<hbm>>
      tpu.enqueue_dma source(%dma_start3A_40 : memref<640x128xf32, #tpu.memory_space<hbm>>) target(%dma_start3A_38 : memref<640x128xf32, #tpu.memory_space<vmem_shared>>) target_semaphore(%run_scoped3A : memref<!tpu.dma_semaphore, #tpu.memory_space<semaphore_mem>>)
      %dma_wait3A = arith.constant 0 : i32
      %dma_wait3A_41 = tpu.memref_slice %arg10[%mul3A_5, %dma_wait3A] : memref<10240x128xf32, #tpu.memory_space<vmem_shared>> -> memref<640x128xf32, #tpu.memory_space<vmem_shared>>
      %dma_wait3A_42 = arith.constant 0 : i32
      %dma_wait3A_43 = tpu.memref_slice %arg5[%mul3A_3, %dma_wait3A_42] : memref<10240x128xf32, #tpu.memory_space<hbm>> -> memref<640x128xf32, #tpu.memory_space<hbm>>
      tpu.wait_dma2 semaphore(%run_scoped3A : memref<!tpu.dma_semaphore, #tpu.memory_space<semaphore_mem>>) src(%dma_wait3A_43 : memref<640x128xf32, #tpu.memory_space<hbm>>) dst(%dma_wait3A_41 : memref<640x128xf32, #tpu.memory_space<vmem_shared>>)
      tpu.yield
    }) : () -> ()
    "tpu.region"() ({
      %run_scoped3A = tpu.sem_alloc : memref<!tpu.dma_semaphore, #tpu.memory_space<semaphore_mem>>
      %dma_start3A = arith.constant 0 : i32
      %dma_start3A_38 = arith.constant 0 : i32
      %dma_start3A_39 = arith.constant 0 : i32
      %dma_start3A_40 = tpu.memref_slice %arg3[%add3A_1, %dma_start3A, %dma_start3A_38, %dma_start3A_39] : memref<4x16x25x128xi32, #tpu.memory_space<hbm>> -> memref<1x16x25x128xi32, #tpu.memory_space<hbm>>
      %dma_start3A_41 = tpu.memref_squeeze %dma_start3A_40 : memref<1x16x25x128xi32, #tpu.memory_space<hbm>> -> memref<16x25x128xi32, #tpu.memory_space<hbm>>
      %dma_start3A_42 = arith.constant 0 : i32
      %dma_start3A_43 = arith.constant 0 : i32
      %dma_start3A_44 = tpu.memref_slice %dma_start3A_41[%arg1, %dma_start3A_42, %dma_start3A_43] : memref<16x25x128xi32, #tpu.memory_space<hbm>> -> memref<1x25x128xi32, #tpu.memory_space<hbm>>
      %dma_start3A_45 = tpu.memref_squeeze %dma_start3A_44 : memref<1x25x128xi32, #tpu.memory_space<hbm>> -> memref<25x128xi32, #tpu.memory_space<hbm>>
      %dma_start3A_46 = arith.constant 0 : i32
      %dma_start3A_47 = arith.constant 0 : i32
      %dma_start3A_48 = arith.constant 0 : i32
      %dma_start3A_49 = tpu.memref_slice %arg3[%add3A_1, %dma_start3A_46, %dma_start3A_47, %dma_start3A_48] : memref<4x16x25x128xi32, #tpu.memory_space<hbm>> -> memref<1x16x25x128xi32, #tpu.memory_space<hbm>>
      %dma_start3A_50 = tpu.memref_squeeze %dma_start3A_49 : memref<1x16x25x128xi32, #tpu.memory_space<hbm>> -> memref<16x25x128xi32, #tpu.memory_space<hbm>>
      %dma_start3A_51 = arith.constant 0 : i32
      %dma_start3A_52 = arith.constant 0 : i32
      %dma_start3A_53 = tpu.memref_slice %dma_start3A_50[%arg1, %dma_start3A_51, %dma_start3A_52] : memref<16x25x128xi32, #tpu.memory_space<hbm>> -> memref<1x25x128xi32, #tpu.memory_space<hbm>>
      %dma_start3A_54 = tpu.memref_squeeze %dma_start3A_53 : memref<1x25x128xi32, #tpu.memory_space<hbm>> -> memref<25x128xi32, #tpu.memory_space<hbm>>
      tpu.enqueue_dma source(%dma_start3A_54 : memref<25x128xi32, #tpu.memory_space<hbm>>) target(%arg7 : memref<25x128xi32, #tpu.memory_space<vmem>>) target_semaphore(%run_scoped3A : memref<!tpu.dma_semaphore, #tpu.memory_space<semaphore_mem>>)
      %dma_wait3A = arith.constant 0 : i32
      %dma_wait3A_55 = arith.constant 0 : i32
      %dma_wait3A_56 = arith.constant 0 : i32
      %dma_wait3A_57 = tpu.memref_slice %arg3[%add3A_1, %dma_wait3A, %dma_wait3A_55, %dma_wait3A_56] : memref<4x16x25x128xi32, #tpu.memory_space<hbm>> -> memref<1x16x25x128xi32, #tpu.memory_space<hbm>>
      %dma_wait3A_58 = tpu.memref_squeeze %dma_wait3A_57 : memref<1x16x25x128xi32, #tpu.memory_space<hbm>> -> memref<16x25x128xi32, #tpu.memory_space<hbm>>
      %dma_wait3A_59 = arith.constant 0 : i32
      %dma_wait3A_60 = arith.constant 0 : i32
      %dma_wait3A_61 = tpu.memref_slice %dma_wait3A_58[%arg1, %dma_wait3A_59, %dma_wait3A_60] : memref<16x25x128xi32, #tpu.memory_space<hbm>> -> memref<1x25x128xi32, #tpu.memory_space<hbm>>
      %dma_wait3A_62 = tpu.memref_squeeze %dma_wait3A_61 : memref<1x25x128xi32, #tpu.memory_space<hbm>> -> memref<25x128xi32, #tpu.memory_space<hbm>>
      %dma_wait3A_63 = arith.constant 0 : i32
      %dma_wait3A_64 = arith.constant 0 : i32
      %dma_wait3A_65 = arith.constant 0 : i32
      %dma_wait3A_66 = tpu.memref_slice %arg3[%add3A_1, %dma_wait3A_63, %dma_wait3A_64, %dma_wait3A_65] : memref<4x16x25x128xi32, #tpu.memory_space<hbm>> -> memref<1x16x25x128xi32, #tpu.memory_space<hbm>>
      %dma_wait3A_67 = tpu.memref_squeeze %dma_wait3A_66 : memref<1x16x25x128xi32, #tpu.memory_space<hbm>> -> memref<16x25x128xi32, #tpu.memory_space<hbm>>
      %dma_wait3A_68 = arith.constant 0 : i32
      %dma_wait3A_69 = arith.constant 0 : i32
      %dma_wait3A_70 = tpu.memref_slice %dma_wait3A_67[%arg1, %dma_wait3A_68, %dma_wait3A_69] : memref<16x25x128xi32, #tpu.memory_space<hbm>> -> memref<1x25x128xi32, #tpu.memory_space<hbm>>
      %dma_wait3A_71 = tpu.memref_squeeze %dma_wait3A_70 : memref<1x25x128xi32, #tpu.memory_space<hbm>> -> memref<25x128xi32, #tpu.memory_space<hbm>>
      tpu.wait_dma2 semaphore(%run_scoped3A : memref<!tpu.dma_semaphore, #tpu.memory_space<semaphore_mem>>) src(%dma_wait3A_71 : memref<25x128xi32, #tpu.memory_space<hbm>>) dst(%arg7 : memref<25x128xi32, #tpu.memory_space<vmem>>)
      tpu.yield
    }) : () -> ()
    %barrier3A = arith.constant 0 : index
    tpu.barrier barrier_id(%barrier3A)
    %scan3A = arith.constant 0 : i32
    %scan3A_6 = arith.constant 0 : i32
    %scan3A_7 = arith.constant 25 : i32
    %scan3A_8 = arith.addi %scan3A_6, %scan3A_7 : i32
    %scan3A_9 = arith.constant 1 : i32
    scf.for %scan3A_38 = %scan3A_6 to %scan3A_8 step %scan3A_9  : i32 {
      %dma_start3A = arith.constant 0 : i32
      %dma_start3A_39 = tpu.memref_slice %arg7[%scan3A_38, %dma_start3A] : memref<25x128xi32, #tpu.memory_space<vmem>> -> memref<1x128xi32, #tpu.memory_space<vmem>>
      %dma_start3A_40 = tpu.memref_squeeze %dma_start3A_39 : memref<1x128xi32, #tpu.memory_space<vmem>> -> memref<128xi32, #tpu.memory_space<vmem>>
      %dma_start3A_41 = arith.constant 0 : i32
      %dma_start3A_42 = arith.constant 0 : i32
      %dma_start3A_43 = tpu.memref_slice %arg2[%dma_start3A_41, %dma_start3A_42] : memref<122880x128xf32, #tpu.memory_space<hbm>> -> memref<122880x128xf32, #tpu.memory_space<hbm>>
      tpu.enqueue_indirect_dma source(%dma_start3A_43 : memref<122880x128xf32, #tpu.memory_space<hbm>>) target(%arg9 : memref<128x128xf32, #tpu.memory_space<vmem>>) offsets(%dma_start3A_40 : memref<128xi32, #tpu.memory_space<vmem>>) semaphore(%arg11 : memref<!tpu.dma_semaphore, #tpu.memory_space<semaphore_mem>>)
      %dma_wait3A = arith.constant 0 : i32
      %dma_wait3A_44 = tpu.memref_slice %arg7[%scan3A_38, %dma_wait3A] : memref<25x128xi32, #tpu.memory_space<vmem>> -> memref<1x128xi32, #tpu.memory_space<vmem>>
      %dma_wait3A_45 = tpu.memref_squeeze %dma_wait3A_44 : memref<1x128xi32, #tpu.memory_space<vmem>> -> memref<128xi32, #tpu.memory_space<vmem>>
      %dma_wait3A_46 = arith.constant 0 : i32
      %dma_wait3A_47 = arith.constant 0 : i32
      %dma_wait3A_48 = tpu.memref_slice %arg2[%dma_wait3A_46, %dma_wait3A_47] : memref<122880x128xf32, #tpu.memory_space<hbm>> -> memref<122880x128xf32, #tpu.memory_space<hbm>>
      tpu.wait_indirect_dma semaphore(%arg11 : memref<!tpu.dma_semaphore, #tpu.memory_space<semaphore_mem>>) src(%dma_wait3A_48 : memref<122880x128xf32, #tpu.memory_space<hbm>>) dst(%arg9 : memref<128x128xf32, #tpu.memory_space<vmem>>)
      "tpu.region"() ({
        %run_scoped3A = tpu.sem_alloc : memref<!tpu.dma_semaphore, #tpu.memory_space<semaphore_mem>>
        %dma_start3A_49 = arith.constant 0 : i32
        %dma_start3A_50 = tpu.memref_slice %arg8[%scan3A_38, %dma_start3A_49] : memref<25x128xi32, #tpu.memory_space<vmem>> -> memref<1x128xi32, #tpu.memory_space<vmem>>
        %dma_start3A_51 = tpu.memref_squeeze %dma_start3A_50 : memref<1x128xi32, #tpu.memory_space<vmem>> -> memref<128xi32, #tpu.memory_space<vmem>>
        %dma_start3A_52 = arith.constant 0 : i32
        %dma_start3A_53 = arith.constant 0 : i32
        %dma_start3A_54 = tpu.memref_slice %arg10[%dma_start3A_52, %dma_start3A_53] : memref<10240x128xf32, #tpu.memory_space<vmem_shared>> -> memref<10240x128xf32, #tpu.memory_space<vmem_shared>>
        tpu.enqueue_indirect_dma source(%arg9 : memref<128x128xf32, #tpu.memory_space<vmem>>) target(%dma_start3A_54 : memref<10240x128xf32, #tpu.memory_space<vmem_shared>>) offsets(%dma_start3A_51 : memref<128xi32, #tpu.memory_space<vmem>>) semaphore(%run_scoped3A : memref<!tpu.dma_semaphore, #tpu.memory_space<semaphore_mem>>) {add = true}
        %dma_wait3A_55 = arith.constant 0 : i32
        %dma_wait3A_56 = tpu.memref_slice %arg8[%scan3A_38, %dma_wait3A_55] : memref<25x128xi32, #tpu.memory_space<vmem>> -> memref<1x128xi32, #tpu.memory_space<vmem>>
        %dma_wait3A_57 = tpu.memref_squeeze %dma_wait3A_56 : memref<1x128xi32, #tpu.memory_space<vmem>> -> memref<128xi32, #tpu.memory_space<vmem>>
        %dma_wait3A_58 = arith.constant 0 : i32
        %dma_wait3A_59 = arith.constant 0 : i32
        %dma_wait3A_60 = tpu.memref_slice %arg10[%dma_wait3A_58, %dma_wait3A_59] : memref<10240x128xf32, #tpu.memory_space<vmem_shared>> -> memref<10240x128xf32, #tpu.memory_space<vmem_shared>>
        tpu.wait_indirect_dma semaphore(%run_scoped3A : memref<!tpu.dma_semaphore, #tpu.memory_space<semaphore_mem>>) src(%arg9 : memref<128x128xf32, #tpu.memory_space<vmem>>) dst(%dma_wait3A_60 : memref<10240x128xf32, #tpu.memory_space<vmem_shared>>)
        tpu.yield
      }) : () -> ()
    }
    %scan3A_10 = arith.constant 25 : i32
    %barrier3A_11 = arith.constant 0 : index
    tpu.barrier barrier_id(%barrier3A_11)
    %mul3A_12 = arith.constant 640 : i32
    %mul3A_13 = arith.muli %arg1, %mul3A_12 : i32
    %mul3A_14 = arith.constant 640 : i32
    %mul3A_15 = arith.muli %arg1, %mul3A_14 : i32
    "tpu.region"() ({
      %run_scoped3A = tpu.sem_alloc : memref<!tpu.dma_semaphore, #tpu.memory_space<semaphore_mem>>
      %dma_start3A = arith.constant 0 : i32
      %dma_start3A_38 = arith.constant 0 : i32
      %dma_start3A_39 = tpu.memref_slice %arg6[%add3A_1, %dma_start3A, %dma_start3A_38] : memref<4x10240x128xf32, #tpu.memory_space<hbm>> -> memref<1x10240x128xf32, #tpu.memory_space<hbm>>
      %dma_start3A_40 = tpu.memref_squeeze %dma_start3A_39 : memref<1x10240x128xf32, #tpu.memory_space<hbm>> -> memref<10240x128xf32, #tpu.memory_space<hbm>>
      %dma_start3A_41 = arith.constant 0 : i32
      %dma_start3A_42 = tpu.memref_slice %dma_start3A_40[%mul3A_15, %dma_start3A_41] : memref<10240x128xf32, #tpu.memory_space<hbm>> -> memref<640x128xf32, #tpu.memory_space<hbm>>
      %dma_start3A_43 = arith.constant 0 : i32
      %dma_start3A_44 = tpu.memref_slice %arg10[%mul3A_13, %dma_start3A_43] : memref<10240x128xf32, #tpu.memory_space<vmem_shared>> -> memref<640x128xf32, #tpu.memory_space<vmem_shared>>
      tpu.enqueue_dma source(%dma_start3A_44 : memref<640x128xf32, #tpu.memory_space<vmem_shared>>) target(%dma_start3A_42 : memref<640x128xf32, #tpu.memory_space<hbm>>) target_semaphore(%run_scoped3A : memref<!tpu.dma_semaphore, #tpu.memory_space<semaphore_mem>>)
      %dma_wait3A = arith.constant 0 : i32
      %dma_wait3A_45 = arith.constant 0 : i32
      %dma_wait3A_46 = tpu.memref_slice %arg6[%add3A_1, %dma_wait3A, %dma_wait3A_45] : memref<4x10240x128xf32, #tpu.memory_space<hbm>> -> memref<1x10240x128xf32, #tpu.memory_space<hbm>>
      %dma_wait3A_47 = tpu.memref_squeeze %dma_wait3A_46 : memref<1x10240x128xf32, #tpu.memory_space<hbm>> -> memref<10240x128xf32, #tpu.memory_space<hbm>>
      %dma_wait3A_48 = arith.constant 0 : i32
      %dma_wait3A_49 = tpu.memref_slice %dma_wait3A_47[%mul3A_15, %dma_wait3A_48] : memref<10240x128xf32, #tpu.memory_space<hbm>> -> memref<640x128xf32, #tpu.memory_space<hbm>>
      %dma_wait3A_50 = arith.constant 0 : i32
      %dma_wait3A_51 = tpu.memref_slice %arg10[%mul3A_13, %dma_wait3A_50] : memref<10240x128xf32, #tpu.memory_space<vmem_shared>> -> memref<640x128xf32, #tpu.memory_space<vmem_shared>>
      tpu.wait_dma2 semaphore(%run_scoped3A : memref<!tpu.dma_semaphore, #tpu.memory_space<semaphore_mem>>) src(%dma_wait3A_51 : memref<640x128xf32, #tpu.memory_space<vmem_shared>>) dst(%dma_wait3A_49 : memref<640x128xf32, #tpu.memory_space<hbm>>)
      tpu.yield
    }) : () -> ()
    %barrier3A_16 = arith.constant 0 : index
    tpu.barrier barrier_id(%barrier3A_16)
    %mul3A_17 = arith.constant 2 : i32
    %mul3A_18 = arith.muli %arg0, %mul3A_17 : i32
    %add3A_19 = arith.constant 1 : i32
    %add3A_20 = arith.addi %mul3A_18, %add3A_19 : i32
    %mul3A_21 = arith.constant 640 : i32
    %mul3A_22 = arith.muli %arg1, %mul3A_21 : i32
    %mul3A_23 = arith.constant 640 : i32
    %mul3A_24 = arith.muli %arg1, %mul3A_23 : i32
    "tpu.region"() ({
      %run_scoped3A = tpu.sem_alloc : memref<!tpu.dma_semaphore, #tpu.memory_space<semaphore_mem>>
      %dma_start3A = arith.constant 0 : i32
      %dma_start3A_38 = tpu.memref_slice %arg10[%mul3A_24, %dma_start3A] : memref<10240x128xf32, #tpu.memory_space<vmem_shared>> -> memref<640x128xf32, #tpu.memory_space<vmem_shared>>
      %dma_start3A_39 = arith.constant 0 : i32
      %dma_start3A_40 = tpu.memref_slice %arg5[%mul3A_22, %dma_start3A_39] : memref<10240x128xf32, #tpu.memory_space<hbm>> -> memref<640x128xf32, #tpu.memory_space<hbm>>
      tpu.enqueue_dma source(%dma_start3A_40 : memref<640x128xf32, #tpu.memory_space<hbm>>) target(%dma_start3A_38 : memref<640x128xf32, #tpu.memory_space<vmem_shared>>) target_semaphore(%run_scoped3A : memref<!tpu.dma_semaphore, #tpu.memory_space<semaphore_mem>>)
      %dma_wait3A = arith.constant 0 : i32
      %dma_wait3A_41 = tpu.memref_slice %arg10[%mul3A_24, %dma_wait3A] : memref<10240x128xf32, #tpu.memory_space<vmem_shared>> -> memref<640x128xf32, #tpu.memory_space<vmem_shared>>
      %dma_wait3A_42 = arith.constant 0 : i32
      %dma_wait3A_43 = tpu.memref_slice %arg5[%mul3A_22, %dma_wait3A_42] : memref<10240x128xf32, #tpu.memory_space<hbm>> -> memref<640x128xf32, #tpu.memory_space<hbm>>
      tpu.wait_dma2 semaphore(%run_scoped3A : memref<!tpu.dma_semaphore, #tpu.memory_space<semaphore_mem>>) src(%dma_wait3A_43 : memref<640x128xf32, #tpu.memory_space<hbm>>) dst(%dma_wait3A_41 : memref<640x128xf32, #tpu.memory_space<vmem_shared>>)
      tpu.yield
    }) : () -> ()
    "tpu.region"() ({
      %run_scoped3A = tpu.sem_alloc : memref<!tpu.dma_semaphore, #tpu.memory_space<semaphore_mem>>
      %dma_start3A = arith.constant 0 : i32
      %dma_start3A_38 = arith.constant 0 : i32
      %dma_start3A_39 = arith.constant 0 : i32
      %dma_start3A_40 = tpu.memref_slice %arg3[%add3A_20, %dma_start3A, %dma_start3A_38, %dma_start3A_39] : memref<4x16x25x128xi32, #tpu.memory_space<hbm>> -> memref<1x16x25x128xi32, #tpu.memory_space<hbm>>
      %dma_start3A_41 = tpu.memref_squeeze %dma_start3A_40 : memref<1x16x25x128xi32, #tpu.memory_space<hbm>> -> memref<16x25x128xi32, #tpu.memory_space<hbm>>
      %dma_start3A_42 = arith.constant 0 : i32
      %dma_start3A_43 = arith.constant 0 : i32
      %dma_start3A_44 = tpu.memref_slice %dma_start3A_41[%arg1, %dma_start3A_42, %dma_start3A_43] : memref<16x25x128xi32, #tpu.memory_space<hbm>> -> memref<1x25x128xi32, #tpu.memory_space<hbm>>
      %dma_start3A_45 = tpu.memref_squeeze %dma_start3A_44 : memref<1x25x128xi32, #tpu.memory_space<hbm>> -> memref<25x128xi32, #tpu.memory_space<hbm>>
      %dma_start3A_46 = arith.constant 0 : i32
      %dma_start3A_47 = arith.constant 0 : i32
      %dma_start3A_48 = arith.constant 0 : i32
      %dma_start3A_49 = tpu.memref_slice %arg3[%add3A_20, %dma_start3A_46, %dma_start3A_47, %dma_start3A_48] : memref<4x16x25x128xi32, #tpu.memory_space<hbm>> -> memref<1x16x25x128xi32, #tpu.memory_space<hbm>>
      %dma_start3A_50 = tpu.memref_squeeze %dma_start3A_49 : memref<1x16x25x128xi32, #tpu.memory_space<hbm>> -> memref<16x25x128xi32, #tpu.memory_space<hbm>>
      %dma_start3A_51 = arith.constant 0 : i32
      %dma_start3A_52 = arith.constant 0 : i32
      %dma_start3A_53 = tpu.memref_slice %dma_start3A_50[%arg1, %dma_start3A_51, %dma_start3A_52] : memref<16x25x128xi32, #tpu.memory_space<hbm>> -> memref<1x25x128xi32, #tpu.memory_space<hbm>>
      %dma_start3A_54 = tpu.memref_squeeze %dma_start3A_53 : memref<1x25x128xi32, #tpu.memory_space<hbm>> -> memref<25x128xi32, #tpu.memory_space<hbm>>
      tpu.enqueue_dma source(%dma_start3A_54 : memref<25x128xi32, #tpu.memory_space<hbm>>) target(%arg7 : memref<25x128xi32, #tpu.memory_space<vmem>>) target_semaphore(%run_scoped3A : memref<!tpu.dma_semaphore, #tpu.memory_space<semaphore_mem>>)
      %dma_wait3A = arith.constant 0 : i32
      %dma_wait3A_55 = arith.constant 0 : i32
      %dma_wait3A_56 = arith.constant 0 : i32
      %dma_wait3A_57 = tpu.memref_slice %arg3[%add3A_20, %dma_wait3A, %dma_wait3A_55, %dma_wait3A_56] : memref<4x16x25x128xi32, #tpu.memory_space<hbm>> -> memref<1x16x25x128xi32, #tpu.memory_space<hbm>>
      %dma_wait3A_58 = tpu.memref_squeeze %dma_wait3A_57 : memref<1x16x25x128xi32, #tpu.memory_space<hbm>> -> memref<16x25x128xi32, #tpu.memory_space<hbm>>
      %dma_wait3A_59 = arith.constant 0 : i32
      %dma_wait3A_60 = arith.constant 0 : i32
      %dma_wait3A_61 = tpu.memref_slice %dma_wait3A_58[%arg1, %dma_wait3A_59, %dma_wait3A_60] : memref<16x25x128xi32, #tpu.memory_space<hbm>> -> memref<1x25x128xi32, #tpu.memory_space<hbm>>
      %dma_wait3A_62 = tpu.memref_squeeze %dma_wait3A_61 : memref<1x25x128xi32, #tpu.memory_space<hbm>> -> memref<25x128xi32, #tpu.memory_space<hbm>>
      %dma_wait3A_63 = arith.constant 0 : i32
      %dma_wait3A_64 = arith.constant 0 : i32
      %dma_wait3A_65 = arith.constant 0 : i32
      %dma_wait3A_66 = tpu.memref_slice %arg3[%add3A_20, %dma_wait3A_63, %dma_wait3A_64, %dma_wait3A_65] : memref<4x16x25x128xi32, #tpu.memory_space<hbm>> -> memref<1x16x25x128xi32, #tpu.memory_space<hbm>>
      %dma_wait3A_67 = tpu.memref_squeeze %dma_wait3A_66 : memref<1x16x25x128xi32, #tpu.memory_space<hbm>> -> memref<16x25x128xi32, #tpu.memory_space<hbm>>
      %dma_wait3A_68 = arith.constant 0 : i32
      %dma_wait3A_69 = arith.constant 0 : i32
      %dma_wait3A_70 = tpu.memref_slice %dma_wait3A_67[%arg1, %dma_wait3A_68, %dma_wait3A_69] : memref<16x25x128xi32, #tpu.memory_space<hbm>> -> memref<1x25x128xi32, #tpu.memory_space<hbm>>
      %dma_wait3A_71 = tpu.memref_squeeze %dma_wait3A_70 : memref<1x25x128xi32, #tpu.memory_space<hbm>> -> memref<25x128xi32, #tpu.memory_space<hbm>>
      tpu.wait_dma2 semaphore(%run_scoped3A : memref<!tpu.dma_semaphore, #tpu.memory_space<semaphore_mem>>) src(%dma_wait3A_71 : memref<25x128xi32, #tpu.memory_space<hbm>>) dst(%arg7 : memref<25x128xi32, #tpu.memory_space<vmem>>)
      tpu.yield
    }) : () -> ()
    %barrier3A_25 = arith.constant 0 : index
    tpu.barrier barrier_id(%barrier3A_25)
    %scan3A_26 = arith.constant 0 : i32
    %scan3A_27 = arith.constant 0 : i32
    %scan3A_28 = arith.constant 25 : i32
    %scan3A_29 = arith.addi %scan3A_27, %scan3A_28 : i32
    %scan3A_30 = arith.constant 1 : i32
    scf.for %scan3A_38 = %scan3A_27 to %scan3A_29 step %scan3A_30  : i32 {
      %dma_start3A = arith.constant 0 : i32
      %dma_start3A_39 = tpu.memref_slice %arg7[%scan3A_38, %dma_start3A] : memref<25x128xi32, #tpu.memory_space<vmem>> -> memref<1x128xi32, #tpu.memory_space<vmem>>
      %dma_start3A_40 = tpu.memref_squeeze %dma_start3A_39 : memref<1x128xi32, #tpu.memory_space<vmem>> -> memref<128xi32, #tpu.memory_space<vmem>>
      %dma_start3A_41 = arith.constant 0 : i32
      %dma_start3A_42 = arith.constant 0 : i32
      %dma_start3A_43 = tpu.memref_slice %arg2[%dma_start3A_41, %dma_start3A_42] : memref<122880x128xf32, #tpu.memory_space<hbm>> -> memref<122880x128xf32, #tpu.memory_space<hbm>>
      tpu.enqueue_indirect_dma source(%dma_start3A_43 : memref<122880x128xf32, #tpu.memory_space<hbm>>) target(%arg9 : memref<128x128xf32, #tpu.memory_space<vmem>>) offsets(%dma_start3A_40 : memref<128xi32, #tpu.memory_space<vmem>>) semaphore(%arg11 : memref<!tpu.dma_semaphore, #tpu.memory_space<semaphore_mem>>)
      %dma_wait3A = arith.constant 0 : i32
      %dma_wait3A_44 = tpu.memref_slice %arg7[%scan3A_38, %dma_wait3A] : memref<25x128xi32, #tpu.memory_space<vmem>> -> memref<1x128xi32, #tpu.memory_space<vmem>>
      %dma_wait3A_45 = tpu.memref_squeeze %dma_wait3A_44 : memref<1x128xi32, #tpu.memory_space<vmem>> -> memref<128xi32, #tpu.memory_space<vmem>>
      %dma_wait3A_46 = arith.constant 0 : i32
      %dma_wait3A_47 = arith.constant 0 : i32
      %dma_wait3A_48 = tpu.memref_slice %arg2[%dma_wait3A_46, %dma_wait3A_47] : memref<122880x128xf32, #tpu.memory_space<hbm>> -> memref<122880x128xf32, #tpu.memory_space<hbm>>
      tpu.wait_indirect_dma semaphore(%arg11 : memref<!tpu.dma_semaphore, #tpu.memory_space<semaphore_mem>>) src(%dma_wait3A_48 : memref<122880x128xf32, #tpu.memory_space<hbm>>) dst(%arg9 : memref<128x128xf32, #tpu.memory_space<vmem>>)
      "tpu.region"() ({
        %run_scoped3A = tpu.sem_alloc : memref<!tpu.dma_semaphore, #tpu.memory_space<semaphore_mem>>
        %dma_start3A_49 = arith.constant 0 : i32
        %dma_start3A_50 = tpu.memref_slice %arg8[%scan3A_38, %dma_start3A_49] : memref<25x128xi32, #tpu.memory_space<vmem>> -> memref<1x128xi32, #tpu.memory_space<vmem>>
        %dma_start3A_51 = tpu.memref_squeeze %dma_start3A_50 : memref<1x128xi32, #tpu.memory_space<vmem>> -> memref<128xi32, #tpu.memory_space<vmem>>
        %dma_start3A_52 = arith.constant 0 : i32
        %dma_start3A_53 = arith.constant 0 : i32
        %dma_start3A_54 = tpu.memref_slice %arg10[%dma_start3A_52, %dma_start3A_53] : memref<10240x128xf32, #tpu.memory_space<vmem_shared>> -> memref<10240x128xf32, #tpu.memory_space<vmem_shared>>
        tpu.enqueue_indirect_dma source(%arg9 : memref<128x128xf32, #tpu.memory_space<vmem>>) target(%dma_start3A_54 : memref<10240x128xf32, #tpu.memory_space<vmem_shared>>) offsets(%dma_start3A_51 : memref<128xi32, #tpu.memory_space<vmem>>) semaphore(%run_scoped3A : memref<!tpu.dma_semaphore, #tpu.memory_space<semaphore_mem>>) {add = true}
        %dma_wait3A_55 = arith.constant 0 : i32
        %dma_wait3A_56 = tpu.memref_slice %arg8[%scan3A_38, %dma_wait3A_55] : memref<25x128xi32, #tpu.memory_space<vmem>> -> memref<1x128xi32, #tpu.memory_space<vmem>>
        %dma_wait3A_57 = tpu.memref_squeeze %dma_wait3A_56 : memref<1x128xi32, #tpu.memory_space<vmem>> -> memref<128xi32, #tpu.memory_space<vmem>>
        %dma_wait3A_58 = arith.constant 0 : i32
        %dma_wait3A_59 = arith.constant 0 : i32
        %dma_wait3A_60 = tpu.memref_slice %arg10[%dma_wait3A_58, %dma_wait3A_59] : memref<10240x128xf32, #tpu.memory_space<vmem_shared>> -> memref<10240x128xf32, #tpu.memory_space<vmem_shared>>
        tpu.wait_indirect_dma semaphore(%run_scoped3A : memref<!tpu.dma_semaphore, #tpu.memory_space<semaphore_mem>>) src(%arg9 : memref<128x128xf32, #tpu.memory_space<vmem>>) dst(%dma_wait3A_60 : memref<10240x128xf32, #tpu.memory_space<vmem_shared>>)
        tpu.yield
      }) : () -> ()
    }
    %scan3A_31 = arith.constant 25 : i32
    %barrier3A_32 = arith.constant 0 : index
    tpu.barrier barrier_id(%barrier3A_32)
    %mul3A_33 = arith.constant 640 : i32
    %mul3A_34 = arith.muli %arg1, %mul3A_33 : i32
    %mul3A_35 = arith.constant 640 : i32
    %mul3A_36 = arith.muli %arg1, %mul3A_35 : i32
    "tpu.region"() ({
      %run_scoped3A = tpu.sem_alloc : memref<!tpu.dma_semaphore, #tpu.memory_space<semaphore_mem>>
      %dma_start3A = arith.constant 0 : i32
      %dma_start3A_38 = arith.constant 0 : i32
      %dma_start3A_39 = tpu.memref_slice %arg6[%add3A_20, %dma_start3A, %dma_start3A_38] : memref<4x10240x128xf32, #tpu.memory_space<hbm>> -> memref<1x10240x128xf32, #tpu.memory_space<hbm>>
      %dma_start3A_40 = tpu.memref_squeeze %dma_start3A_39 : memref<1x10240x128xf32, #tpu.memory_space<hbm>> -> memref<10240x128xf32, #tpu.memory_space<hbm>>
      %dma_start3A_41 = arith.constant 0 : i32
      %dma_start3A_42 = tpu.memref_slice %dma_start3A_40[%mul3A_36, %dma_start3A_41] : memref<10240x128xf32, #tpu.memory_space<hbm>> -> memref<640x128xf32, #tpu.memory_space<hbm>>
      %dma_start3A_43 = arith.constant 0 : i32
      %dma_start3A_44 = tpu.memref_slice %arg10[%mul3A_34, %dma_start3A_43] : memref<10240x128xf32, #tpu.memory_space<vmem_shared>> -> memref<640x128xf32, #tpu.memory_space<vmem_shared>>
      tpu.enqueue_dma source(%dma_start3A_44 : memref<640x128xf32, #tpu.memory_space<vmem_shared>>) target(%dma_start3A_42 : memref<640x128xf32, #tpu.memory_space<hbm>>) target_semaphore(%run_scoped3A : memref<!tpu.dma_semaphore, #tpu.memory_space<semaphore_mem>>)
      %dma_wait3A = arith.constant 0 : i32
      %dma_wait3A_45 = arith.constant 0 : i32
      %dma_wait3A_46 = tpu.memref_slice %arg6[%add3A_20, %dma_wait3A, %dma_wait3A_45] : memref<4x10240x128xf32, #tpu.memory_space<hbm>> -> memref<1x10240x128xf32, #tpu.memory_space<hbm>>
      %dma_wait3A_47 = tpu.memref_squeeze %dma_wait3A_46 : memref<1x10240x128xf32, #tpu.memory_space<hbm>> -> memref<10240x128xf32, #tpu.memory_space<hbm>>
      %dma_wait3A_48 = arith.constant 0 : i32
      %dma_wait3A_49 = tpu.memref_slice %dma_wait3A_47[%mul3A_36, %dma_wait3A_48] : memref<10240x128xf32, #tpu.memory_space<hbm>> -> memref<640x128xf32, #tpu.memory_space<hbm>>
      %dma_wait3A_50 = arith.constant 0 : i32
      %dma_wait3A_51 = tpu.memref_slice %arg10[%mul3A_34, %dma_wait3A_50] : memref<10240x128xf32, #tpu.memory_space<vmem_shared>> -> memref<640x128xf32, #tpu.memory_space<vmem_shared>>
      tpu.wait_dma2 semaphore(%run_scoped3A : memref<!tpu.dma_semaphore, #tpu.memory_space<semaphore_mem>>) src(%dma_wait3A_51 : memref<640x128xf32, #tpu.memory_space<vmem_shared>>) dst(%dma_wait3A_49 : memref<640x128xf32, #tpu.memory_space<hbm>>)
      tpu.yield
    }) : () -> ()
    %barrier3A_37 = arith.constant 0 : index
    tpu.barrier barrier_id(%barrier3A_37)
    return
  }
}

#map = affine_map<(d0, d1) -> (0, 0)>
#map1 = affine_map<(d0, d1) -> (0, 0, 0, 0)>
#map2 = affine_map<(d0, d1) -> (0, 0, 0)>
module attributes {stable_mosaic.version = 14 : i64} {
  func.func @scatter_kernel(%arg0: i32, %arg1: i32, %arg2: memref<122880x128xf32, #tpu.memory_space<hbm>>, %arg3: memref<4x16x25x128xi32, #tpu.memory_space<hbm>>, %arg4: memref<16x25x128xi32, #tpu.memory_space<hbm>>, %arg5: memref<10240x128xf32, #tpu.memory_space<hbm>>, %arg6: memref<4x10240x128xf32, #tpu.memory_space<hbm>>, %arg7: memref<25x128xi32, #tpu.memory_space<vmem>>, %arg8: memref<25x128xi32, #tpu.memory_space<vmem>>, %arg9: memref<128x128xf32, #tpu.memory_space<vmem>>, %arg10: memref<10240x128xf32, #tpu.memory_space<vmem_shared>>, %arg11: memref<!tpu.dma_semaphore, #tpu.memory_space<semaphore_mem>>) attributes {dimension_semantics = [#tpu.dimension_semantics<core_parallel>, #tpu.dimension_semantics<subcore_parallel>], iteration_bounds = array<i64: 2, 16>, scalar_prefetch = 0 : i64, scratch_operands = 5 : i64, tpu.core_type = #tpu.core_type<sc_vector_subcore>, window_params = [{transform_indices = #map}, {transform_indices = #map1}, {transform_indices = #map2}, {transform_indices = #map}, {transform_indices = #map2}]} {
    "tpu.region"() ({
      %run_scoped3A = tpu.sem_alloc : memref<!tpu.dma_semaphore, #tpu.memory_space<semaphore_mem>>
      %dma_start3A = arith.constant 0 : i32
      %dma_start3A_38 = arith.constant 0 : i32
      %dma_start3A_39 = tpu.memref_slice %arg4[%arg1, %dma_start3A, %dma_start3A_38] : memref<16x25x128xi32, #tpu.memory_space<hbm>> -> memref<1x25x128xi32, #tpu.memory_space<hbm>>
      %dma_start3A_40 = tpu.memref_squeeze %dma_start3A_39 : memref<1x25x128xi32, #tpu.memory_space<hbm>> -> memref<25x128xi32, #tpu.memory_space<hbm>>
      %dma_start3A_41 = arith.constant 0 : i32
      %dma_start3A_42 = arith.constant 0 : i32
      %dma_start3A_43 = tpu.memref_slice %arg4[%arg1, %dma_start3A_41, %dma_start3A_42] : memref<16x25x128xi32, #tpu.memory_space<hbm>> -> memref<1x25x128xi32, #tpu.memory_space<hbm>>
      %dma_start3A_44 = tpu.memref_squeeze %dma_start3A_43 : memref<1x25x128xi32, #tpu.memory_space<hbm>> -> memref<25x128xi32, #tpu.memory_space<hbm>>
      tpu.enqueue_dma source(%dma_start3A_44 : memref<25x128xi32, #tpu.memory_space<hbm>>) target(%arg8 : memref<25x128xi32, #tpu.memory_space<vmem>>) target_semaphore(%run_scoped3A : memref<!tpu.dma_semaphore, #tpu.memory_space<semaphore_mem>>)
      %dma_wait3A = arith.constant 0 : i32
      %dma_wait3A_45 = arith.constant 0 : i32
      %dma_wait3A_46 = tpu.memref_slice %arg4[%arg1, %dma_wait3A, %dma_wait3A_45] : memref<16x25x128xi32, #tpu.memory_space<hbm>> -> memref<1x25x128xi32, #tpu.memory_space<hbm>>
      %dma_wait3A_47 = tpu.memref_squeeze %dma_wait3A_46 : memref<1x25x128xi32, #tpu.memory_space<hbm>> -> memref<25x128xi32, #tpu.memory_space<hbm>>
      %dma_wait3A_48 = arith.constant 0 : i32
      %dma_wait3A_49 = arith.constant 0 : i32
      %dma_wait3A_50 = tpu.memref_slice %arg4[%arg1, %dma_wait3A_48, %dma_wait3A_49] : memref<16x25x128xi32, #tpu.memory_space<hbm>> -> memref<1x25x128xi32, #tpu.memory_space<hbm>>
      %dma_wait3A_51 = tpu.memref_squeeze %dma_wait3A_50 : memref<1x25x128xi32, #tpu.memory_space<hbm>> -> memref<25x128xi32, #tpu.memory_space<hbm>>
      tpu.wait_dma2 semaphore(%run_scoped3A : memref<!tpu.dma_semaphore, #tpu.memory_space<semaphore_mem>>) src(%dma_wait3A_51 : memref<25x128xi32, #tpu.memory_space<hbm>>) dst(%arg8 : memref<25x128xi32, #tpu.memory_space<vmem>>)
      tpu.yield
    }) : () -> ()
    %mul3A = arith.constant 2 : i32
    %mul3A_0 = arith.muli %arg0, %mul3A : i32
    %add3A = arith.constant 0 : i32
    %add3A_1 = arith.addi %mul3A_0, %add3A : i32
    %mul3A_2 = arith.constant 640 : i32
    %mul3A_3 = arith.muli %arg1, %mul3A_2 : i32
    %mul3A_4 = arith.constant 640 : i32
    %mul3A_5 = arith.muli %arg1, %mul3A_4 : i32
    "tpu.region"() ({
      %run_scoped3A = tpu.sem_alloc : memref<!tpu.dma_semaphore, #tpu.memory_space<semaphore_mem>>
      %dma_start3A = arith.constant 0 : i32
      %dma_start3A_38 = tpu.memref_slice %arg10[%mul3A_5, %dma_start3A] : memref<10240x128xf32, #tpu.memory_space<vmem_shared>> -> memref<640x128xf32, #tpu.memory_space<vmem_shared>>
      %dma_start3A_39 = arith.constant 0 : i32
      %dma_start3A_40 = tpu.memref_slice %arg5[%mul3A_3, %dma_start3A_39] : memref<10240x128xf32, #tpu.memory_space<hbm>> -> memref<640x128xf32, #tpu.memory_space<hbm>>
      tpu.enqueue_dma source(%dma_start3A_40 : memref<640x128xf32, #tpu.memory_space<hbm>>) target(%dma_start3A_38 : memref<640x128xf32, #tpu.memory_space<vmem_shared>>) target_semaphore(%run_scoped3A : memref<!tpu.dma_semaphore, #tpu.memory_space<semaphore_mem>>)
      %dma_wait3A = arith.constant 0 : i32
      %dma_wait3A_41 = tpu.memref_slice %arg10[%mul3A_5, %dma_wait3A] : memref<10240x128xf32, #tpu.memory_space<vmem_shared>> -> memref<640x128xf32, #tpu.memory_space<vmem_shared>>
      %dma_wait3A_42 = arith.constant 0 : i32
      %dma_wait3A_43 = tpu.memref_slice %arg5[%mul3A_3, %dma_wait3A_42] : memref<10240x128xf32, #tpu.memory_space<hbm>> -> memref<640x128xf32, #tpu.memory_space<hbm>>
      tpu.wait_dma2 semaphore(%run_scoped3A : memref<!tpu.dma_semaphore, #tpu.memory_space<semaphore_mem>>) src(%dma_wait3A_43 : memref<640x128xf32, #tpu.memory_space<hbm>>) dst(%dma_wait3A_41 : memref<640x128xf32, #tpu.memory_space<vmem_shared>>)
      tpu.yield
    }) : () -> ()
    "tpu.region"() ({
      %run_scoped3A = tpu.sem_alloc : memref<!tpu.dma_semaphore, #tpu.memory_space<semaphore_mem>>
      %dma_start3A = arith.constant 0 : i32
      %dma_start3A_38 = arith.constant 0 : i32
      %dma_start3A_39 = arith.constant 0 : i32
      %dma_start3A_40 = tpu.memref_slice %arg3[%add3A_1, %dma_start3A, %dma_start3A_38, %dma_start3A_39] : memref<4x16x25x128xi32, #tpu.memory_space<hbm>> -> memref<1x16x25x128xi32, #tpu.memory_space<hbm>>
      %dma_start3A_41 = tpu.memref_squeeze %dma_start3A_40 : memref<1x16x25x128xi32, #tpu.memory_space<hbm>> -> memref<16x25x128xi32, #tpu.memory_space<hbm>>
      %dma_start3A_42 = arith.constant 0 : i32
      %dma_start3A_43 = arith.constant 0 : i32
      %dma_start3A_44 = tpu.memref_slice %dma_start3A_41[%arg1, %dma_start3A_42, %dma_start3A_43] : memref<16x25x128xi32, #tpu.memory_space<hbm>> -> memref<1x25x128xi32, #tpu.memory_space<hbm>>
      %dma_start3A_45 = tpu.memref_squeeze %dma_start3A_44 : memref<1x25x128xi32, #tpu.memory_space<hbm>> -> memref<25x128xi32, #tpu.memory_space<hbm>>
      %dma_start3A_46 = arith.constant 0 : i32
      %dma_start3A_47 = arith.constant 0 : i32
      %dma_start3A_48 = arith.constant 0 : i32
      %dma_start3A_49 = tpu.memref_slice %arg3[%add3A_1, %dma_start3A_46, %dma_start3A_47, %dma_start3A_48] : memref<4x16x25x128xi32, #tpu.memory_space<hbm>> -> memref<1x16x25x128xi32, #tpu.memory_space<hbm>>
      %dma_start3A_50 = tpu.memref_squeeze %dma_start3A_49 : memref<1x16x25x128xi32, #tpu.memory_space<hbm>> -> memref<16x25x128xi32, #tpu.memory_space<hbm>>
      %dma_start3A_51 = arith.constant 0 : i32
      %dma_start3A_52 = arith.constant 0 : i32
      %dma_start3A_53 = tpu.memref_slice %dma_start3A_50[%arg1, %dma_start3A_51, %dma_start3A_52] : memref<16x25x128xi32, #tpu.memory_space<hbm>> -> memref<1x25x128xi32, #tpu.memory_space<hbm>>
      %dma_start3A_54 = tpu.memref_squeeze %dma_start3A_53 : memref<1x25x128xi32, #tpu.memory_space<hbm>> -> memref<25x128xi32, #tpu.memory_space<hbm>>
      tpu.enqueue_dma source(%dma_start3A_54 : memref<25x128xi32, #tpu.memory_space<hbm>>) target(%arg7 : memref<25x128xi32, #tpu.memory_space<vmem>>) target_semaphore(%run_scoped3A : memref<!tpu.dma_semaphore, #tpu.memory_space<semaphore_mem>>)
      %dma_wait3A = arith.constant 0 : i32
      %dma_wait3A_55 = arith.constant 0 : i32
      %dma_wait3A_56 = arith.constant 0 : i32
      %dma_wait3A_57 = tpu.memref_slice %arg3[%add3A_1, %dma_wait3A, %dma_wait3A_55, %dma_wait3A_56] : memref<4x16x25x128xi32, #tpu.memory_space<hbm>> -> memref<1x16x25x128xi32, #tpu.memory_space<hbm>>
      %dma_wait3A_58 = tpu.memref_squeeze %dma_wait3A_57 : memref<1x16x25x128xi32, #tpu.memory_space<hbm>> -> memref<16x25x128xi32, #tpu.memory_space<hbm>>
      %dma_wait3A_59 = arith.constant 0 : i32
      %dma_wait3A_60 = arith.constant 0 : i32
      %dma_wait3A_61 = tpu.memref_slice %dma_wait3A_58[%arg1, %dma_wait3A_59, %dma_wait3A_60] : memref<16x25x128xi32, #tpu.memory_space<hbm>> -> memref<1x25x128xi32, #tpu.memory_space<hbm>>
      %dma_wait3A_62 = tpu.memref_squeeze %dma_wait3A_61 : memref<1x25x128xi32, #tpu.memory_space<hbm>> -> memref<25x128xi32, #tpu.memory_space<hbm>>
      %dma_wait3A_63 = arith.constant 0 : i32
      %dma_wait3A_64 = arith.constant 0 : i32
      %dma_wait3A_65 = arith.constant 0 : i32
      %dma_wait3A_66 = tpu.memref_slice %arg3[%add3A_1, %dma_wait3A_63, %dma_wait3A_64, %dma_wait3A_65] : memref<4x16x25x128xi32, #tpu.memory_space<hbm>> -> memref<1x16x25x128xi32, #tpu.memory_space<hbm>>
      %dma_wait3A_67 = tpu.memref_squeeze %dma_wait3A_66 : memref<1x16x25x128xi32, #tpu.memory_space<hbm>> -> memref<16x25x128xi32, #tpu.memory_space<hbm>>
      %dma_wait3A_68 = arith.constant 0 : i32
      %dma_wait3A_69 = arith.constant 0 : i32
      %dma_wait3A_70 = tpu.memref_slice %dma_wait3A_67[%arg1, %dma_wait3A_68, %dma_wait3A_69] : memref<16x25x128xi32, #tpu.memory_space<hbm>> -> memref<1x25x128xi32, #tpu.memory_space<hbm>>
      %dma_wait3A_71 = tpu.memref_squeeze %dma_wait3A_70 : memref<1x25x128xi32, #tpu.memory_space<hbm>> -> memref<25x128xi32, #tpu.memory_space<hbm>>
      tpu.wait_dma2 semaphore(%run_scoped3A : memref<!tpu.dma_semaphore, #tpu.memory_space<semaphore_mem>>) src(%dma_wait3A_71 : memref<25x128xi32, #tpu.memory_space<hbm>>) dst(%arg7 : memref<25x128xi32, #tpu.memory_space<vmem>>)
      tpu.yield
    }) : () -> ()
    %barrier3A = arith.constant 0 : index
    tpu.barrier barrier_id(%barrier3A)
    %scan3A = arith.constant 0 : i32
    %scan3A_6 = arith.constant 0 : i32
    %scan3A_7 = arith.constant 25 : i32
    %scan3A_8 = arith.addi %scan3A_6, %scan3A_7 : i32
    %scan3A_9 = arith.constant 1 : i32
    scf.for %scan3A_38 = %scan3A_6 to %scan3A_8 step %scan3A_9  : i32 {
      %dma_start3A = arith.constant 0 : i32
      %dma_start3A_39 = tpu.memref_slice %arg7[%scan3A_38, %dma_start3A] : memref<25x128xi32, #tpu.memory_space<vmem>> -> memref<1x128xi32, #tpu.memory_space<vmem>>
      %dma_start3A_40 = tpu.memref_squeeze %dma_start3A_39 : memref<1x128xi32, #tpu.memory_space<vmem>> -> memref<128xi32, #tpu.memory_space<vmem>>
      %dma_start3A_41 = arith.constant 0 : i32
      %dma_start3A_42 = arith.constant 0 : i32
      %dma_start3A_43 = tpu.memref_slice %arg2[%dma_start3A_41, %dma_start3A_42] : memref<122880x128xf32, #tpu.memory_space<hbm>> -> memref<122880x128xf32, #tpu.memory_space<hbm>>
      tpu.enqueue_indirect_dma source(%dma_start3A_43 : memref<122880x128xf32, #tpu.memory_space<hbm>>) target(%arg9 : memref<128x128xf32, #tpu.memory_space<vmem>>) offsets(%dma_start3A_40 : memref<128xi32, #tpu.memory_space<vmem>>) semaphore(%arg11 : memref<!tpu.dma_semaphore, #tpu.memory_space<semaphore_mem>>)
      %dma_wait3A = arith.constant 0 : i32
      %dma_wait3A_44 = tpu.memref_slice %arg7[%scan3A_38, %dma_wait3A] : memref<25x128xi32, #tpu.memory_space<vmem>> -> memref<1x128xi32, #tpu.memory_space<vmem>>
      %dma_wait3A_45 = tpu.memref_squeeze %dma_wait3A_44 : memref<1x128xi32, #tpu.memory_space<vmem>> -> memref<128xi32, #tpu.memory_space<vmem>>
      %dma_wait3A_46 = arith.constant 0 : i32
      %dma_wait3A_47 = arith.constant 0 : i32
      %dma_wait3A_48 = tpu.memref_slice %arg2[%dma_wait3A_46, %dma_wait3A_47] : memref<122880x128xf32, #tpu.memory_space<hbm>> -> memref<122880x128xf32, #tpu.memory_space<hbm>>
      tpu.wait_indirect_dma semaphore(%arg11 : memref<!tpu.dma_semaphore, #tpu.memory_space<semaphore_mem>>) src(%dma_wait3A_48 : memref<122880x128xf32, #tpu.memory_space<hbm>>) dst(%arg9 : memref<128x128xf32, #tpu.memory_space<vmem>>)
      "tpu.region"() ({
        %run_scoped3A = tpu.sem_alloc : memref<!tpu.dma_semaphore, #tpu.memory_space<semaphore_mem>>
        %dma_start3A_49 = arith.constant 0 : i32
        %dma_start3A_50 = tpu.memref_slice %arg8[%scan3A_38, %dma_start3A_49] : memref<25x128xi32, #tpu.memory_space<vmem>> -> memref<1x128xi32, #tpu.memory_space<vmem>>
        %dma_start3A_51 = tpu.memref_squeeze %dma_start3A_50 : memref<1x128xi32, #tpu.memory_space<vmem>> -> memref<128xi32, #tpu.memory_space<vmem>>
        %dma_start3A_52 = arith.constant 0 : i32
        %dma_start3A_53 = arith.constant 0 : i32
        %dma_start3A_54 = tpu.memref_slice %arg10[%dma_start3A_52, %dma_start3A_53] : memref<10240x128xf32, #tpu.memory_space<vmem_shared>> -> memref<10240x128xf32, #tpu.memory_space<vmem_shared>>
        tpu.enqueue_indirect_dma source(%arg9 : memref<128x128xf32, #tpu.memory_space<vmem>>) target(%dma_start3A_54 : memref<10240x128xf32, #tpu.memory_space<vmem_shared>>) offsets(%dma_start3A_51 : memref<128xi32, #tpu.memory_space<vmem>>) semaphore(%run_scoped3A : memref<!tpu.dma_semaphore, #tpu.memory_space<semaphore_mem>>) {add = true}
        %dma_wait3A_55 = arith.constant 0 : i32
        %dma_wait3A_56 = tpu.memref_slice %arg8[%scan3A_38, %dma_wait3A_55] : memref<25x128xi32, #tpu.memory_space<vmem>> -> memref<1x128xi32, #tpu.memory_space<vmem>>
        %dma_wait3A_57 = tpu.memref_squeeze %dma_wait3A_56 : memref<1x128xi32, #tpu.memory_space<vmem>> -> memref<128xi32, #tpu.memory_space<vmem>>
        %dma_wait3A_58 = arith.constant 0 : i32
        %dma_wait3A_59 = arith.constant 0 : i32
        %dma_wait3A_60 = tpu.memref_slice %arg10[%dma_wait3A_58, %dma_wait3A_59] : memref<10240x128xf32, #tpu.memory_space<vmem_shared>> -> memref<10240x128xf32, #tpu.memory_space<vmem_shared>>
        tpu.wait_indirect_dma semaphore(%run_scoped3A : memref<!tpu.dma_semaphore, #tpu.memory_space<semaphore_mem>>) src(%arg9 : memref<128x128xf32, #tpu.memory_space<vmem>>) dst(%dma_wait3A_60 : memref<10240x128xf32, #tpu.memory_space<vmem_shared>>)
        tpu.yield
      }) : () -> ()
    }
    %scan3A_10 = arith.constant 25 : i32
    %barrier3A_11 = arith.constant 0 : index
    tpu.barrier barrier_id(%barrier3A_11)
    %mul3A_12 = arith.constant 640 : i32
    %mul3A_13 = arith.muli %arg1, %mul3A_12 : i32
    %mul3A_14 = arith.constant 640 : i32
    %mul3A_15 = arith.muli %arg1, %mul3A_14 : i32
    "tpu.region"() ({
      %run_scoped3A = tpu.sem_alloc : memref<!tpu.dma_semaphore, #tpu.memory_space<semaphore_mem>>
      %dma_start3A = arith.constant 0 : i32
      %dma_start3A_38 = arith.constant 0 : i32
      %dma_start3A_39 = tpu.memref_slice %arg6[%add3A_1, %dma_start3A, %dma_start3A_38] : memref<4x10240x128xf32, #tpu.memory_space<hbm>> -> memref<1x10240x128xf32, #tpu.memory_space<hbm>>
      %dma_start3A_40 = tpu.memref_squeeze %dma_start3A_39 : memref<1x10240x128xf32, #tpu.memory_space<hbm>> -> memref<10240x128xf32, #tpu.memory_space<hbm>>
      %dma_start3A_41 = arith.constant 0 : i32
      %dma_start3A_42 = tpu.memref_slice %dma_start3A_40[%mul3A_15, %dma_start3A_41] : memref<10240x128xf32, #tpu.memory_space<hbm>> -> memref<640x128xf32, #tpu.memory_space<hbm>>
      %dma_start3A_43 = arith.constant 0 : i32
      %dma_start3A_44 = tpu.memref_slice %arg10[%mul3A_13, %dma_start3A_43] : memref<10240x128xf32, #tpu.memory_space<vmem_shared>> -> memref<640x128xf32, #tpu.memory_space<vmem_shared>>
      tpu.enqueue_dma source(%dma_start3A_44 : memref<640x128xf32, #tpu.memory_space<vmem_shared>>) target(%dma_start3A_42 : memref<640x128xf32, #tpu.memory_space<hbm>>) target_semaphore(%run_scoped3A : memref<!tpu.dma_semaphore, #tpu.memory_space<semaphore_mem>>)
      %dma_wait3A = arith.constant 0 : i32
      %dma_wait3A_45 = arith.constant 0 : i32
      %dma_wait3A_46 = tpu.memref_slice %arg6[%add3A_1, %dma_wait3A, %dma_wait3A_45] : memref<4x10240x128xf32, #tpu.memory_space<hbm>> -> memref<1x10240x128xf32, #tpu.memory_space<hbm>>
      %dma_wait3A_47 = tpu.memref_squeeze %dma_wait3A_46 : memref<1x10240x128xf32, #tpu.memory_space<hbm>> -> memref<10240x128xf32, #tpu.memory_space<hbm>>
      %dma_wait3A_48 = arith.constant 0 : i32
      %dma_wait3A_49 = tpu.memref_slice %dma_wait3A_47[%mul3A_15, %dma_wait3A_48] : memref<10240x128xf32, #tpu.memory_space<hbm>> -> memref<640x128xf32, #tpu.memory_space<hbm>>
      %dma_wait3A_50 = arith.constant 0 : i32
      %dma_wait3A_51 = tpu.memref_slice %arg10[%mul3A_13, %dma_wait3A_50] : memref<10240x128xf32, #tpu.memory_space<vmem_shared>> -> memref<640x128xf32, #tpu.memory_space<vmem_shared>>
      tpu.wait_dma2 semaphore(%run_scoped3A : memref<!tpu.dma_semaphore, #tpu.memory_space<semaphore_mem>>) src(%dma_wait3A_51 : memref<640x128xf32, #tpu.memory_space<vmem_shared>>) dst(%dma_wait3A_49 : memref<640x128xf32, #tpu.memory_space<hbm>>)
      tpu.yield
    }) : () -> ()
    %barrier3A_16 = arith.constant 0 : index
    tpu.barrier barrier_id(%barrier3A_16)
    %mul3A_17 = arith.constant 2 : i32
    %mul3A_18 = arith.muli %arg0, %mul3A_17 : i32
    %add3A_19 = arith.constant 1 : i32
    %add3A_20 = arith.addi %mul3A_18, %add3A_19 : i32
    %mul3A_21 = arith.constant 640 : i32
    %mul3A_22 = arith.muli %arg1, %mul3A_21 : i32
    %mul3A_23 = arith.constant 640 : i32
    %mul3A_24 = arith.muli %arg1, %mul3A_23 : i32
    "tpu.region"() ({
      %run_scoped3A = tpu.sem_alloc : memref<!tpu.dma_semaphore, #tpu.memory_space<semaphore_mem>>
      %dma_start3A = arith.constant 0 : i32
      %dma_start3A_38 = tpu.memref_slice %arg10[%mul3A_24, %dma_start3A] : memref<10240x128xf32, #tpu.memory_space<vmem_shared>> -> memref<640x128xf32, #tpu.memory_space<vmem_shared>>
      %dma_start3A_39 = arith.constant 0 : i32
      %dma_start3A_40 = tpu.memref_slice %arg5[%mul3A_22, %dma_start3A_39] : memref<10240x128xf32, #tpu.memory_space<hbm>> -> memref<640x128xf32, #tpu.memory_space<hbm>>
      tpu.enqueue_dma source(%dma_start3A_40 : memref<640x128xf32, #tpu.memory_space<hbm>>) target(%dma_start3A_38 : memref<640x128xf32, #tpu.memory_space<vmem_shared>>) target_semaphore(%run_scoped3A : memref<!tpu.dma_semaphore, #tpu.memory_space<semaphore_mem>>)
      %dma_wait3A = arith.constant 0 : i32
      %dma_wait3A_41 = tpu.memref_slice %arg10[%mul3A_24, %dma_wait3A] : memref<10240x128xf32, #tpu.memory_space<vmem_shared>> -> memref<640x128xf32, #tpu.memory_space<vmem_shared>>
      %dma_wait3A_42 = arith.constant 0 : i32
      %dma_wait3A_43 = tpu.memref_slice %arg5[%mul3A_22, %dma_wait3A_42] : memref<10240x128xf32, #tpu.memory_space<hbm>> -> memref<640x128xf32, #tpu.memory_space<hbm>>
      tpu.wait_dma2 semaphore(%run_scoped3A : memref<!tpu.dma_semaphore, #tpu.memory_space<semaphore_mem>>) src(%dma_wait3A_43 : memref<640x128xf32, #tpu.memory_space<hbm>>) dst(%dma_wait3A_41 : memref<640x128xf32, #tpu.memory_space<vmem_shared>>)
      tpu.yield
    }) : () -> ()
    "tpu.region"() ({
      %run_scoped3A = tpu.sem_alloc : memref<!tpu.dma_semaphore, #tpu.memory_space<semaphore_mem>>
      %dma_start3A = arith.constant 0 : i32
      %dma_start3A_38 = arith.constant 0 : i32
      %dma_start3A_39 = arith.constant 0 : i32
      %dma_start3A_40 = tpu.memref_slice %arg3[%add3A_20, %dma_start3A, %dma_start3A_38, %dma_start3A_39] : memref<4x16x25x128xi32, #tpu.memory_space<hbm>> -> memref<1x16x25x128xi32, #tpu.memory_space<hbm>>
      %dma_start3A_41 = tpu.memref_squeeze %dma_start3A_40 : memref<1x16x25x128xi32, #tpu.memory_space<hbm>> -> memref<16x25x128xi32, #tpu.memory_space<hbm>>
      %dma_start3A_42 = arith.constant 0 : i32
      %dma_start3A_43 = arith.constant 0 : i32
      %dma_start3A_44 = tpu.memref_slice %dma_start3A_41[%arg1, %dma_start3A_42, %dma_start3A_43] : memref<16x25x128xi32, #tpu.memory_space<hbm>> -> memref<1x25x128xi32, #tpu.memory_space<hbm>>
      %dma_start3A_45 = tpu.memref_squeeze %dma_start3A_44 : memref<1x25x128xi32, #tpu.memory_space<hbm>> -> memref<25x128xi32, #tpu.memory_space<hbm>>
      %dma_start3A_46 = arith.constant 0 : i32
      %dma_start3A_47 = arith.constant 0 : i32
      %dma_start3A_48 = arith.constant 0 : i32
      %dma_start3A_49 = tpu.memref_slice %arg3[%add3A_20, %dma_start3A_46, %dma_start3A_47, %dma_start3A_48] : memref<4x16x25x128xi32, #tpu.memory_space<hbm>> -> memref<1x16x25x128xi32, #tpu.memory_space<hbm>>
      %dma_start3A_50 = tpu.memref_squeeze %dma_start3A_49 : memref<1x16x25x128xi32, #tpu.memory_space<hbm>> -> memref<16x25x128xi32, #tpu.memory_space<hbm>>
      %dma_start3A_51 = arith.constant 0 : i32
      %dma_start3A_52 = arith.constant 0 : i32
      %dma_start3A_53 = tpu.memref_slice %dma_start3A_50[%arg1, %dma_start3A_51, %dma_start3A_52] : memref<16x25x128xi32, #tpu.memory_space<hbm>> -> memref<1x25x128xi32, #tpu.memory_space<hbm>>
      %dma_start3A_54 = tpu.memref_squeeze %dma_start3A_53 : memref<1x25x128xi32, #tpu.memory_space<hbm>> -> memref<25x128xi32, #tpu.memory_space<hbm>>
      tpu.enqueue_dma source(%dma_start3A_54 : memref<25x128xi32, #tpu.memory_space<hbm>>) target(%arg7 : memref<25x128xi32, #tpu.memory_space<vmem>>) target_semaphore(%run_scoped3A : memref<!tpu.dma_semaphore, #tpu.memory_space<semaphore_mem>>)
      %dma_wait3A = arith.constant 0 : i32
      %dma_wait3A_55 = arith.constant 0 : i32
      %dma_wait3A_56 = arith.constant 0 : i32
      %dma_wait3A_57 = tpu.memref_slice %arg3[%add3A_20, %dma_wait3A, %dma_wait3A_55, %dma_wait3A_56] : memref<4x16x25x128xi32, #tpu.memory_space<hbm>> -> memref<1x16x25x128xi32, #tpu.memory_space<hbm>>
      %dma_wait3A_58 = tpu.memref_squeeze %dma_wait3A_57 : memref<1x16x25x128xi32, #tpu.memory_space<hbm>> -> memref<16x25x128xi32, #tpu.memory_space<hbm>>
      %dma_wait3A_59 = arith.constant 0 : i32
      %dma_wait3A_60 = arith.constant 0 : i32
      %dma_wait3A_61 = tpu.memref_slice %dma_wait3A_58[%arg1, %dma_wait3A_59, %dma_wait3A_60] : memref<16x25x128xi32, #tpu.memory_space<hbm>> -> memref<1x25x128xi32, #tpu.memory_space<hbm>>
      %dma_wait3A_62 = tpu.memref_squeeze %dma_wait3A_61 : memref<1x25x128xi32, #tpu.memory_space<hbm>> -> memref<25x128xi32, #tpu.memory_space<hbm>>
      %dma_wait3A_63 = arith.constant 0 : i32
      %dma_wait3A_64 = arith.constant 0 : i32
      %dma_wait3A_65 = arith.constant 0 : i32
      %dma_wait3A_66 = tpu.memref_slice %arg3[%add3A_20, %dma_wait3A_63, %dma_wait3A_64, %dma_wait3A_65] : memref<4x16x25x128xi32, #tpu.memory_space<hbm>> -> memref<1x16x25x128xi32, #tpu.memory_space<hbm>>
      %dma_wait3A_67 = tpu.memref_squeeze %dma_wait3A_66 : memref<1x16x25x128xi32, #tpu.memory_space<hbm>> -> memref<16x25x128xi32, #tpu.memory_space<hbm>>
      %dma_wait3A_68 = arith.constant 0 : i32
      %dma_wait3A_69 = arith.constant 0 : i32
      %dma_wait3A_70 = tpu.memref_slice %dma_wait3A_67[%arg1, %dma_wait3A_68, %dma_wait3A_69] : memref<16x25x128xi32, #tpu.memory_space<hbm>> -> memref<1x25x128xi32, #tpu.memory_space<hbm>>
      %dma_wait3A_71 = tpu.memref_squeeze %dma_wait3A_70 : memref<1x25x128xi32, #tpu.memory_space<hbm>> -> memref<25x128xi32, #tpu.memory_space<hbm>>
      tpu.wait_dma2 semaphore(%run_scoped3A : memref<!tpu.dma_semaphore, #tpu.memory_space<semaphore_mem>>) src(%dma_wait3A_71 : memref<25x128xi32, #tpu.memory_space<hbm>>) dst(%arg7 : memref<25x128xi32, #tpu.memory_space<vmem>>)
      tpu.yield
    }) : () -> ()
    %barrier3A_25 = arith.constant 0 : index
    tpu.barrier barrier_id(%barrier3A_25)
    %scan3A_26 = arith.constant 0 : i32
    %scan3A_27 = arith.constant 0 : i32
    %scan3A_28 = arith.constant 25 : i32
    %scan3A_29 = arith.addi %scan3A_27, %scan3A_28 : i32
    %scan3A_30 = arith.constant 1 : i32
    scf.for %scan3A_38 = %scan3A_27 to %scan3A_29 step %scan3A_30  : i32 {
      %dma_start3A = arith.constant 0 : i32
      %dma_start3A_39 = tpu.memref_slice %arg7[%scan3A_38, %dma_start3A] : memref<25x128xi32, #tpu.memory_space<vmem>> -> memref<1x128xi32, #tpu.memory_space<vmem>>
      %dma_start3A_40 = tpu.memref_squeeze %dma_start3A_39 : memref<1x128xi32, #tpu.memory_space<vmem>> -> memref<128xi32, #tpu.memory_space<vmem>>
      %dma_start3A_41 = arith.constant 0 : i32
      %dma_start3A_42 = arith.constant 0 : i32
      %dma_start3A_43 = tpu.memref_slice %arg2[%dma_start3A_41, %dma_start3A_42] : memref<122880x128xf32, #tpu.memory_space<hbm>> -> memref<122880x128xf32, #tpu.memory_space<hbm>>
      tpu.enqueue_indirect_dma source(%dma_start3A_43 : memref<122880x128xf32, #tpu.memory_space<hbm>>) target(%arg9 : memref<128x128xf32, #tpu.memory_space<vmem>>) offsets(%dma_start3A_40 : memref<128xi32, #tpu.memory_space<vmem>>) semaphore(%arg11 : memref<!tpu.dma_semaphore, #tpu.memory_space<semaphore_mem>>)
      %dma_wait3A = arith.constant 0 : i32
      %dma_wait3A_44 = tpu.memref_slice %arg7[%scan3A_38, %dma_wait3A] : memref<25x128xi32, #tpu.memory_space<vmem>> -> memref<1x128xi32, #tpu.memory_space<vmem>>
      %dma_wait3A_45 = tpu.memref_squeeze %dma_wait3A_44 : memref<1x128xi32, #tpu.memory_space<vmem>> -> memref<128xi32, #tpu.memory_space<vmem>>
      %dma_wait3A_46 = arith.constant 0 : i32
      %dma_wait3A_47 = arith.constant 0 : i32
      %dma_wait3A_48 = tpu.memref_slice %arg2[%dma_wait3A_46, %dma_wait3A_47] : memref<122880x128xf32, #tpu.memory_space<hbm>> -> memref<122880x128xf32, #tpu.memory_space<hbm>>
      tpu.wait_indirect_dma semaphore(%arg11 : memref<!tpu.dma_semaphore, #tpu.memory_space<semaphore_mem>>) src(%dma_wait3A_48 : memref<122880x128xf32, #tpu.memory_space<hbm>>) dst(%arg9 : memref<128x128xf32, #tpu.memory_space<vmem>>)
      "tpu.region"() ({
        %run_scoped3A = tpu.sem_alloc : memref<!tpu.dma_semaphore, #tpu.memory_space<semaphore_mem>>
        %dma_start3A_49 = arith.constant 0 : i32
        %dma_start3A_50 = tpu.memref_slice %arg8[%scan3A_38, %dma_start3A_49] : memref<25x128xi32, #tpu.memory_space<vmem>> -> memref<1x128xi32, #tpu.memory_space<vmem>>
        %dma_start3A_51 = tpu.memref_squeeze %dma_start3A_50 : memref<1x128xi32, #tpu.memory_space<vmem>> -> memref<128xi32, #tpu.memory_space<vmem>>
        %dma_start3A_52 = arith.constant 0 : i32
        %dma_start3A_53 = arith.constant 0 : i32
        %dma_start3A_54 = tpu.memref_slice %arg10[%dma_start3A_52, %dma_start3A_53] : memref<10240x128xf32, #tpu.memory_space<vmem_shared>> -> memref<10240x128xf32, #tpu.memory_space<vmem_shared>>
        tpu.enqueue_indirect_dma source(%arg9 : memref<128x128xf32, #tpu.memory_space<vmem>>) target(%dma_start3A_54 : memref<10240x128xf32, #tpu.memory_space<vmem_shared>>) offsets(%dma_start3A_51 : memref<128xi32, #tpu.memory_space<vmem>>) semaphore(%run_scoped3A : memref<!tpu.dma_semaphore, #tpu.memory_space<semaphore_mem>>) {add = true}
        %dma_wait3A_55 = arith.constant 0 : i32
        %dma_wait3A_56 = tpu.memref_slice %arg8[%scan3A_38, %dma_wait3A_55] : memref<25x128xi32, #tpu.memory_space<vmem>> -> memref<1x128xi32, #tpu.memory_space<vmem>>
        %dma_wait3A_57 = tpu.memref_squeeze %dma_wait3A_56 : memref<1x128xi32, #tpu.memory_space<vmem>> -> memref<128xi32, #tpu.memory_space<vmem>>
        %dma_wait3A_58 = arith.constant 0 : i32
        %dma_wait3A_59 = arith.constant 0 : i32
        %dma_wait3A_60 = tpu.memref_slice %arg10[%dma_wait3A_58, %dma_wait3A_59] : memref<10240x128xf32, #tpu.memory_space<vmem_shared>> -> memref<10240x128xf32, #tpu.memory_space<vmem_shared>>
        tpu.wait_indirect_dma semaphore(%run_scoped3A : memref<!tpu.dma_semaphore, #tpu.memory_space<semaphore_mem>>) src(%arg9 : memref<128x128xf32, #tpu.memory_space<vmem>>) dst(%dma_wait3A_60 : memref<10240x128xf32, #tpu.memory_space<vmem_shared>>)
        tpu.yield
      }) : () -> ()
    }
    %scan3A_31 = arith.constant 25 : i32
    %barrier3A_32 = arith.constant 0 : index
    tpu.barrier barrier_id(%barrier3A_32)
    %mul3A_33 = arith.constant 640 : i32
    %mul3A_34 = arith.muli %arg1, %mul3A_33 : i32
    %mul3A_35 = arith.constant 640 : i32
    %mul3A_36 = arith.muli %arg1, %mul3A_35 : i32
    "tpu.region"() ({
      %run_scoped3A = tpu.sem_alloc : memref<!tpu.dma_semaphore, #tpu.memory_space<semaphore_mem>>
      %dma_start3A = arith.constant 0 : i32
      %dma_start3A_38 = arith.constant 0 : i32
      %dma_start3A_39 = tpu.memref_slice %arg6[%add3A_20, %dma_start3A, %dma_start3A_38] : memref<4x10240x128xf32, #tpu.memory_space<hbm>> -> memref<1x10240x128xf32, #tpu.memory_space<hbm>>
      %dma_start3A_40 = tpu.memref_squeeze %dma_start3A_39 : memref<1x10240x128xf32, #tpu.memory_space<hbm>> -> memref<10240x128xf32, #tpu.memory_space<hbm>>
      %dma_start3A_41 = arith.constant 0 : i32
      %dma_start3A_42 = tpu.memref_slice %dma_start3A_40[%mul3A_36, %dma_start3A_41] : memref<10240x128xf32, #tpu.memory_space<hbm>> -> memref<640x128xf32, #tpu.memory_space<hbm>>
      %dma_start3A_43 = arith.constant 0 : i32
      %dma_start3A_44 = tpu.memref_slice %arg10[%mul3A_34, %dma_start3A_43] : memref<10240x128xf32, #tpu.memory_space<vmem_shared>> -> memref<640x128xf32, #tpu.memory_space<vmem_shared>>
      tpu.enqueue_dma source(%dma_start3A_44 : memref<640x128xf32, #tpu.memory_space<vmem_shared>>) target(%dma_start3A_42 : memref<640x128xf32, #tpu.memory_space<hbm>>) target_semaphore(%run_scoped3A : memref<!tpu.dma_semaphore, #tpu.memory_space<semaphore_mem>>)
      %dma_wait3A = arith.constant 0 : i32
      %dma_wait3A_45 = arith.constant 0 : i32
      %dma_wait3A_46 = tpu.memref_slice %arg6[%add3A_20, %dma_wait3A, %dma_wait3A_45] : memref<4x10240x128xf32, #tpu.memory_space<hbm>> -> memref<1x10240x128xf32, #tpu.memory_space<hbm>>
      %dma_wait3A_47 = tpu.memref_squeeze %dma_wait3A_46 : memref<1x10240x128xf32, #tpu.memory_space<hbm>> -> memref<10240x128xf32, #tpu.memory_space<hbm>>
      %dma_wait3A_48 = arith.constant 0 : i32
      %dma_wait3A_49 = tpu.memref_slice %dma_wait3A_47[%mul3A_36, %dma_wait3A_48] : memref<10240x128xf32, #tpu.memory_space<hbm>> -> memref<640x128xf32, #tpu.memory_space<hbm>>
      %dma_wait3A_50 = arith.constant 0 : i32
      %dma_wait3A_51 = tpu.memref_slice %arg10[%mul3A_34, %dma_wait3A_50] : memref<10240x128xf32, #tpu.memory_space<vmem_shared>> -> memref<640x128xf32, #tpu.memory_space<vmem_shared>>
      tpu.wait_dma2 semaphore(%run_scoped3A : memref<!tpu.dma_semaphore, #tpu.memory_space<semaphore_mem>>) src(%dma_wait3A_51 : memref<640x128xf32, #tpu.memory_space<vmem_shared>>) dst(%dma_wait3A_49 : memref<640x128xf32, #tpu.memory_space<hbm>>)
      tpu.yield
    }) : () -> ()
    %barrier3A_37 = arith.constant 0 : index
    tpu.barrier barrier_id(%barrier3A_37)
    return
  }
}

#map = affine_map<(d0, d1) -> (0, 0)>
#map1 = affine_map<(d0, d1) -> (0, 0, 0, 0)>
#map2 = affine_map<(d0, d1) -> (0, 0, 0)>
module attributes {stable_mosaic.version = 14 : i64} {
  func.func @scatter_kernel(%arg0: i32, %arg1: i32, %arg2: memref<122880x128xf32, #tpu.memory_space<hbm>>, %arg3: memref<4x16x25x128xi32, #tpu.memory_space<hbm>>, %arg4: memref<16x25x128xi32, #tpu.memory_space<hbm>>, %arg5: memref<10240x128xf32, #tpu.memory_space<hbm>>, %arg6: memref<4x10240x128xf32, #tpu.memory_space<hbm>>, %arg7: memref<25x128xi32, #tpu.memory_space<vmem>>, %arg8: memref<25x128xi32, #tpu.memory_space<vmem>>, %arg9: memref<128x128xf32, #tpu.memory_space<vmem>>, %arg10: memref<10240x128xf32, #tpu.memory_space<vmem_shared>>, %arg11: memref<!tpu.dma_semaphore, #tpu.memory_space<semaphore_mem>>) attributes {dimension_semantics = [#tpu.dimension_semantics<core_parallel>, #tpu.dimension_semantics<subcore_parallel>], iteration_bounds = array<i64: 2, 16>, scalar_prefetch = 0 : i64, scratch_operands = 5 : i64, tpu.core_type = #tpu.core_type<sc_vector_subcore>, window_params = [{transform_indices = #map}, {transform_indices = #map1}, {transform_indices = #map2}, {transform_indices = #map}, {transform_indices = #map2}]} {
    "tpu.region"() ({
      %run_scoped3A = tpu.sem_alloc : memref<!tpu.dma_semaphore, #tpu.memory_space<semaphore_mem>>
      %dma_start3A = arith.constant 0 : i32
      %dma_start3A_38 = arith.constant 0 : i32
      %dma_start3A_39 = tpu.memref_slice %arg4[%arg1, %dma_start3A, %dma_start3A_38] : memref<16x25x128xi32, #tpu.memory_space<hbm>> -> memref<1x25x128xi32, #tpu.memory_space<hbm>>
      %dma_start3A_40 = tpu.memref_squeeze %dma_start3A_39 : memref<1x25x128xi32, #tpu.memory_space<hbm>> -> memref<25x128xi32, #tpu.memory_space<hbm>>
      %dma_start3A_41 = arith.constant 0 : i32
      %dma_start3A_42 = arith.constant 0 : i32
      %dma_start3A_43 = tpu.memref_slice %arg4[%arg1, %dma_start3A_41, %dma_start3A_42] : memref<16x25x128xi32, #tpu.memory_space<hbm>> -> memref<1x25x128xi32, #tpu.memory_space<hbm>>
      %dma_start3A_44 = tpu.memref_squeeze %dma_start3A_43 : memref<1x25x128xi32, #tpu.memory_space<hbm>> -> memref<25x128xi32, #tpu.memory_space<hbm>>
      tpu.enqueue_dma source(%dma_start3A_44 : memref<25x128xi32, #tpu.memory_space<hbm>>) target(%arg8 : memref<25x128xi32, #tpu.memory_space<vmem>>) target_semaphore(%run_scoped3A : memref<!tpu.dma_semaphore, #tpu.memory_space<semaphore_mem>>)
      %dma_wait3A = arith.constant 0 : i32
      %dma_wait3A_45 = arith.constant 0 : i32
      %dma_wait3A_46 = tpu.memref_slice %arg4[%arg1, %dma_wait3A, %dma_wait3A_45] : memref<16x25x128xi32, #tpu.memory_space<hbm>> -> memref<1x25x128xi32, #tpu.memory_space<hbm>>
      %dma_wait3A_47 = tpu.memref_squeeze %dma_wait3A_46 : memref<1x25x128xi32, #tpu.memory_space<hbm>> -> memref<25x128xi32, #tpu.memory_space<hbm>>
      %dma_wait3A_48 = arith.constant 0 : i32
      %dma_wait3A_49 = arith.constant 0 : i32
      %dma_wait3A_50 = tpu.memref_slice %arg4[%arg1, %dma_wait3A_48, %dma_wait3A_49] : memref<16x25x128xi32, #tpu.memory_space<hbm>> -> memref<1x25x128xi32, #tpu.memory_space<hbm>>
      %dma_wait3A_51 = tpu.memref_squeeze %dma_wait3A_50 : memref<1x25x128xi32, #tpu.memory_space<hbm>> -> memref<25x128xi32, #tpu.memory_space<hbm>>
      tpu.wait_dma2 semaphore(%run_scoped3A : memref<!tpu.dma_semaphore, #tpu.memory_space<semaphore_mem>>) src(%dma_wait3A_51 : memref<25x128xi32, #tpu.memory_space<hbm>>) dst(%arg8 : memref<25x128xi32, #tpu.memory_space<vmem>>)
      tpu.yield
    }) : () -> ()
    %mul3A = arith.constant 2 : i32
    %mul3A_0 = arith.muli %arg0, %mul3A : i32
    %add3A = arith.constant 0 : i32
    %add3A_1 = arith.addi %mul3A_0, %add3A : i32
    %mul3A_2 = arith.constant 640 : i32
    %mul3A_3 = arith.muli %arg1, %mul3A_2 : i32
    %mul3A_4 = arith.constant 640 : i32
    %mul3A_5 = arith.muli %arg1, %mul3A_4 : i32
    "tpu.region"() ({
      %run_scoped3A = tpu.sem_alloc : memref<!tpu.dma_semaphore, #tpu.memory_space<semaphore_mem>>
      %dma_start3A = arith.constant 0 : i32
      %dma_start3A_38 = tpu.memref_slice %arg10[%mul3A_5, %dma_start3A] : memref<10240x128xf32, #tpu.memory_space<vmem_shared>> -> memref<640x128xf32, #tpu.memory_space<vmem_shared>>
      %dma_start3A_39 = arith.constant 0 : i32
      %dma_start3A_40 = tpu.memref_slice %arg5[%mul3A_3, %dma_start3A_39] : memref<10240x128xf32, #tpu.memory_space<hbm>> -> memref<640x128xf32, #tpu.memory_space<hbm>>
      tpu.enqueue_dma source(%dma_start3A_40 : memref<640x128xf32, #tpu.memory_space<hbm>>) target(%dma_start3A_38 : memref<640x128xf32, #tpu.memory_space<vmem_shared>>) target_semaphore(%run_scoped3A : memref<!tpu.dma_semaphore, #tpu.memory_space<semaphore_mem>>)
      %dma_wait3A = arith.constant 0 : i32
      %dma_wait3A_41 = tpu.memref_slice %arg10[%mul3A_5, %dma_wait3A] : memref<10240x128xf32, #tpu.memory_space<vmem_shared>> -> memref<640x128xf32, #tpu.memory_space<vmem_shared>>
      %dma_wait3A_42 = arith.constant 0 : i32
      %dma_wait3A_43 = tpu.memref_slice %arg5[%mul3A_3, %dma_wait3A_42] : memref<10240x128xf32, #tpu.memory_space<hbm>> -> memref<640x128xf32, #tpu.memory_space<hbm>>
      tpu.wait_dma2 semaphore(%run_scoped3A : memref<!tpu.dma_semaphore, #tpu.memory_space<semaphore_mem>>) src(%dma_wait3A_43 : memref<640x128xf32, #tpu.memory_space<hbm>>) dst(%dma_wait3A_41 : memref<640x128xf32, #tpu.memory_space<vmem_shared>>)
      tpu.yield
    }) : () -> ()
    "tpu.region"() ({
      %run_scoped3A = tpu.sem_alloc : memref<!tpu.dma_semaphore, #tpu.memory_space<semaphore_mem>>
      %dma_start3A = arith.constant 0 : i32
      %dma_start3A_38 = arith.constant 0 : i32
      %dma_start3A_39 = arith.constant 0 : i32
      %dma_start3A_40 = tpu.memref_slice %arg3[%add3A_1, %dma_start3A, %dma_start3A_38, %dma_start3A_39] : memref<4x16x25x128xi32, #tpu.memory_space<hbm>> -> memref<1x16x25x128xi32, #tpu.memory_space<hbm>>
      %dma_start3A_41 = tpu.memref_squeeze %dma_start3A_40 : memref<1x16x25x128xi32, #tpu.memory_space<hbm>> -> memref<16x25x128xi32, #tpu.memory_space<hbm>>
      %dma_start3A_42 = arith.constant 0 : i32
      %dma_start3A_43 = arith.constant 0 : i32
      %dma_start3A_44 = tpu.memref_slice %dma_start3A_41[%arg1, %dma_start3A_42, %dma_start3A_43] : memref<16x25x128xi32, #tpu.memory_space<hbm>> -> memref<1x25x128xi32, #tpu.memory_space<hbm>>
      %dma_start3A_45 = tpu.memref_squeeze %dma_start3A_44 : memref<1x25x128xi32, #tpu.memory_space<hbm>> -> memref<25x128xi32, #tpu.memory_space<hbm>>
      %dma_start3A_46 = arith.constant 0 : i32
      %dma_start3A_47 = arith.constant 0 : i32
      %dma_start3A_48 = arith.constant 0 : i32
      %dma_start3A_49 = tpu.memref_slice %arg3[%add3A_1, %dma_start3A_46, %dma_start3A_47, %dma_start3A_48] : memref<4x16x25x128xi32, #tpu.memory_space<hbm>> -> memref<1x16x25x128xi32, #tpu.memory_space<hbm>>
      %dma_start3A_50 = tpu.memref_squeeze %dma_start3A_49 : memref<1x16x25x128xi32, #tpu.memory_space<hbm>> -> memref<16x25x128xi32, #tpu.memory_space<hbm>>
      %dma_start3A_51 = arith.constant 0 : i32
      %dma_start3A_52 = arith.constant 0 : i32
      %dma_start3A_53 = tpu.memref_slice %dma_start3A_50[%arg1, %dma_start3A_51, %dma_start3A_52] : memref<16x25x128xi32, #tpu.memory_space<hbm>> -> memref<1x25x128xi32, #tpu.memory_space<hbm>>
      %dma_start3A_54 = tpu.memref_squeeze %dma_start3A_53 : memref<1x25x128xi32, #tpu.memory_space<hbm>> -> memref<25x128xi32, #tpu.memory_space<hbm>>
      tpu.enqueue_dma source(%dma_start3A_54 : memref<25x128xi32, #tpu.memory_space<hbm>>) target(%arg7 : memref<25x128xi32, #tpu.memory_space<vmem>>) target_semaphore(%run_scoped3A : memref<!tpu.dma_semaphore, #tpu.memory_space<semaphore_mem>>)
      %dma_wait3A = arith.constant 0 : i32
      %dma_wait3A_55 = arith.constant 0 : i32
      %dma_wait3A_56 = arith.constant 0 : i32
      %dma_wait3A_57 = tpu.memref_slice %arg3[%add3A_1, %dma_wait3A, %dma_wait3A_55, %dma_wait3A_56] : memref<4x16x25x128xi32, #tpu.memory_space<hbm>> -> memref<1x16x25x128xi32, #tpu.memory_space<hbm>>
      %dma_wait3A_58 = tpu.memref_squeeze %dma_wait3A_57 : memref<1x16x25x128xi32, #tpu.memory_space<hbm>> -> memref<16x25x128xi32, #tpu.memory_space<hbm>>
      %dma_wait3A_59 = arith.constant 0 : i32
      %dma_wait3A_60 = arith.constant 0 : i32
      %dma_wait3A_61 = tpu.memref_slice %dma_wait3A_58[%arg1, %dma_wait3A_59, %dma_wait3A_60] : memref<16x25x128xi32, #tpu.memory_space<hbm>> -> memref<1x25x128xi32, #tpu.memory_space<hbm>>
      %dma_wait3A_62 = tpu.memref_squeeze %dma_wait3A_61 : memref<1x25x128xi32, #tpu.memory_space<hbm>> -> memref<25x128xi32, #tpu.memory_space<hbm>>
      %dma_wait3A_63 = arith.constant 0 : i32
      %dma_wait3A_64 = arith.constant 0 : i32
      %dma_wait3A_65 = arith.constant 0 : i32
      %dma_wait3A_66 = tpu.memref_slice %arg3[%add3A_1, %dma_wait3A_63, %dma_wait3A_64, %dma_wait3A_65] : memref<4x16x25x128xi32, #tpu.memory_space<hbm>> -> memref<1x16x25x128xi32, #tpu.memory_space<hbm>>
      %dma_wait3A_67 = tpu.memref_squeeze %dma_wait3A_66 : memref<1x16x25x128xi32, #tpu.memory_space<hbm>> -> memref<16x25x128xi32, #tpu.memory_space<hbm>>
      %dma_wait3A_68 = arith.constant 0 : i32
      %dma_wait3A_69 = arith.constant 0 : i32
      %dma_wait3A_70 = tpu.memref_slice %dma_wait3A_67[%arg1, %dma_wait3A_68, %dma_wait3A_69] : memref<16x25x128xi32, #tpu.memory_space<hbm>> -> memref<1x25x128xi32, #tpu.memory_space<hbm>>
      %dma_wait3A_71 = tpu.memref_squeeze %dma_wait3A_70 : memref<1x25x128xi32, #tpu.memory_space<hbm>> -> memref<25x128xi32, #tpu.memory_space<hbm>>
      tpu.wait_dma2 semaphore(%run_scoped3A : memref<!tpu.dma_semaphore, #tpu.memory_space<semaphore_mem>>) src(%dma_wait3A_71 : memref<25x128xi32, #tpu.memory_space<hbm>>) dst(%arg7 : memref<25x128xi32, #tpu.memory_space<vmem>>)
      tpu.yield
    }) : () -> ()
    %barrier3A = arith.constant 0 : index
    tpu.barrier barrier_id(%barrier3A)
    %scan3A = arith.constant 0 : i32
    %scan3A_6 = arith.constant 0 : i32
    %scan3A_7 = arith.constant 25 : i32
    %scan3A_8 = arith.addi %scan3A_6, %scan3A_7 : i32
    %scan3A_9 = arith.constant 1 : i32
    scf.for %scan3A_38 = %scan3A_6 to %scan3A_8 step %scan3A_9  : i32 {
      %dma_start3A = arith.constant 0 : i32
      %dma_start3A_39 = tpu.memref_slice %arg7[%scan3A_38, %dma_start3A] : memref<25x128xi32, #tpu.memory_space<vmem>> -> memref<1x128xi32, #tpu.memory_space<vmem>>
      %dma_start3A_40 = tpu.memref_squeeze %dma_start3A_39 : memref<1x128xi32, #tpu.memory_space<vmem>> -> memref<128xi32, #tpu.memory_space<vmem>>
      %dma_start3A_41 = arith.constant 0 : i32
      %dma_start3A_42 = arith.constant 0 : i32
      %dma_start3A_43 = tpu.memref_slice %arg2[%dma_start3A_41, %dma_start3A_42] : memref<122880x128xf32, #tpu.memory_space<hbm>> -> memref<122880x128xf32, #tpu.memory_space<hbm>>
      tpu.enqueue_indirect_dma source(%dma_start3A_43 : memref<122880x128xf32, #tpu.memory_space<hbm>>) target(%arg9 : memref<128x128xf32, #tpu.memory_space<vmem>>) offsets(%dma_start3A_40 : memref<128xi32, #tpu.memory_space<vmem>>) semaphore(%arg11 : memref<!tpu.dma_semaphore, #tpu.memory_space<semaphore_mem>>)
      %dma_wait3A = arith.constant 0 : i32
      %dma_wait3A_44 = tpu.memref_slice %arg7[%scan3A_38, %dma_wait3A] : memref<25x128xi32, #tpu.memory_space<vmem>> -> memref<1x128xi32, #tpu.memory_space<vmem>>
      %dma_wait3A_45 = tpu.memref_squeeze %dma_wait3A_44 : memref<1x128xi32, #tpu.memory_space<vmem>> -> memref<128xi32, #tpu.memory_space<vmem>>
      %dma_wait3A_46 = arith.constant 0 : i32
      %dma_wait3A_47 = arith.constant 0 : i32
      %dma_wait3A_48 = tpu.memref_slice %arg2[%dma_wait3A_46, %dma_wait3A_47] : memref<122880x128xf32, #tpu.memory_space<hbm>> -> memref<122880x128xf32, #tpu.memory_space<hbm>>
      tpu.wait_indirect_dma semaphore(%arg11 : memref<!tpu.dma_semaphore, #tpu.memory_space<semaphore_mem>>) src(%dma_wait3A_48 : memref<122880x128xf32, #tpu.memory_space<hbm>>) dst(%arg9 : memref<128x128xf32, #tpu.memory_space<vmem>>)
      "tpu.region"() ({
        %run_scoped3A = tpu.sem_alloc : memref<!tpu.dma_semaphore, #tpu.memory_space<semaphore_mem>>
        %dma_start3A_49 = arith.constant 0 : i32
        %dma_start3A_50 = tpu.memref_slice %arg8[%scan3A_38, %dma_start3A_49] : memref<25x128xi32, #tpu.memory_space<vmem>> -> memref<1x128xi32, #tpu.memory_space<vmem>>
        %dma_start3A_51 = tpu.memref_squeeze %dma_start3A_50 : memref<1x128xi32, #tpu.memory_space<vmem>> -> memref<128xi32, #tpu.memory_space<vmem>>
        %dma_start3A_52 = arith.constant 0 : i32
        %dma_start3A_53 = arith.constant 0 : i32
        %dma_start3A_54 = tpu.memref_slice %arg10[%dma_start3A_52, %dma_start3A_53] : memref<10240x128xf32, #tpu.memory_space<vmem_shared>> -> memref<10240x128xf32, #tpu.memory_space<vmem_shared>>
        tpu.enqueue_indirect_dma source(%arg9 : memref<128x128xf32, #tpu.memory_space<vmem>>) target(%dma_start3A_54 : memref<10240x128xf32, #tpu.memory_space<vmem_shared>>) offsets(%dma_start3A_51 : memref<128xi32, #tpu.memory_space<vmem>>) semaphore(%run_scoped3A : memref<!tpu.dma_semaphore, #tpu.memory_space<semaphore_mem>>) {add = true}
        %dma_wait3A_55 = arith.constant 0 : i32
        %dma_wait3A_56 = tpu.memref_slice %arg8[%scan3A_38, %dma_wait3A_55] : memref<25x128xi32, #tpu.memory_space<vmem>> -> memref<1x128xi32, #tpu.memory_space<vmem>>
        %dma_wait3A_57 = tpu.memref_squeeze %dma_wait3A_56 : memref<1x128xi32, #tpu.memory_space<vmem>> -> memref<128xi32, #tpu.memory_space<vmem>>
        %dma_wait3A_58 = arith.constant 0 : i32
        %dma_wait3A_59 = arith.constant 0 : i32
        %dma_wait3A_60 = tpu.memref_slice %arg10[%dma_wait3A_58, %dma_wait3A_59] : memref<10240x128xf32, #tpu.memory_space<vmem_shared>> -> memref<10240x128xf32, #tpu.memory_space<vmem_shared>>
        tpu.wait_indirect_dma semaphore(%run_scoped3A : memref<!tpu.dma_semaphore, #tpu.memory_space<semaphore_mem>>) src(%arg9 : memref<128x128xf32, #tpu.memory_space<vmem>>) dst(%dma_wait3A_60 : memref<10240x128xf32, #tpu.memory_space<vmem_shared>>)
        tpu.yield
      }) : () -> ()
    }
    %scan3A_10 = arith.constant 25 : i32
    %barrier3A_11 = arith.constant 0 : index
    tpu.barrier barrier_id(%barrier3A_11)
    %mul3A_12 = arith.constant 640 : i32
    %mul3A_13 = arith.muli %arg1, %mul3A_12 : i32
    %mul3A_14 = arith.constant 640 : i32
    %mul3A_15 = arith.muli %arg1, %mul3A_14 : i32
    "tpu.region"() ({
      %run_scoped3A = tpu.sem_alloc : memref<!tpu.dma_semaphore, #tpu.memory_space<semaphore_mem>>
      %dma_start3A = arith.constant 0 : i32
      %dma_start3A_38 = arith.constant 0 : i32
      %dma_start3A_39 = tpu.memref_slice %arg6[%add3A_1, %dma_start3A, %dma_start3A_38] : memref<4x10240x128xf32, #tpu.memory_space<hbm>> -> memref<1x10240x128xf32, #tpu.memory_space<hbm>>
      %dma_start3A_40 = tpu.memref_squeeze %dma_start3A_39 : memref<1x10240x128xf32, #tpu.memory_space<hbm>> -> memref<10240x128xf32, #tpu.memory_space<hbm>>
      %dma_start3A_41 = arith.constant 0 : i32
      %dma_start3A_42 = tpu.memref_slice %dma_start3A_40[%mul3A_15, %dma_start3A_41] : memref<10240x128xf32, #tpu.memory_space<hbm>> -> memref<640x128xf32, #tpu.memory_space<hbm>>
      %dma_start3A_43 = arith.constant 0 : i32
      %dma_start3A_44 = tpu.memref_slice %arg10[%mul3A_13, %dma_start3A_43] : memref<10240x128xf32, #tpu.memory_space<vmem_shared>> -> memref<640x128xf32, #tpu.memory_space<vmem_shared>>
      tpu.enqueue_dma source(%dma_start3A_44 : memref<640x128xf32, #tpu.memory_space<vmem_shared>>) target(%dma_start3A_42 : memref<640x128xf32, #tpu.memory_space<hbm>>) target_semaphore(%run_scoped3A : memref<!tpu.dma_semaphore, #tpu.memory_space<semaphore_mem>>)
      %dma_wait3A = arith.constant 0 : i32
      %dma_wait3A_45 = arith.constant 0 : i32
      %dma_wait3A_46 = tpu.memref_slice %arg6[%add3A_1, %dma_wait3A, %dma_wait3A_45] : memref<4x10240x128xf32, #tpu.memory_space<hbm>> -> memref<1x10240x128xf32, #tpu.memory_space<hbm>>
      %dma_wait3A_47 = tpu.memref_squeeze %dma_wait3A_46 : memref<1x10240x128xf32, #tpu.memory_space<hbm>> -> memref<10240x128xf32, #tpu.memory_space<hbm>>
      %dma_wait3A_48 = arith.constant 0 : i32
      %dma_wait3A_49 = tpu.memref_slice %dma_wait3A_47[%mul3A_15, %dma_wait3A_48] : memref<10240x128xf32, #tpu.memory_space<hbm>> -> memref<640x128xf32, #tpu.memory_space<hbm>>
      %dma_wait3A_50 = arith.constant 0 : i32
      %dma_wait3A_51 = tpu.memref_slice %arg10[%mul3A_13, %dma_wait3A_50] : memref<10240x128xf32, #tpu.memory_space<vmem_shared>> -> memref<640x128xf32, #tpu.memory_space<vmem_shared>>
      tpu.wait_dma2 semaphore(%run_scoped3A : memref<!tpu.dma_semaphore, #tpu.memory_space<semaphore_mem>>) src(%dma_wait3A_51 : memref<640x128xf32, #tpu.memory_space<vmem_shared>>) dst(%dma_wait3A_49 : memref<640x128xf32, #tpu.memory_space<hbm>>)
      tpu.yield
    }) : () -> ()
    %barrier3A_16 = arith.constant 0 : index
    tpu.barrier barrier_id(%barrier3A_16)
    %mul3A_17 = arith.constant 2 : i32
    %mul3A_18 = arith.muli %arg0, %mul3A_17 : i32
    %add3A_19 = arith.constant 1 : i32
    %add3A_20 = arith.addi %mul3A_18, %add3A_19 : i32
    %mul3A_21 = arith.constant 640 : i32
    %mul3A_22 = arith.muli %arg1, %mul3A_21 : i32
    %mul3A_23 = arith.constant 640 : i32
    %mul3A_24 = arith.muli %arg1, %mul3A_23 : i32
    "tpu.region"() ({
      %run_scoped3A = tpu.sem_alloc : memref<!tpu.dma_semaphore, #tpu.memory_space<semaphore_mem>>
      %dma_start3A = arith.constant 0 : i32
      %dma_start3A_38 = tpu.memref_slice %arg10[%mul3A_24, %dma_start3A] : memref<10240x128xf32, #tpu.memory_space<vmem_shared>> -> memref<640x128xf32, #tpu.memory_space<vmem_shared>>
      %dma_start3A_39 = arith.constant 0 : i32
      %dma_start3A_40 = tpu.memref_slice %arg5[%mul3A_22, %dma_start3A_39] : memref<10240x128xf32, #tpu.memory_space<hbm>> -> memref<640x128xf32, #tpu.memory_space<hbm>>
      tpu.enqueue_dma source(%dma_start3A_40 : memref<640x128xf32, #tpu.memory_space<hbm>>) target(%dma_start3A_38 : memref<640x128xf32, #tpu.memory_space<vmem_shared>>) target_semaphore(%run_scoped3A : memref<!tpu.dma_semaphore, #tpu.memory_space<semaphore_mem>>)
      %dma_wait3A = arith.constant 0 : i32
      %dma_wait3A_41 = tpu.memref_slice %arg10[%mul3A_24, %dma_wait3A] : memref<10240x128xf32, #tpu.memory_space<vmem_shared>> -> memref<640x128xf32, #tpu.memory_space<vmem_shared>>
      %dma_wait3A_42 = arith.constant 0 : i32
      %dma_wait3A_43 = tpu.memref_slice %arg5[%mul3A_22, %dma_wait3A_42] : memref<10240x128xf32, #tpu.memory_space<hbm>> -> memref<640x128xf32, #tpu.memory_space<hbm>>
      tpu.wait_dma2 semaphore(%run_scoped3A : memref<!tpu.dma_semaphore, #tpu.memory_space<semaphore_mem>>) src(%dma_wait3A_43 : memref<640x128xf32, #tpu.memory_space<hbm>>) dst(%dma_wait3A_41 : memref<640x128xf32, #tpu.memory_space<vmem_shared>>)
      tpu.yield
    }) : () -> ()
    "tpu.region"() ({
      %run_scoped3A = tpu.sem_alloc : memref<!tpu.dma_semaphore, #tpu.memory_space<semaphore_mem>>
      %dma_start3A = arith.constant 0 : i32
      %dma_start3A_38 = arith.constant 0 : i32
      %dma_start3A_39 = arith.constant 0 : i32
      %dma_start3A_40 = tpu.memref_slice %arg3[%add3A_20, %dma_start3A, %dma_start3A_38, %dma_start3A_39] : memref<4x16x25x128xi32, #tpu.memory_space<hbm>> -> memref<1x16x25x128xi32, #tpu.memory_space<hbm>>
      %dma_start3A_41 = tpu.memref_squeeze %dma_start3A_40 : memref<1x16x25x128xi32, #tpu.memory_space<hbm>> -> memref<16x25x128xi32, #tpu.memory_space<hbm>>
      %dma_start3A_42 = arith.constant 0 : i32
      %dma_start3A_43 = arith.constant 0 : i32
      %dma_start3A_44 = tpu.memref_slice %dma_start3A_41[%arg1, %dma_start3A_42, %dma_start3A_43] : memref<16x25x128xi32, #tpu.memory_space<hbm>> -> memref<1x25x128xi32, #tpu.memory_space<hbm>>
      %dma_start3A_45 = tpu.memref_squeeze %dma_start3A_44 : memref<1x25x128xi32, #tpu.memory_space<hbm>> -> memref<25x128xi32, #tpu.memory_space<hbm>>
      %dma_start3A_46 = arith.constant 0 : i32
      %dma_start3A_47 = arith.constant 0 : i32
      %dma_start3A_48 = arith.constant 0 : i32
      %dma_start3A_49 = tpu.memref_slice %arg3[%add3A_20, %dma_start3A_46, %dma_start3A_47, %dma_start3A_48] : memref<4x16x25x128xi32, #tpu.memory_space<hbm>> -> memref<1x16x25x128xi32, #tpu.memory_space<hbm>>
      %dma_start3A_50 = tpu.memref_squeeze %dma_start3A_49 : memref<1x16x25x128xi32, #tpu.memory_space<hbm>> -> memref<16x25x128xi32, #tpu.memory_space<hbm>>
      %dma_start3A_51 = arith.constant 0 : i32
      %dma_start3A_52 = arith.constant 0 : i32
      %dma_start3A_53 = tpu.memref_slice %dma_start3A_50[%arg1, %dma_start3A_51, %dma_start3A_52] : memref<16x25x128xi32, #tpu.memory_space<hbm>> -> memref<1x25x128xi32, #tpu.memory_space<hbm>>
      %dma_start3A_54 = tpu.memref_squeeze %dma_start3A_53 : memref<1x25x128xi32, #tpu.memory_space<hbm>> -> memref<25x128xi32, #tpu.memory_space<hbm>>
      tpu.enqueue_dma source(%dma_start3A_54 : memref<25x128xi32, #tpu.memory_space<hbm>>) target(%arg7 : memref<25x128xi32, #tpu.memory_space<vmem>>) target_semaphore(%run_scoped3A : memref<!tpu.dma_semaphore, #tpu.memory_space<semaphore_mem>>)
      %dma_wait3A = arith.constant 0 : i32
      %dma_wait3A_55 = arith.constant 0 : i32
      %dma_wait3A_56 = arith.constant 0 : i32
      %dma_wait3A_57 = tpu.memref_slice %arg3[%add3A_20, %dma_wait3A, %dma_wait3A_55, %dma_wait3A_56] : memref<4x16x25x128xi32, #tpu.memory_space<hbm>> -> memref<1x16x25x128xi32, #tpu.memory_space<hbm>>
      %dma_wait3A_58 = tpu.memref_squeeze %dma_wait3A_57 : memref<1x16x25x128xi32, #tpu.memory_space<hbm>> -> memref<16x25x128xi32, #tpu.memory_space<hbm>>
      %dma_wait3A_59 = arith.constant 0 : i32
      %dma_wait3A_60 = arith.constant 0 : i32
      %dma_wait3A_61 = tpu.memref_slice %dma_wait3A_58[%arg1, %dma_wait3A_59, %dma_wait3A_60] : memref<16x25x128xi32, #tpu.memory_space<hbm>> -> memref<1x25x128xi32, #tpu.memory_space<hbm>>
      %dma_wait3A_62 = tpu.memref_squeeze %dma_wait3A_61 : memref<1x25x128xi32, #tpu.memory_space<hbm>> -> memref<25x128xi32, #tpu.memory_space<hbm>>
      %dma_wait3A_63 = arith.constant 0 : i32
      %dma_wait3A_64 = arith.constant 0 : i32
      %dma_wait3A_65 = arith.constant 0 : i32
      %dma_wait3A_66 = tpu.memref_slice %arg3[%add3A_20, %dma_wait3A_63, %dma_wait3A_64, %dma_wait3A_65] : memref<4x16x25x128xi32, #tpu.memory_space<hbm>> -> memref<1x16x25x128xi32, #tpu.memory_space<hbm>>
      %dma_wait3A_67 = tpu.memref_squeeze %dma_wait3A_66 : memref<1x16x25x128xi32, #tpu.memory_space<hbm>> -> memref<16x25x128xi32, #tpu.memory_space<hbm>>
      %dma_wait3A_68 = arith.constant 0 : i32
      %dma_wait3A_69 = arith.constant 0 : i32
      %dma_wait3A_70 = tpu.memref_slice %dma_wait3A_67[%arg1, %dma_wait3A_68, %dma_wait3A_69] : memref<16x25x128xi32, #tpu.memory_space<hbm>> -> memref<1x25x128xi32, #tpu.memory_space<hbm>>
      %dma_wait3A_71 = tpu.memref_squeeze %dma_wait3A_70 : memref<1x25x128xi32, #tpu.memory_space<hbm>> -> memref<25x128xi32, #tpu.memory_space<hbm>>
      tpu.wait_dma2 semaphore(%run_scoped3A : memref<!tpu.dma_semaphore, #tpu.memory_space<semaphore_mem>>) src(%dma_wait3A_71 : memref<25x128xi32, #tpu.memory_space<hbm>>) dst(%arg7 : memref<25x128xi32, #tpu.memory_space<vmem>>)
      tpu.yield
    }) : () -> ()
    %barrier3A_25 = arith.constant 0 : index
    tpu.barrier barrier_id(%barrier3A_25)
    %scan3A_26 = arith.constant 0 : i32
    %scan3A_27 = arith.constant 0 : i32
    %scan3A_28 = arith.constant 25 : i32
    %scan3A_29 = arith.addi %scan3A_27, %scan3A_28 : i32
    %scan3A_30 = arith.constant 1 : i32
    scf.for %scan3A_38 = %scan3A_27 to %scan3A_29 step %scan3A_30  : i32 {
      %dma_start3A = arith.constant 0 : i32
      %dma_start3A_39 = tpu.memref_slice %arg7[%scan3A_38, %dma_start3A] : memref<25x128xi32, #tpu.memory_space<vmem>> -> memref<1x128xi32, #tpu.memory_space<vmem>>
      %dma_start3A_40 = tpu.memref_squeeze %dma_start3A_39 : memref<1x128xi32, #tpu.memory_space<vmem>> -> memref<128xi32, #tpu.memory_space<vmem>>
      %dma_start3A_41 = arith.constant 0 : i32
      %dma_start3A_42 = arith.constant 0 : i32
      %dma_start3A_43 = tpu.memref_slice %arg2[%dma_start3A_41, %dma_start3A_42] : memref<122880x128xf32, #tpu.memory_space<hbm>> -> memref<122880x128xf32, #tpu.memory_space<hbm>>
      tpu.enqueue_indirect_dma source(%dma_start3A_43 : memref<122880x128xf32, #tpu.memory_space<hbm>>) target(%arg9 : memref<128x128xf32, #tpu.memory_space<vmem>>) offsets(%dma_start3A_40 : memref<128xi32, #tpu.memory_space<vmem>>) semaphore(%arg11 : memref<!tpu.dma_semaphore, #tpu.memory_space<semaphore_mem>>)
      %dma_wait3A = arith.constant 0 : i32
      %dma_wait3A_44 = tpu.memref_slice %arg7[%scan3A_38, %dma_wait3A] : memref<25x128xi32, #tpu.memory_space<vmem>> -> memref<1x128xi32, #tpu.memory_space<vmem>>
      %dma_wait3A_45 = tpu.memref_squeeze %dma_wait3A_44 : memref<1x128xi32, #tpu.memory_space<vmem>> -> memref<128xi32, #tpu.memory_space<vmem>>
      %dma_wait3A_46 = arith.constant 0 : i32
      %dma_wait3A_47 = arith.constant 0 : i32
      %dma_wait3A_48 = tpu.memref_slice %arg2[%dma_wait3A_46, %dma_wait3A_47] : memref<122880x128xf32, #tpu.memory_space<hbm>> -> memref<122880x128xf32, #tpu.memory_space<hbm>>
      tpu.wait_indirect_dma semaphore(%arg11 : memref<!tpu.dma_semaphore, #tpu.memory_space<semaphore_mem>>) src(%dma_wait3A_48 : memref<122880x128xf32, #tpu.memory_space<hbm>>) dst(%arg9 : memref<128x128xf32, #tpu.memory_space<vmem>>)
      "tpu.region"() ({
        %run_scoped3A = tpu.sem_alloc : memref<!tpu.dma_semaphore, #tpu.memory_space<semaphore_mem>>
        %dma_start3A_49 = arith.constant 0 : i32
        %dma_start3A_50 = tpu.memref_slice %arg8[%scan3A_38, %dma_start3A_49] : memref<25x128xi32, #tpu.memory_space<vmem>> -> memref<1x128xi32, #tpu.memory_space<vmem>>
        %dma_start3A_51 = tpu.memref_squeeze %dma_start3A_50 : memref<1x128xi32, #tpu.memory_space<vmem>> -> memref<128xi32, #tpu.memory_space<vmem>>
        %dma_start3A_52 = arith.constant 0 : i32
        %dma_start3A_53 = arith.constant 0 : i32
        %dma_start3A_54 = tpu.memref_slice %arg10[%dma_start3A_52, %dma_start3A_53] : memref<10240x128xf32, #tpu.memory_space<vmem_shared>> -> memref<10240x128xf32, #tpu.memory_space<vmem_shared>>
        tpu.enqueue_indirect_dma source(%arg9 : memref<128x128xf32, #tpu.memory_space<vmem>>) target(%dma_start3A_54 : memref<10240x128xf32, #tpu.memory_space<vmem_shared>>) offsets(%dma_start3A_51 : memref<128xi32, #tpu.memory_space<vmem>>) semaphore(%run_scoped3A : memref<!tpu.dma_semaphore, #tpu.memory_space<semaphore_mem>>) {add = true}
        %dma_wait3A_55 = arith.constant 0 : i32
        %dma_wait3A_56 = tpu.memref_slice %arg8[%scan3A_38, %dma_wait3A_55] : memref<25x128xi32, #tpu.memory_space<vmem>> -> memref<1x128xi32, #tpu.memory_space<vmem>>
        %dma_wait3A_57 = tpu.memref_squeeze %dma_wait3A_56 : memref<1x128xi32, #tpu.memory_space<vmem>> -> memref<128xi32, #tpu.memory_space<vmem>>
        %dma_wait3A_58 = arith.constant 0 : i32
        %dma_wait3A_59 = arith.constant 0 : i32
        %dma_wait3A_60 = tpu.memref_slice %arg10[%dma_wait3A_58, %dma_wait3A_59] : memref<10240x128xf32, #tpu.memory_space<vmem_shared>> -> memref<10240x128xf32, #tpu.memory_space<vmem_shared>>
        tpu.wait_indirect_dma semaphore(%run_scoped3A : memref<!tpu.dma_semaphore, #tpu.memory_space<semaphore_mem>>) src(%arg9 : memref<128x128xf32, #tpu.memory_space<vmem>>) dst(%dma_wait3A_60 : memref<10240x128xf32, #tpu.memory_space<vmem_shared>>)
        tpu.yield
      }) : () -> ()
    }
    %scan3A_31 = arith.constant 25 : i32
    %barrier3A_32 = arith.constant 0 : index
    tpu.barrier barrier_id(%barrier3A_32)
    %mul3A_33 = arith.constant 640 : i32
    %mul3A_34 = arith.muli %arg1, %mul3A_33 : i32
    %mul3A_35 = arith.constant 640 : i32
    %mul3A_36 = arith.muli %arg1, %mul3A_35 : i32
    "tpu.region"() ({
      %run_scoped3A = tpu.sem_alloc : memref<!tpu.dma_semaphore, #tpu.memory_space<semaphore_mem>>
      %dma_start3A = arith.constant 0 : i32
      %dma_start3A_38 = arith.constant 0 : i32
      %dma_start3A_39 = tpu.memref_slice %arg6[%add3A_20, %dma_start3A, %dma_start3A_38] : memref<4x10240x128xf32, #tpu.memory_space<hbm>> -> memref<1x10240x128xf32, #tpu.memory_space<hbm>>
      %dma_start3A_40 = tpu.memref_squeeze %dma_start3A_39 : memref<1x10240x128xf32, #tpu.memory_space<hbm>> -> memref<10240x128xf32, #tpu.memory_space<hbm>>
      %dma_start3A_41 = arith.constant 0 : i32
      %dma_start3A_42 = tpu.memref_slice %dma_start3A_40[%mul3A_36, %dma_start3A_41] : memref<10240x128xf32, #tpu.memory_space<hbm>> -> memref<640x128xf32, #tpu.memory_space<hbm>>
      %dma_start3A_43 = arith.constant 0 : i32
      %dma_start3A_44 = tpu.memref_slice %arg10[%mul3A_34, %dma_start3A_43] : memref<10240x128xf32, #tpu.memory_space<vmem_shared>> -> memref<640x128xf32, #tpu.memory_space<vmem_shared>>
      tpu.enqueue_dma source(%dma_start3A_44 : memref<640x128xf32, #tpu.memory_space<vmem_shared>>) target(%dma_start3A_42 : memref<640x128xf32, #tpu.memory_space<hbm>>) target_semaphore(%run_scoped3A : memref<!tpu.dma_semaphore, #tpu.memory_space<semaphore_mem>>)
      %dma_wait3A = arith.constant 0 : i32
      %dma_wait3A_45 = arith.constant 0 : i32
      %dma_wait3A_46 = tpu.memref_slice %arg6[%add3A_20, %dma_wait3A, %dma_wait3A_45] : memref<4x10240x128xf32, #tpu.memory_space<hbm>> -> memref<1x10240x128xf32, #tpu.memory_space<hbm>>
      %dma_wait3A_47 = tpu.memref_squeeze %dma_wait3A_46 : memref<1x10240x128xf32, #tpu.memory_space<hbm>> -> memref<10240x128xf32, #tpu.memory_space<hbm>>
      %dma_wait3A_48 = arith.constant 0 : i32
      %dma_wait3A_49 = tpu.memref_slice %dma_wait3A_47[%mul3A_36, %dma_wait3A_48] : memref<10240x128xf32, #tpu.memory_space<hbm>> -> memref<640x128xf32, #tpu.memory_space<hbm>>
      %dma_wait3A_50 = arith.constant 0 : i32
      %dma_wait3A_51 = tpu.memref_slice %arg10[%mul3A_34, %dma_wait3A_50] : memref<10240x128xf32, #tpu.memory_space<vmem_shared>> -> memref<640x128xf32, #tpu.memory_space<vmem_shared>>
      tpu.wait_dma2 semaphore(%run_scoped3A : memref<!tpu.dma_semaphore, #tpu.memory_space<semaphore_mem>>) src(%dma_wait3A_51 : memref<640x128xf32, #tpu.memory_space<vmem_shared>>) dst(%dma_wait3A_49 : memref<640x128xf32, #tpu.memory_space<hbm>>)
      tpu.yield
    }) : () -> ()
    %barrier3A_37 = arith.constant 0 : index
    tpu.barrier barrier_id(%barrier3A_37)
    return
  }
}

module attributes {stable_mosaic.version = 14 : i64} {
  func.func @_k0_body(%arg0: i32, %arg1: memref<512x1xi32, #tpu.memory_space<vmem>>, %arg2: memref<512x256xf32, #tpu.memory_space<vmem>>, %arg3: memref<32x256xf32, #tpu.memory_space<vmem>>, %arg4: memref<256x512xf32, #tpu.memory_space<vmem>>, %arg5: memref<256x512xf32, #tpu.memory_space<vmem>>, %arg6: memref<1x512xf32, #tpu.memory_space<vmem>>, %arg7: memref<512x512xf32, #tpu.memory_space<vmem>>) attributes {dimension_semantics = [#tpu.dimension_semantics<arbitrary>], iteration_bounds = array<i64: 20>, scalar_prefetch = 0 : i64, scratch_operands = 0 : i64, tpu.core_type = #tpu.core_type<tc>, window_params = [{transform_indices = @transform_0, window_bounds = array<i64: 512, 1>}, {transform_indices = @transform_1, window_bounds = array<i64: 512, 256>}, {pipeline_mode = #tpu.pipeline_mode<synchronous>, transform_indices = @transform_2, window_bounds = array<i64: 32, 256>}, {pipeline_mode = #tpu.pipeline_mode<synchronous>, transform_indices = @transform_3, window_bounds = array<i64: 256, 512>}, {pipeline_mode = #tpu.pipeline_mode<synchronous>, transform_indices = @transform_4, window_bounds = array<i64: 256, 512>}, {pipeline_mode = #tpu.pipeline_mode<synchronous>, transform_indices = @transform_5, window_bounds = array<i64: 1, 512>}, {transform_indices = @transform_6, window_bounds = array<i64: 512, 512>}]} {
    %get3A = arith.constant 0 : index
    %get3A_0 = arith.constant 0 : index
    %get3A_1 = vector.load %arg1[%get3A, %get3A_0] : memref<512x1xi32, #tpu.memory_space<vmem>>, vector<512x1xi32>
    %iota3A = tpu.iota {dimensions = array<i32: 1>} : vector<512x32xi32>
    %eq3A = vector.broadcast %get3A_1 : vector<512x1xi32> to vector<512x32xi32>
    %eq3A_2 = arith.cmpi eq, %iota3A, %eq3A : vector<512x32xi32>
    %convert_element_type3A = arith.extui %eq3A_2 : vector<512x32xi1> to vector<512x32xi32>
    %convert_element_type3A_3 = arith.sitofp %convert_element_type3A : vector<512x32xi32> to vector<512x32xf32>
    %get3A_4 = arith.constant 0 : index
    %get3A_5 = arith.constant 0 : index
    %get3A_6 = vector.load %arg3[%get3A_4, %get3A_5] : memref<32x256xf32, #tpu.memory_space<vmem>>, vector<32x256xf32>
    %get3A_7 = arith.constant 0 : index
    %get3A_8 = arith.constant 0 : index
    %get3A_9 = vector.load %arg4[%get3A_7, %get3A_8] : memref<256x512xf32, #tpu.memory_space<vmem>>, vector<256x512xf32>
    %dot_general3A = arith.constant dense<0.000000e+00> : vector<32x512xf32>
    %dot_general3A_10 = tpu.matmul %get3A_6, %get3A_9, %dot_general3A {dimension_numbers = #tpu.dot_dimension_numbers<[1], [0], [0], [1], [0, 0, 1, 1], [], []>, transpose_lhs_hint = false} : vector<32x256xf32>, vector<256x512xf32>, vector<32x512xf32> -> vector<32x512xf32>
    %dot_general3A_11 = arith.constant dense<0.000000e+00> : vector<512x512xf32>
    %dot_general3A_12 = tpu.matmul %convert_element_type3A_3, %dot_general3A_10, %dot_general3A_11 {dimension_numbers = #tpu.dot_dimension_numbers<[1], [0], [0], [1], [0, 0, 1, 1], [], []>, transpose_lhs_hint = false} : vector<512x32xf32>, vector<32x512xf32>, vector<512x512xf32> -> vector<512x512xf32>
    %get3A_13 = arith.constant 0 : index
    %get3A_14 = arith.constant 0 : index
    %get3A_15 = vector.load %arg2[%get3A_13, %get3A_14] : memref<512x256xf32, #tpu.memory_space<vmem>>, vector<512x256xf32>
    %get3A_16 = arith.constant 0 : index
    %get3A_17 = arith.constant 0 : index
    %get3A_18 = vector.load %arg5[%get3A_16, %get3A_17] : memref<256x512xf32, #tpu.memory_space<vmem>>, vector<256x512xf32>
    %dot_general3A_19 = arith.constant dense<0.000000e+00> : vector<512x512xf32>
    %dot_general3A_20 = tpu.matmul %get3A_15, %get3A_18, %dot_general3A_19 {dimension_numbers = #tpu.dot_dimension_numbers<[1], [0], [0], [1], [0, 0, 1, 1], [], []>, transpose_lhs_hint = false} : vector<512x256xf32>, vector<256x512xf32>, vector<512x512xf32> -> vector<512x512xf32>
    %add3A = arith.addf %dot_general3A_12, %dot_general3A_20 : vector<512x512xf32>
    %get3A_21 = arith.constant 0 : index
    %get3A_22 = arith.constant 0 : index
    %get3A_23 = vector.load %arg6[%get3A_21, %get3A_22] : memref<1x512xf32, #tpu.memory_space<vmem>>, vector<1x512xf32>
    %add3A_24 = vector.broadcast %get3A_23 : vector<1x512xf32> to vector<512x512xf32>
    %add3A_25 = arith.addf %add3A, %add3A_24 : vector<512x512xf32>
    %swap3A = arith.constant 0 : index
    %swap3A_26 = arith.constant 0 : index
    %swap3A_27 = vector.load %arg7[%swap3A, %swap3A_26] : memref<512x512xf32, #tpu.memory_space<vmem>>, vector<512x512xf32>
    tpu.vector_store %arg7[%swap3A, %swap3A_26], %add3A_25 {strides = array<i32>} : memref<512x512xf32, #tpu.memory_space<vmem>>, vector<512x512xf32>,
    return
  }
  func.func @transform_0(%arg0: i32) -> (i32, i32) {
    %c0_i32 = arith.constant 0 : i32
    %c0_i32_0 = arith.constant 0 : i32
    return %arg0, %c0_i32 : i32, i32
  }
  func.func @transform_1(%arg0: i32) -> (i32, i32) {
    %c0_i32 = arith.constant 0 : i32
    %c0_i32_0 = arith.constant 0 : i32
    return %arg0, %c0_i32 : i32, i32
  }
  func.func @transform_2(%arg0: i32) -> (i32, i32) {
    %c0_i32 = arith.constant 0 : i32
    %c0_i32_0 = arith.constant 0 : i32
    %c0_i32_1 = arith.constant 0 : i32
    return %c0_i32, %c0_i32_0 : i32, i32
  }
  func.func @transform_3(%arg0: i32) -> (i32, i32) {
    %c0_i32 = arith.constant 0 : i32
    %c0_i32_0 = arith.constant 0 : i32
    %c0_i32_1 = arith.constant 0 : i32
    return %c0_i32, %c0_i32_0 : i32, i32
  }
  func.func @transform_4(%arg0: i32) -> (i32, i32) {
    %c0_i32 = arith.constant 0 : i32
    %c0_i32_0 = arith.constant 0 : i32
    %c0_i32_1 = arith.constant 0 : i32
    return %c0_i32, %c0_i32_0 : i32, i32
  }
  func.func @transform_5(%arg0: i32) -> (i32, i32) {
    %c0_i32 = arith.constant 0 : i32
    %c0_i32_0 = arith.constant 0 : i32
    %c0_i32_1 = arith.constant 0 : i32
    return %c0_i32, %c0_i32_0 : i32, i32
  }
  func.func @transform_6(%arg0: i32) -> (i32, i32) {
    %c0_i32 = arith.constant 0 : i32
    %c0_i32_0 = arith.constant 0 : i32
    return %arg0, %c0_i32 : i32, i32
  }
}

module attributes {stable_mosaic.version = 14 : i64} {
  func.func @_k1_body(%arg0: i32, %arg1: memref<512x512xf32, #tpu.memory_space<vmem>>, %arg2: memref<512x1536xf32, #tpu.memory_space<vmem>>, %arg3: memref<512x1536xf32, #tpu.memory_space<vmem>>) attributes {dimension_semantics = [#tpu.dimension_semantics<arbitrary>], iteration_bounds = array<i64: 20>, scalar_prefetch = 0 : i64, scratch_operands = 0 : i64, tpu.core_type = #tpu.core_type<tc>, window_params = [{transform_indices = @transform_0, window_bounds = array<i64: 512, 512>}, {pipeline_mode = #tpu.pipeline_mode<synchronous>, transform_indices = @transform_1, window_bounds = array<i64: 512, 1536>}, {transform_indices = @transform_2, window_bounds = array<i64: 512, 1536>}]} {
    %get3A = arith.constant 0 : index
    %get3A_0 = arith.constant 0 : index
    %get3A_1 = vector.load %arg1[%get3A, %get3A_0] : memref<512x512xf32, #tpu.memory_space<vmem>>, vector<512x512xf32>
    %get3A_2 = arith.constant 0 : index
    %get3A_3 = arith.constant 0 : index
    %get3A_4 = vector.load %arg2[%get3A_2, %get3A_3] : memref<512x1536xf32, #tpu.memory_space<vmem>>, vector<512x1536xf32>
    %dot_general3A = arith.constant dense<0.000000e+00> : vector<512x1536xf32>
    %dot_general3A_5 = tpu.matmul %get3A_1, %get3A_4, %dot_general3A {dimension_numbers = #tpu.dot_dimension_numbers<[1], [0], [0], [1], [0, 0, 1, 1], [], []>, transpose_lhs_hint = false} : vector<512x512xf32>, vector<512x1536xf32>, vector<512x1536xf32> -> vector<512x1536xf32>
    %swap3A = arith.constant 0 : index
    %swap3A_6 = arith.constant 0 : index
    %swap3A_7 = vector.load %arg3[%swap3A, %swap3A_6] : memref<512x1536xf32, #tpu.memory_space<vmem>>, vector<512x1536xf32>
    tpu.vector_store %arg3[%swap3A, %swap3A_6], %dot_general3A_5 {strides = array<i32>} : memref<512x1536xf32, #tpu.memory_space<vmem>>, vector<512x1536xf32>,
    return
  }
  func.func @transform_0(%arg0: i32) -> (i32, i32) {
    %c0_i32 = arith.constant 0 : i32
    %c0_i32_0 = arith.constant 0 : i32
    return %arg0, %c0_i32 : i32, i32
  }
  func.func @transform_1(%arg0: i32) -> (i32, i32) {
    %c0_i32 = arith.constant 0 : i32
    %c0_i32_0 = arith.constant 0 : i32
    %c0_i32_1 = arith.constant 0 : i32
    return %c0_i32, %c0_i32_0 : i32, i32
  }
  func.func @transform_2(%arg0: i32) -> (i32, i32) {
    %c0_i32 = arith.constant 0 : i32
    %c0_i32_0 = arith.constant 0 : i32
    return %arg0, %c0_i32 : i32, i32
  }
}

module attributes {stable_mosaic.version = 14 : i64} {
  func.func @_k2_body(%arg0: i32, %arg1: memref<512x1536xf32, #tpu.memory_space<vmem>>, %arg2: memref<4x512x128xf32, #tpu.memory_space<vmem>>, %arg3: memref<512x128xf32, #tpu.memory_space<vmem>>, %arg4: memref<512x512xf32, #tpu.memory_space<vmem>>, %arg5: memref<1x512xf32, #tpu.memory_space<vmem>>, %arg6: memref<1x512xf32, #tpu.memory_space<vmem>>, %arg7: memref<1x512xf32, #tpu.memory_space<vmem>>, %arg8: memref<1x512xf32, #tpu.memory_space<vmem>>, %arg9: memref<512x512xf32, #tpu.memory_space<vmem>>) attributes {dimension_semantics = [#tpu.dimension_semantics<arbitrary>], iteration_bounds = array<i64: 20>, scalar_prefetch = 0 : i64, scratch_operands = 0 : i64, tpu.core_type = #tpu.core_type<tc>, window_params = [{transform_indices = @transform_0, window_bounds = array<i64: 512, 1536>}, {transform_indices = @transform_1, window_bounds = array<i64: 4, 512, 128>}, {transform_indices = @transform_2, window_bounds = array<i64: 512, 128>}, {transform_indices = @transform_3, window_bounds = array<i64: 512, 512>}, {pipeline_mode = #tpu.pipeline_mode<synchronous>, transform_indices = @transform_4, window_bounds = array<i64: 1, 512>}, {pipeline_mode = #tpu.pipeline_mode<synchronous>, transform_indices = @transform_5, window_bounds = array<i64: 1, 512>}, {pipeline_mode = #tpu.pipeline_mode<synchronous>, transform_indices = @transform_6, window_bounds = array<i64: 1, 512>}, {pipeline_mode = #tpu.pipeline_mode<synchronous>, transform_indices = @transform_7, window_bounds = array<i64: 1, 512>}, {transform_indices = @transform_8, window_bounds = array<i64: 512, 512>}]} {
    %get3A = arith.constant 0 : index
    %get3A_0 = arith.constant 0 : index
    %get3A_1 = vector.load %arg1[%get3A, %get3A_0] : memref<512x1536xf32, #tpu.memory_space<vmem>>, vector<512x1536xf32>
    %slice3A = vector.extract_strided_slice %get3A_1 {offsets = [0, 0], sizes = [512, 512], strides = [1, 1]} : vector<512x1536xf32> to vector<512x512xf32>
    %slice3A_2 = vector.extract_strided_slice %get3A_1 {offsets = [0, 512], sizes = [512, 512], strides = [1, 1]} : vector<512x1536xf32> to vector<512x512xf32>
    %get3A_3 = arith.constant 0 : index
    %get3A_4 = arith.constant 0 : index
    %get3A_5 = arith.constant 0 : index
    %get3A_6 = vector.load %arg2[%get3A_3, %get3A_4, %get3A_5] : memref<4x512x128xf32, #tpu.memory_space<vmem>>, vector<1x512x128xf32>
    %get3A_7 = vector.shape_cast %get3A_6 : vector<1x512x128xf32> to vector<512x128xf32>
    %get3A_8 = arith.constant 1 : index
    %get3A_9 = arith.constant 0 : index
    %get3A_10 = arith.constant 0 : index
    %get3A_11 = vector.load %arg2[%get3A_8, %get3A_9, %get3A_10] : memref<4x512x128xf32, #tpu.memory_space<vmem>>, vector<1x512x128xf32>
    %get3A_12 = vector.shape_cast %get3A_11 : vector<1x512x128xf32> to vector<512x128xf32>
    %get3A_13 = arith.constant 2 : index
    %get3A_14 = arith.constant 0 : index
    %get3A_15 = arith.constant 0 : index
    %get3A_16 = vector.load %arg2[%get3A_13, %get3A_14, %get3A_15] : memref<4x512x128xf32, #tpu.memory_space<vmem>>, vector<1x512x128xf32>
    %get3A_17 = vector.shape_cast %get3A_16 : vector<1x512x128xf32> to vector<512x128xf32>
    %get3A_18 = arith.constant 3 : index
    %get3A_19 = arith.constant 0 : index
    %get3A_20 = arith.constant 0 : index
    %get3A_21 = vector.load %arg2[%get3A_18, %get3A_19, %get3A_20] : memref<4x512x128xf32, #tpu.memory_space<vmem>>, vector<1x512x128xf32>
    %get3A_22 = vector.shape_cast %get3A_21 : vector<1x512x128xf32> to vector<512x128xf32>
    %concatenate3A = tpu.concatenate %get3A_7, %get3A_12, %get3A_17, %get3A_22 in 1 : vector<512x128xf32>, vector<512x128xf32>, vector<512x128xf32>, vector<512x128xf32> -> vector<512x512xf32>
    %get3A_23 = arith.constant 0 : index
    %get3A_24 = arith.constant 0 : index
    %get3A_25 = vector.load %arg3[%get3A_23, %get3A_24] : memref<512x128xf32, #tpu.memory_space<vmem>>, vector<512x128xf32>
    %slice3A_26 = vector.extract_strided_slice %get3A_25 {offsets = [0, 0], sizes = [512, 1], strides = [1, 1]} : vector<512x128xf32> to vector<512x1xf32>
    %get3A_27 = arith.constant 0 : index
    %get3A_28 = arith.constant 0 : index
    %get3A_29 = vector.load %arg6[%get3A_27, %get3A_28] : memref<1x512xf32, #tpu.memory_space<vmem>>, vector<1x512xf32>
    %add3A = vector.broadcast %get3A_29 : vector<1x512xf32> to vector<512x512xf32>
    %add3A_30 = arith.addf %slice3A, %add3A : vector<512x512xf32>
    %get3A_31 = arith.constant 0 : index
    %get3A_32 = arith.constant 0 : index
    %get3A_33 = vector.load %arg5[%get3A_31, %get3A_32] : memref<1x512xf32, #tpu.memory_space<vmem>>, vector<1x512xf32>
    %add3A_34 = vector.broadcast %get3A_33 : vector<1x512xf32> to vector<512x512xf32>
    %add3A_35 = arith.addf %slice3A_2, %add3A_34 : vector<512x512xf32>
    %mul3A = vector.broadcast %slice3A_26 : vector<512x1xf32> to vector<512x512xf32>
    %mul3A_36 = arith.mulf %mul3A, %add3A_35 : vector<512x512xf32>
    %add3A_37 = arith.addf %add3A_30, %mul3A_36 : vector<512x512xf32>
    %add3A_38 = arith.addf %add3A_37, %concatenate3A : vector<512x512xf32>
    %max3A = arith.constant 0.000000e+00 : f32
    %max3A_39 = vector.broadcast %max3A : f32 to vector<512x512xf32>
    %max3A_40 = arith.maximumf %add3A_38, %max3A_39 : vector<512x512xf32>
    %reduce_sum3A = arith.constant dense<0.000000e+00> : vector<512xf32>
    %reduce_sum3A_41 = vector.multi_reduction <add>, %max3A_40, %reduce_sum3A [1] : vector<512x512xf32> to vector<512xf32>
    %broadcast_in_dim3A = vector.shape_cast %reduce_sum3A_41 : vector<512xf32> to vector<512x1xf32>
    %div3A = arith.constant 5.120000e+02 : f32
    %div3A_42 = vector.broadcast %div3A : f32 to vector<512x1xf32>
    %div3A_43 = arith.divf %broadcast_in_dim3A, %div3A_42 : vector<512x1xf32>
    %sub3A = vector.broadcast %div3A_43 : vector<512x1xf32> to vector<512x512xf32>
    %sub3A_44 = arith.subf %max3A_40, %sub3A : vector<512x512xf32>
    %integer_pow3A = arith.mulf %sub3A_44, %sub3A_44 : vector<512x512xf32>
    %reduce_sum3A_45 = arith.constant dense<0.000000e+00> : vector<512xf32>
    %reduce_sum3A_46 = vector.multi_reduction <add>, %integer_pow3A, %reduce_sum3A_45 [1] : vector<512x512xf32> to vector<512xf32>
    %broadcast_in_dim3A_47 = vector.shape_cast %reduce_sum3A_46 : vector<512xf32> to vector<512x1xf32>
    %div3A_48 = arith.constant 5.120000e+02 : f32
    %div3A_49 = vector.broadcast %div3A_48 : f32 to vector<512x1xf32>
    %div3A_50 = arith.divf %broadcast_in_dim3A_47, %div3A_49 : vector<512x1xf32>
    %sub3A_51 = vector.broadcast %div3A_43 : vector<512x1xf32> to vector<512x512xf32>
    %sub3A_52 = arith.subf %max3A_40, %sub3A_51 : vector<512x512xf32>
    %add3A_53 = arith.constant 9.99999974E-6 : f32
    %add3A_54 = vector.broadcast %add3A_53 : f32 to vector<512x1xf32>
    %add3A_55 = arith.addf %div3A_50, %add3A_54 : vector<512x1xf32>
    %sqrt3A = math.sqrt %add3A_55 : vector<512x1xf32>
    %div3A_56 = vector.broadcast %sqrt3A : vector<512x1xf32> to vector<512x512xf32>
    %div3A_57 = arith.divf %sub3A_52, %div3A_56 : vector<512x512xf32>
    %get3A_58 = arith.constant 0 : index
    %get3A_59 = arith.constant 0 : index
    %get3A_60 = vector.load %arg7[%get3A_58, %get3A_59] : memref<1x512xf32, #tpu.memory_space<vmem>>, vector<1x512xf32>
    %mul3A_61 = vector.broadcast %get3A_60 : vector<1x512xf32> to vector<512x512xf32>
    %mul3A_62 = arith.mulf %div3A_57, %mul3A_61 : vector<512x512xf32>
    %get3A_63 = arith.constant 0 : index
    %get3A_64 = arith.constant 0 : index
    %get3A_65 = vector.load %arg8[%get3A_63, %get3A_64] : memref<1x512xf32, #tpu.memory_space<vmem>>, vector<1x512xf32>
    %add3A_66 = vector.broadcast %get3A_65 : vector<1x512xf32> to vector<512x512xf32>
    %add3A_67 = arith.addf %mul3A_62, %add3A_66 : vector<512x512xf32>
    %swap3A = arith.constant 0 : index
    %swap3A_68 = arith.constant 0 : index
    %swap3A_69 = vector.load %arg9[%swap3A, %swap3A_68] : memref<512x512xf32, #tpu.memory_space<vmem>>, vector<512x512xf32>
    tpu.vector_store %arg9[%swap3A, %swap3A_68], %add3A_67 {strides = array<i32>} : memref<512x512xf32, #tpu.memory_space<vmem>>, vector<512x512xf32>,
    return
  }
  func.func @transform_0(%arg0: i32) -> (i32, i32) {
    %c0_i32 = arith.constant 0 : i32
    %c0_i32_0 = arith.constant 0 : i32
    return %arg0, %c0_i32 : i32, i32
  }
  func.func @transform_1(%arg0: i32) -> (i32, i32, i32) {
    %c0_i32 = arith.constant 0 : i32
    %c0_i32_0 = arith.constant 0 : i32
    %c0_i32_1 = arith.constant 0 : i32
    return %c0_i32, %arg0, %c0_i32_0 : i32, i32, i32
  }
  func.func @transform_2(%arg0: i32) -> (i32, i32) {
    %c0_i32 = arith.constant 0 : i32
    %c0_i32_0 = arith.constant 0 : i32
    return %arg0, %c0_i32 : i32, i32
  }
  func.func @transform_3(%arg0: i32) -> (i32, i32) {
    %c0_i32 = arith.constant 0 : i32
    %c0_i32_0 = arith.constant 0 : i32
    return %arg0, %c0_i32 : i32, i32
  }
  func.func @transform_4(%arg0: i32) -> (i32, i32) {
    %c0_i32 = arith.constant 0 : i32
    %c0_i32_0 = arith.constant 0 : i32
    %c0_i32_1 = arith.constant 0 : i32
    return %c0_i32, %c0_i32_0 : i32, i32
  }
  func.func @transform_5(%arg0: i32) -> (i32, i32) {
    %c0_i32 = arith.constant 0 : i32
    %c0_i32_0 = arith.constant 0 : i32
    %c0_i32_1 = arith.constant 0 : i32
    return %c0_i32, %c0_i32_0 : i32, i32
  }
  func.func @transform_6(%arg0: i32) -> (i32, i32) {
    %c0_i32 = arith.constant 0 : i32
    %c0_i32_0 = arith.constant 0 : i32
    %c0_i32_1 = arith.constant 0 : i32
    return %c0_i32, %c0_i32_0 : i32, i32
  }
  func.func @transform_7(%arg0: i32) -> (i32, i32) {
    %c0_i32 = arith.constant 0 : i32
    %c0_i32_0 = arith.constant 0 : i32
    %c0_i32_1 = arith.constant 0 : i32
    return %c0_i32, %c0_i32_0 : i32, i32
  }
  func.func @transform_8(%arg0: i32) -> (i32, i32) {
    %c0_i32 = arith.constant 0 : i32
    %c0_i32_0 = arith.constant 0 : i32
    return %arg0, %c0_i32 : i32, i32
  }
}

module attributes {stable_mosaic.version = 14 : i64} {
  func.func @_k2_body(%arg0: i32, %arg1: memref<512x1536xf32, #tpu.memory_space<vmem>>, %arg2: memref<4x512x128xf32, #tpu.memory_space<vmem>>, %arg3: memref<512x128xf32, #tpu.memory_space<vmem>>, %arg4: memref<512x512xf32, #tpu.memory_space<vmem>>, %arg5: memref<1x512xf32, #tpu.memory_space<vmem>>, %arg6: memref<1x512xf32, #tpu.memory_space<vmem>>, %arg7: memref<1x512xf32, #tpu.memory_space<vmem>>, %arg8: memref<1x512xf32, #tpu.memory_space<vmem>>, %arg9: memref<512x512xf32, #tpu.memory_space<vmem>>) attributes {dimension_semantics = [#tpu.dimension_semantics<arbitrary>], iteration_bounds = array<i64: 20>, scalar_prefetch = 0 : i64, scratch_operands = 0 : i64, tpu.core_type = #tpu.core_type<tc>, window_params = [{transform_indices = @transform_0, window_bounds = array<i64: 512, 1536>}, {transform_indices = @transform_1, window_bounds = array<i64: 4, 512, 128>}, {transform_indices = @transform_2, window_bounds = array<i64: 512, 128>}, {transform_indices = @transform_3, window_bounds = array<i64: 512, 512>}, {pipeline_mode = #tpu.pipeline_mode<synchronous>, transform_indices = @transform_4, window_bounds = array<i64: 1, 512>}, {pipeline_mode = #tpu.pipeline_mode<synchronous>, transform_indices = @transform_5, window_bounds = array<i64: 1, 512>}, {pipeline_mode = #tpu.pipeline_mode<synchronous>, transform_indices = @transform_6, window_bounds = array<i64: 1, 512>}, {pipeline_mode = #tpu.pipeline_mode<synchronous>, transform_indices = @transform_7, window_bounds = array<i64: 1, 512>}, {transform_indices = @transform_8, window_bounds = array<i64: 512, 512>}]} {
    %get3A = arith.constant 0 : index
    %get3A_0 = arith.constant 0 : index
    %get3A_1 = vector.load %arg1[%get3A, %get3A_0] : memref<512x1536xf32, #tpu.memory_space<vmem>>, vector<512x1536xf32>
    %slice3A = vector.extract_strided_slice %get3A_1 {offsets = [0, 0], sizes = [512, 512], strides = [1, 1]} : vector<512x1536xf32> to vector<512x512xf32>
    %slice3A_2 = vector.extract_strided_slice %get3A_1 {offsets = [0, 512], sizes = [512, 512], strides = [1, 1]} : vector<512x1536xf32> to vector<512x512xf32>
    %get3A_3 = arith.constant 0 : index
    %get3A_4 = arith.constant 0 : index
    %get3A_5 = arith.constant 0 : index
    %get3A_6 = vector.load %arg2[%get3A_3, %get3A_4, %get3A_5] : memref<4x512x128xf32, #tpu.memory_space<vmem>>, vector<1x512x128xf32>
    %get3A_7 = vector.shape_cast %get3A_6 : vector<1x512x128xf32> to vector<512x128xf32>
    %get3A_8 = arith.constant 1 : index
    %get3A_9 = arith.constant 0 : index
    %get3A_10 = arith.constant 0 : index
    %get3A_11 = vector.load %arg2[%get3A_8, %get3A_9, %get3A_10] : memref<4x512x128xf32, #tpu.memory_space<vmem>>, vector<1x512x128xf32>
    %get3A_12 = vector.shape_cast %get3A_11 : vector<1x512x128xf32> to vector<512x128xf32>
    %get3A_13 = arith.constant 2 : index
    %get3A_14 = arith.constant 0 : index
    %get3A_15 = arith.constant 0 : index
    %get3A_16 = vector.load %arg2[%get3A_13, %get3A_14, %get3A_15] : memref<4x512x128xf32, #tpu.memory_space<vmem>>, vector<1x512x128xf32>
    %get3A_17 = vector.shape_cast %get3A_16 : vector<1x512x128xf32> to vector<512x128xf32>
    %get3A_18 = arith.constant 3 : index
    %get3A_19 = arith.constant 0 : index
    %get3A_20 = arith.constant 0 : index
    %get3A_21 = vector.load %arg2[%get3A_18, %get3A_19, %get3A_20] : memref<4x512x128xf32, #tpu.memory_space<vmem>>, vector<1x512x128xf32>
    %get3A_22 = vector.shape_cast %get3A_21 : vector<1x512x128xf32> to vector<512x128xf32>
    %concatenate3A = tpu.concatenate %get3A_7, %get3A_12, %get3A_17, %get3A_22 in 1 : vector<512x128xf32>, vector<512x128xf32>, vector<512x128xf32>, vector<512x128xf32> -> vector<512x512xf32>
    %get3A_23 = arith.constant 0 : index
    %get3A_24 = arith.constant 0 : index
    %get3A_25 = vector.load %arg3[%get3A_23, %get3A_24] : memref<512x128xf32, #tpu.memory_space<vmem>>, vector<512x128xf32>
    %slice3A_26 = vector.extract_strided_slice %get3A_25 {offsets = [0, 0], sizes = [512, 1], strides = [1, 1]} : vector<512x128xf32> to vector<512x1xf32>
    %get3A_27 = arith.constant 0 : index
    %get3A_28 = arith.constant 0 : index
    %get3A_29 = vector.load %arg6[%get3A_27, %get3A_28] : memref<1x512xf32, #tpu.memory_space<vmem>>, vector<1x512xf32>
    %add3A = vector.broadcast %get3A_29 : vector<1x512xf32> to vector<512x512xf32>
    %add3A_30 = arith.addf %slice3A, %add3A : vector<512x512xf32>
    %get3A_31 = arith.constant 0 : index
    %get3A_32 = arith.constant 0 : index
    %get3A_33 = vector.load %arg5[%get3A_31, %get3A_32] : memref<1x512xf32, #tpu.memory_space<vmem>>, vector<1x512xf32>
    %add3A_34 = vector.broadcast %get3A_33 : vector<1x512xf32> to vector<512x512xf32>
    %add3A_35 = arith.addf %slice3A_2, %add3A_34 : vector<512x512xf32>
    %mul3A = vector.broadcast %slice3A_26 : vector<512x1xf32> to vector<512x512xf32>
    %mul3A_36 = arith.mulf %mul3A, %add3A_35 : vector<512x512xf32>
    %add3A_37 = arith.addf %add3A_30, %mul3A_36 : vector<512x512xf32>
    %add3A_38 = arith.addf %add3A_37, %concatenate3A : vector<512x512xf32>
    %max3A = arith.constant 0.000000e+00 : f32
    %max3A_39 = vector.broadcast %max3A : f32 to vector<512x512xf32>
    %max3A_40 = arith.maximumf %add3A_38, %max3A_39 : vector<512x512xf32>
    %reduce_sum3A = arith.constant dense<0.000000e+00> : vector<512xf32>
    %reduce_sum3A_41 = vector.multi_reduction <add>, %max3A_40, %reduce_sum3A [1] : vector<512x512xf32> to vector<512xf32>
    %broadcast_in_dim3A = vector.shape_cast %reduce_sum3A_41 : vector<512xf32> to vector<512x1xf32>
    %div3A = arith.constant 5.120000e+02 : f32
    %div3A_42 = vector.broadcast %div3A : f32 to vector<512x1xf32>
    %div3A_43 = arith.divf %broadcast_in_dim3A, %div3A_42 : vector<512x1xf32>
    %sub3A = vector.broadcast %div3A_43 : vector<512x1xf32> to vector<512x512xf32>
    %sub3A_44 = arith.subf %max3A_40, %sub3A : vector<512x512xf32>
    %integer_pow3A = arith.mulf %sub3A_44, %sub3A_44 : vector<512x512xf32>
    %reduce_sum3A_45 = arith.constant dense<0.000000e+00> : vector<512xf32>
    %reduce_sum3A_46 = vector.multi_reduction <add>, %integer_pow3A, %reduce_sum3A_45 [1] : vector<512x512xf32> to vector<512xf32>
    %broadcast_in_dim3A_47 = vector.shape_cast %reduce_sum3A_46 : vector<512xf32> to vector<512x1xf32>
    %div3A_48 = arith.constant 5.120000e+02 : f32
    %div3A_49 = vector.broadcast %div3A_48 : f32 to vector<512x1xf32>
    %div3A_50 = arith.divf %broadcast_in_dim3A_47, %div3A_49 : vector<512x1xf32>
    %sub3A_51 = vector.broadcast %div3A_43 : vector<512x1xf32> to vector<512x512xf32>
    %sub3A_52 = arith.subf %max3A_40, %sub3A_51 : vector<512x512xf32>
    %add3A_53 = arith.constant 9.99999974E-6 : f32
    %add3A_54 = vector.broadcast %add3A_53 : f32 to vector<512x1xf32>
    %add3A_55 = arith.addf %div3A_50, %add3A_54 : vector<512x1xf32>
    %sqrt3A = math.sqrt %add3A_55 : vector<512x1xf32>
    %div3A_56 = vector.broadcast %sqrt3A : vector<512x1xf32> to vector<512x512xf32>
    %div3A_57 = arith.divf %sub3A_52, %div3A_56 : vector<512x512xf32>
    %get3A_58 = arith.constant 0 : index
    %get3A_59 = arith.constant 0 : index
    %get3A_60 = vector.load %arg7[%get3A_58, %get3A_59] : memref<1x512xf32, #tpu.memory_space<vmem>>, vector<1x512xf32>
    %mul3A_61 = vector.broadcast %get3A_60 : vector<1x512xf32> to vector<512x512xf32>
    %mul3A_62 = arith.mulf %div3A_57, %mul3A_61 : vector<512x512xf32>
    %get3A_63 = arith.constant 0 : index
    %get3A_64 = arith.constant 0 : index
    %get3A_65 = vector.load %arg8[%get3A_63, %get3A_64] : memref<1x512xf32, #tpu.memory_space<vmem>>, vector<1x512xf32>
    %add3A_66 = vector.broadcast %get3A_65 : vector<1x512xf32> to vector<512x512xf32>
    %add3A_67 = arith.addf %mul3A_62, %add3A_66 : vector<512x512xf32>
    %get3A_68 = arith.constant 0 : index
    %get3A_69 = arith.constant 0 : index
    %get3A_70 = vector.load %arg4[%get3A_68, %get3A_69] : memref<512x512xf32, #tpu.memory_space<vmem>>, vector<512x512xf32>
    %add3A_71 = arith.addf %get3A_70, %add3A_67 : vector<512x512xf32>
    %swap3A = arith.constant 0 : index
    %swap3A_72 = arith.constant 0 : index
    %swap3A_73 = vector.load %arg9[%swap3A, %swap3A_72] : memref<512x512xf32, #tpu.memory_space<vmem>>, vector<512x512xf32>
    tpu.vector_store %arg9[%swap3A, %swap3A_72], %add3A_71 {strides = array<i32>} : memref<512x512xf32, #tpu.memory_space<vmem>>, vector<512x512xf32>,
    return
  }
  func.func @transform_0(%arg0: i32) -> (i32, i32) {
    %c0_i32 = arith.constant 0 : i32
    %c0_i32_0 = arith.constant 0 : i32
    return %arg0, %c0_i32 : i32, i32
  }
  func.func @transform_1(%arg0: i32) -> (i32, i32, i32) {
    %c0_i32 = arith.constant 0 : i32
    %c0_i32_0 = arith.constant 0 : i32
    %c0_i32_1 = arith.constant 0 : i32
    return %c0_i32, %arg0, %c0_i32_0 : i32, i32, i32
  }
  func.func @transform_2(%arg0: i32) -> (i32, i32) {
    %c0_i32 = arith.constant 0 : i32
    %c0_i32_0 = arith.constant 0 : i32
    return %arg0, %c0_i32 : i32, i32
  }
  func.func @transform_3(%arg0: i32) -> (i32, i32) {
    %c0_i32 = arith.constant 0 : i32
    %c0_i32_0 = arith.constant 0 : i32
    return %arg0, %c0_i32 : i32, i32
  }
  func.func @transform_4(%arg0: i32) -> (i32, i32) {
    %c0_i32 = arith.constant 0 : i32
    %c0_i32_0 = arith.constant 0 : i32
    %c0_i32_1 = arith.constant 0 : i32
    return %c0_i32, %c0_i32_0 : i32, i32
  }
  func.func @transform_5(%arg0: i32) -> (i32, i32) {
    %c0_i32 = arith.constant 0 : i32
    %c0_i32_0 = arith.constant 0 : i32
    %c0_i32_1 = arith.constant 0 : i32
    return %c0_i32, %c0_i32_0 : i32, i32
  }
  func.func @transform_6(%arg0: i32) -> (i32, i32) {
    %c0_i32 = arith.constant 0 : i32
    %c0_i32_0 = arith.constant 0 : i32
    %c0_i32_1 = arith.constant 0 : i32
    return %c0_i32, %c0_i32_0 : i32, i32
  }
  func.func @transform_7(%arg0: i32) -> (i32, i32) {
    %c0_i32 = arith.constant 0 : i32
    %c0_i32_0 = arith.constant 0 : i32
    %c0_i32_1 = arith.constant 0 : i32
    return %c0_i32, %c0_i32_0 : i32, i32
  }
  func.func @transform_8(%arg0: i32) -> (i32, i32) {
    %c0_i32 = arith.constant 0 : i32
    %c0_i32_0 = arith.constant 0 : i32
    return %arg0, %c0_i32 : i32, i32
  }
}

module attributes {stable_mosaic.version = 14 : i64} {
  func.func @_k3_body(%arg0: i32, %arg1: memref<512x512xf32, #tpu.memory_space<vmem>>, %arg2: memref<512x512xf32, #tpu.memory_space<vmem>>, %arg3: memref<1x512xf32, #tpu.memory_space<vmem>>, %arg4: memref<512x256xf32, #tpu.memory_space<vmem>>, %arg5: memref<1x256xf32, #tpu.memory_space<vmem>>, %arg6: memref<256x128xf32, #tpu.memory_space<vmem>>, %arg7: memref<1x128xf32, #tpu.memory_space<vmem>>, %arg8: memref<512x128xf32, #tpu.memory_space<vmem>>) attributes {dimension_semantics = [#tpu.dimension_semantics<arbitrary>], iteration_bounds = array<i64: 20>, scalar_prefetch = 0 : i64, scratch_operands = 0 : i64, tpu.core_type = #tpu.core_type<tc>, window_params = [{transform_indices = @transform_0, window_bounds = array<i64: 512, 512>}, {pipeline_mode = #tpu.pipeline_mode<synchronous>, transform_indices = @transform_1, window_bounds = array<i64: 512, 512>}, {pipeline_mode = #tpu.pipeline_mode<synchronous>, transform_indices = @transform_2, window_bounds = array<i64: 1, 512>}, {pipeline_mode = #tpu.pipeline_mode<synchronous>, transform_indices = @transform_3, window_bounds = array<i64: 512, 256>}, {pipeline_mode = #tpu.pipeline_mode<synchronous>, transform_indices = @transform_4, window_bounds = array<i64: 1, 256>}, {pipeline_mode = #tpu.pipeline_mode<synchronous>, transform_indices = @transform_5, window_bounds = array<i64: 256, 128>}, {pipeline_mode = #tpu.pipeline_mode<synchronous>, transform_indices = @transform_6, window_bounds = array<i64: 1, 128>}, {transform_indices = @transform_7, window_bounds = array<i64: 512, 128>}]} {
    %get3A = arith.constant 0 : index
    %get3A_0 = arith.constant 0 : index
    %get3A_1 = vector.load %arg1[%get3A, %get3A_0] : memref<512x512xf32, #tpu.memory_space<vmem>>, vector<512x512xf32>
    %get3A_2 = arith.constant 0 : index
    %get3A_3 = arith.constant 0 : index
    %get3A_4 = vector.load %arg2[%get3A_2, %get3A_3] : memref<512x512xf32, #tpu.memory_space<vmem>>, vector<512x512xf32>
    %dot_general3A = arith.constant dense<0.000000e+00> : vector<512x512xf32>
    %dot_general3A_5 = tpu.matmul %get3A_1, %get3A_4, %dot_general3A {dimension_numbers = #tpu.dot_dimension_numbers<[1], [0], [0], [1], [0, 0, 1, 1], [], []>, transpose_lhs_hint = false} : vector<512x512xf32>, vector<512x512xf32>, vector<512x512xf32> -> vector<512x512xf32>
    %get3A_6 = arith.constant 0 : index
    %get3A_7 = arith.constant 0 : index
    %get3A_8 = vector.load %arg3[%get3A_6, %get3A_7] : memref<1x512xf32, #tpu.memory_space<vmem>>, vector<1x512xf32>
    %add3A = vector.broadcast %get3A_8 : vector<1x512xf32> to vector<512x512xf32>
    %add3A_9 = arith.addf %dot_general3A_5, %add3A : vector<512x512xf32>
    %max3A = arith.constant 0.000000e+00 : f32
    %max3A_10 = vector.broadcast %max3A : f32 to vector<512x512xf32>
    %max3A_11 = arith.maximumf %add3A_9, %max3A_10 : vector<512x512xf32>
    %get3A_12 = arith.constant 0 : index
    %get3A_13 = arith.constant 0 : index
    %get3A_14 = vector.load %arg4[%get3A_12, %get3A_13] : memref<512x256xf32, #tpu.memory_space<vmem>>, vector<512x256xf32>
    %dot_general3A_15 = arith.constant dense<0.000000e+00> : vector<512x256xf32>
    %dot_general3A_16 = tpu.matmul %max3A_11, %get3A_14, %dot_general3A_15 {dimension_numbers = #tpu.dot_dimension_numbers<[1], [0], [0], [1], [0, 0, 1, 1], [], []>, transpose_lhs_hint = false} : vector<512x512xf32>, vector<512x256xf32>, vector<512x256xf32> -> vector<512x256xf32>
    %get3A_17 = arith.constant 0 : index
    %get3A_18 = arith.constant 0 : index
    %get3A_19 = vector.load %arg5[%get3A_17, %get3A_18] : memref<1x256xf32, #tpu.memory_space<vmem>>, vector<1x256xf32>
    %add3A_20 = vector.broadcast %get3A_19 : vector<1x256xf32> to vector<512x256xf32>
    %add3A_21 = arith.addf %dot_general3A_16, %add3A_20 : vector<512x256xf32>
    %max3A_22 = arith.constant 0.000000e+00 : f32
    %max3A_23 = vector.broadcast %max3A_22 : f32 to vector<512x256xf32>
    %max3A_24 = arith.maximumf %add3A_21, %max3A_23 : vector<512x256xf32>
    %get3A_25 = arith.constant 0 : index
    %get3A_26 = arith.constant 0 : index
    %get3A_27 = vector.load %arg6[%get3A_25, %get3A_26] : memref<256x128xf32, #tpu.memory_space<vmem>>, vector<256x128xf32>
    %dot_general3A_28 = arith.constant dense<0.000000e+00> : vector<512x128xf32>
    %dot_general3A_29 = tpu.matmul %max3A_24, %get3A_27, %dot_general3A_28 {dimension_numbers = #tpu.dot_dimension_numbers<[1], [0], [0], [1], [0, 0, 1, 1], [], []>, transpose_lhs_hint = false} : vector<512x256xf32>, vector<256x128xf32>, vector<512x128xf32> -> vector<512x128xf32>
    %get3A_30 = arith.constant 0 : index
    %get3A_31 = arith.constant 0 : index
    %get3A_32 = vector.load %arg7[%get3A_30, %get3A_31] : memref<1x128xf32, #tpu.memory_space<vmem>>, vector<1x128xf32>
    %add3A_33 = vector.broadcast %get3A_32 : vector<1x128xf32> to vector<512x128xf32>
    %add3A_34 = arith.addf %dot_general3A_29, %add3A_33 : vector<512x128xf32>
    %tanh3A = math.tanh %add3A_34 : vector<512x128xf32>
    %mul3A = arith.constant 3.14159274 : f32
    %mul3A_35 = vector.broadcast %mul3A : f32 to vector<512x128xf32>
    %mul3A_36 = arith.mulf %tanh3A, %mul3A_35 : vector<512x128xf32>
    %swap3A = arith.constant 0 : index
    %swap3A_37 = arith.constant 0 : index
    %swap3A_38 = vector.load %arg8[%swap3A, %swap3A_37] : memref<512x128xf32, #tpu.memory_space<vmem>>, vector<512x128xf32>
    tpu.vector_store %arg8[%swap3A, %swap3A_37], %mul3A_36 {strides = array<i32>} : memref<512x128xf32, #tpu.memory_space<vmem>>, vector<512x128xf32>,
    return
  }
  func.func @transform_0(%arg0: i32) -> (i32, i32) {
    %c0_i32 = arith.constant 0 : i32
    %c0_i32_0 = arith.constant 0 : i32
    return %arg0, %c0_i32 : i32, i32
  }
  func.func @transform_1(%arg0: i32) -> (i32, i32) {
    %c0_i32 = arith.constant 0 : i32
    %c0_i32_0 = arith.constant 0 : i32
    %c0_i32_1 = arith.constant 0 : i32
    return %c0_i32, %c0_i32_0 : i32, i32
  }
  func.func @transform_2(%arg0: i32) -> (i32, i32) {
    %c0_i32 = arith.constant 0 : i32
    %c0_i32_0 = arith.constant 0 : i32
    %c0_i32_1 = arith.constant 0 : i32
    return %c0_i32, %c0_i32_0 : i32, i32
  }
  func.func @transform_3(%arg0: i32) -> (i32, i32) {
    %c0_i32 = arith.constant 0 : i32
    %c0_i32_0 = arith.constant 0 : i32
    %c0_i32_1 = arith.constant 0 : i32
    return %c0_i32, %c0_i32_0 : i32, i32
  }
  func.func @transform_4(%arg0: i32) -> (i32, i32) {
    %c0_i32 = arith.constant 0 : i32
    %c0_i32_0 = arith.constant 0 : i32
    %c0_i32_1 = arith.constant 0 : i32
    return %c0_i32, %c0_i32_0 : i32, i32
  }
  func.func @transform_5(%arg0: i32) -> (i32, i32) {
    %c0_i32 = arith.constant 0 : i32
    %c0_i32_0 = arith.constant 0 : i32
    %c0_i32_1 = arith.constant 0 : i32
    return %c0_i32, %c0_i32_0 : i32, i32
  }
  func.func @transform_6(%arg0: i32) -> (i32, i32) {
    %c0_i32 = arith.constant 0 : i32
    %c0_i32_0 = arith.constant 0 : i32
    %c0_i32_1 = arith.constant 0 : i32
    return %c0_i32, %c0_i32_0 : i32, i32
  }
  func.func @transform_7(%arg0: i32) -> (i32, i32) {
    %c0_i32 = arith.constant 0 : i32
    %c0_i32_0 = arith.constant 0 : i32
    return %arg0, %c0_i32 : i32, i32
  }
}

</mosaic_0001>

<sc_bundles>
// kernel: kernel.17.cloned.1.call-start
scs
__scs_entry_jumppad:
0x0: {  	(pc) =	sbr.rel $0x88, $3  }
0x1: {  	(tag) =	ssettag $0x0;
	lr =	simm.s32 $0x1  }
0x2: {  	[smem:$0x3F7D] =	sst lr;
	_ =	strace $0xD0000000  }
0x3: {  	_ = 	snop  }
0x4: {  	_ = 	snop  }
0x5: {  	_ = 	snop  }
0x6: {  	_ = 	snop  }
0x7: {  	_ = 	snop  }
__scs_overlays_trampoline_lowered:
0x8: {  	[smem:$0x3F8C] =	sst s0  }
0x9: {  	[smem:$0x3F8D] =	sst s1  }
0xa: {  	[smem:$0x3F8E] =	sst s2  }
0xb: {  	[smem:$0x3F8F] =	sst s3  }
0xc: {  	[smem:$0x3F90] =	sst s4  }
0xd: {  	[smem:$0x3F91] =	sst s5  }
0xe: {  	[smem:$0x3F92] =	sst s6  }
0xf: {  	[smem:$0x3F93] =	sst s7  }
0x10: {  	[smem:$0x3F94] =	sst s8  }
0x11: {  	[smem:$0x3F95] =	sst s9;
	s0 =	simm.s32 @!p0 $0x0  }
0x12: {  	s1 =	sld [smem:$0x3F7B];
	s0 =	simm.s32 @p0 $0x1  }
0x13: {  	[smem:$0x3F96] =	sst s0;
	s0 =	simm.s32 @!p1 $0x0  }
0x14: {  	s2 =	sld [smem:$0x3F7A];
	s0 =	simm.s32 @p1 $0x1  }
0x15: {  	[smem:$0x3F97] =	sst s0;
	s0 =	simm.s32 @!p2 $0x0  }
0x16: {  	s3 =	sld [smem:$0x3FDB];
	s0 =	simm.s32 @p2 $0x1  }
0x17: {  	s4 =	simm.s32 $0x1BF5;
	[smem:$0x3F99] =	sst s0  }
0x18: {  	s0 =	sld [smem:$0x3F7C];
	_ =	swait.ge [sflag:s4], $0x0  }
0x19: {  	s7 =	sld [smem:$0x3F7D]  }
0x1a: {  	s8 =	sadd.s32 $0xFFFFE003, lr  }
0x1b: {  	s9 =	sadd.s32 $0xFFFFFEF7, lr;
	s5 =	simm.s32 $0xFFFFFFFF;
	p2 =	slt.u32 s8, $0xFFFFF086  }
0x1c: {  	p1 =	slt.u32 s9, $0xF7A;
	s5 =	simm.s32 @!p2 $0x0  }
0x1d: {  	s5 =	simm.s32 @p1 $0x1;
	p0 =	seq.s32 s7, s2  }
0x1e: {  	s7 =	smul.u32 @!p0 $0xF7A, s2;
	p2 =	seq.s32 @!p0 s5, $0x0  }
0x1f: {  	s9 =	smul.u32 $0xF7A, s1;
	s8 =	simm.s32 @!p0 $0x1BF5;
	p2 =	por !p2, p0  }
0x20: {  	[sflag:s8] =	ssyncset.s32 @!p0 $0xFFFFF086;
	s6 =	sadd.s32 @!p0 s3, s7;
	s7 =	simm.s32 @!p0 $0x108  }
0x21: {  	s3 =	sadd.s32 s3, s9;
	s6 =	sadd.s32 @!p0 $0x88, s6;
	s7 =	simm.s32 @p2 $0x1082  }
0x22: {  	[simem:s7], [sflag:s8] =	dma.local @!p0 [hbm:s6], $0xF7A  }
0x23: {  	s9 =	sor.u32 $0xD0000000, s2;
	s6 =	simm.s32 $0x108;
	_ =	swait.ge @!p0 [sflag:s8], $0x0  }
0x24: {  	s3 =	sadd.s32 $0x88, s3;
	s6 =	simm.s32 @!p1 $0x1082;
	[sflag:s4] =	ssyncset.s32 $0xFFFFF086  }
0x25: {  	[simem:s6], [sflag:s4] =	dma.local [hbm:s3], $0xF7A  }
0x26: {  	[smem:$0x3F7D] =	sst s1;
	(tag) =	ssettag s2;
	_ =	strace s9  }
0x27: {  	s1 =	sld [smem:$0x3F8D]  }
0x28: {  	s2 =	sld [smem:$0x3F8E]  }
0x29: {  	s4 =	sld [smem:$0x3F90]  }
0x2a: {  	p0 =	seq.s32 s5, $0x0;
	s5 =	sld [smem:$0x3F91]  }
0x2b: {  	s6 =	sld [smem:$0x3F92]  }
0x2c: {  	s7 =	sld [smem:$0x3F93]  }
0x2d: {  	s3 =	simm.s32 $0x108;
	s8 =	sld [smem:$0x3F94]  }
0x2e: {  	s3 =	simm.s32 @!p0 $0x1082;
	s9 =	sld [smem:$0x3F95]  }
0x2f: {  	lr =	sadd.s32 s0, s3;
	s0 =	sld [smem:$0x3F8C]  }
0x30: {  	s3 =	sld [smem:$0x3F8F]  }
0x31: {  	[smem:$0x3F98] =	sst s10  }
0x32: {  	s10 =	sld [smem:$0x3F96];
	_ =	sdelay $0x3  }
0x33: {  	p0 =	seq.s32 s10, $0x1;
	s10 =	sld [smem:$0x3F98];
	_ =	sdelay $0x3  }
0x34: {  	[smem:$0x3F98] =	sst s10  }
0x35: {  	s10 =	sld [smem:$0x3F97];
	_ =	sdelay $0x3  }
0x36: {  	p1 =	seq.s32 s10, $0x1;
	s10 =	sld [smem:$0x3F98];
	_ =	sdelay $0x3  }
0x37: {  	[smem:$0x3F98] =	sst s10  }
0x38: {  	s10 =	sld [smem:$0x3F99]  }
0x39: {  	_ = 	snop;
	(pc) =	sbr.ind lr, $3  }
0x3a: {  	_ = 	snop  }
0x3b: {  	_ = 	snop  }
0x3c: {  	p2 =	seq.s32 s10, $0x1;
	s10 =	sld [smem:$0x3F98]  }
0x3d: {  	_ =	shalt  }
0x3e: {  	_ =	shalt  }
0x3f: {  	_ =	shalt  }
0x40: {  	_ =	shalt  }
0x41: {  	_ =	shalt  }
0x42: {  	_ =	shalt  }
0x43: {  	_ =	shalt  }
0x44: {  	_ =	shalt  }
0x45: {  	_ =	shalt  }
0x46: {  	_ =	shalt  }
0x47: {  	_ =	shalt  }
0x48: {  	_ =	shalt  }
0x49: {  	_ =	shalt  }
0x4a: {  	_ =	shalt  }
0x4b: {  	_ =	shalt  }
0x4c: {  	_ =	shalt  }
0x4d: {  	_ =	shalt  }
0x4e: {  	_ =	shalt  }
0x4f: {  	_ =	shalt  }
0x50: {  	_ =	shalt  }
0x51: {  	_ =	shalt  }
0x52: {  	_ =	shalt  }
0x53: {  	_ =	shalt  }
0x54: {  	_ =	shalt  }
0x55: {  	_ =	shalt  }
0x56: {  	_ =	shalt  }
0x57: {  	_ =	shalt  }
0x58: {  	_ =	shalt  }
0x59: {  	_ =	shalt  }
0x5a: {  	_ =	shalt  }
0x5b: {  	_ =	shalt  }
0x5c: {  	_ =	shalt  }
0x5d: {  	_ =	shalt  }
0x5e: {  	_ =	shalt  }
0x5f: {  	_ =	shalt  }
0x60: {  	_ =	shalt  }
0x61: {  	_ =	shalt  }
0x62: {  	_ =	shalt  }
0x63: {  	_ =	shalt  }
0x64: {  	_ =	shalt  }
0x65: {  	_ =	shalt  }
0x66: {  	_ =	shalt  }
0x67: {  	_ =	shalt  }
0x68: {  	_ =	shalt  }
0x69: {  	_ =	shalt  }
0x6a: {  	_ =	shalt  }
0x6b: {  	_ =	shalt  }
0x6c: {  	_ =	shalt  }
0x6d: {  	_ =	shalt  }
0x6e: {  	_ =	shalt  }
0x6f: {  	_ =	shalt  }
0x70: {  	_ =	shalt  }
0x71: {  	_ =	shalt  }
0x72: {  	_ =	shalt  }
0x73: {  	_ =	shalt  }
0x74: {  	_ =	shalt  }
0x75: {  	_ =	shalt  }
0x76: {  	_ =	shalt  }
0x77: {  	_ =	shalt  }
0x78: {  	_ =	shalt  }
0x79: {  	_ =	shalt  }
0x7a: {  	_ =	shalt  }
0x7b: {  	_ =	shalt  }
0x7c: {  	_ =	shalt  }
0x7d: {  	_ =	shalt  }
0x7e: {  	_ =	shalt  }
0x7f: {  	_ =	shalt  }
0x80: {  	_ =	shalt  }
0x81: {  	_ =	shalt  }
0x82: {  	_ =	shalt  }
0x83: {  	_ =	shalt  }
0x84: {  	_ =	shalt  }
0x85: {  	_ =	shalt  }
0x86: {  	_ =	shalt  }
0x87: {  	_ =	shalt  }
.Lfunc_end0:
.L_simem_size_0:
called_computation_lowered:
.L_overlay_start_0:
0x88: {  	s2 =	sld [smem:$0x3FD9]  }
0x89: {  	s3 =	sld [smem:$0x3FFE];
	_ =	sdelay $0x1  }
0x8a: {  	s1 =	srdreg.scid  }
0x8b: {  	s0 =	sand.u32 $0x1, s1  }
0x8c: {  	s17 =	sshll.u32 s0, $0xA;
	s2 =	sadd.s32 s3, s2  }
0x8d: {  	s2 =	sadd.s32 s2, s17  }
0x8e: {  	[smem:$0x3FA4] =	sst s2  }
0x8f: {  	_ = 	snop  }
0x90: {  	s18 =	sld [smem:$0x3FD0];
	(tm) =	ssettm $0x1  }
0x91: {  	s19 =	sld [smem:$0x3FFB];
	_ =	sdelay $0x3  }
0x92: {  	_ =	strace s19  }
0x93: {  	s2 =	sld [smem:$0x3FFC];
	_ =	sdelay $0x3  }
0x94: {  	_ =	strace s2  }
0x95: {  	s2 =	sld [smem:$0x3FFD];
	_ =	sdelay $0x3  }
0x96: {  	_ =	strace s2  }
0x97: {  	_ =	strace $0x8FFFFFFF  }
0x98: {  	s20 =	sld [smem:$0x3FDB];
	_ =	sdelay $0x1  }
0x99: {  	s4 =	simm.s32 $_scs_section_size  }
0x9a: {  	s5 =	simm.s32 $_size__tile_overlayer_lowered;
	s6 =	simm.s32 $_tile_overlayer_lowered  }
0x9b: {  	s7 =	simm.s32 $0x1BFF;
	s21 =	sshll.u32 s6, $0x1;
	s4 =	sadd.s32 s4, s20  }
0x9c: {  	s22 =	simm.s32 $0x0;
	s5 =	sshll.u32 s5, $0x1;
	s6 =	sadd.s32 s21, s4  }
0x9d: {  	[timem:s22], [sflag:s7] =	dma.local [hbm:s6], s5  }
0x9e: {  	_ =	swait.ge [sflag:s7], s5  }
0x9f: {  	s5 =	ssub.s32 $0x0, s5;
	[sflag:s7] =	ssyncset.done $0x0  }
0xa0: {  	[sflag:s7] =	ssyncadd.s32 s5;
	_ =	sdelay $0x1  }
0xa1: {  	s23 =	simm.s32 $0x1B8B  }
0xa2: {  	_ =	swait.ge [sflag:s23], $0x1  }
0xa3: {  	[sflag:s23] =	ssyncset.done $0x0  }
0xa4: {  	[sflag:s23] =	ssyncadd.s32 $0xFFFFFFFF  }
0xa5: {  	s5 =	sld [smem:$0x0]  }
0xa6: {  	s6 =	sand.u32 $0xFFFFFFFE, s1  }
0xa7: {  	p0 =	sne.s32 s1, s6  }
0xa8: {  	s6 =	sshll.u32 @p0 s6, $0xE  }
0xa9: {  	s6 =	sadd.s32 @p0 $0x11B8D, s6;
	s7 =	sshll.u32 @p0 s5, $0x11  }
0xaa: {  	s6 =	sor.u32 @p0 s7, s6  }
0xab: {  	[sflag:s6] =	ssyncadd.remote.s32 @p0 $0x1;
	_ =	sdelay $0x1  }
0xac: {  	s6 =	simm.s32 @p0 $0x1B8D  }
0xad: {  	_ =	swait.eq @p0 [sflag:s6], $0x1  }
0xae: {  	[sflag:s6] =	ssyncadd.s32 @p0 $0xFFFFFFFF  }
0xaf: {  	s7 =	sshll.u32 @!p0 s1, $0xE  }
0xb0: {  	s7 =	sor.u32 @!p0 $0x4000, s7;
	s6 =	simm.s32 @!p0 $0x1B8D  }
0xb1: {  	s5 =	sshll.u32 @!p0 s5, $0x11;
	s7 =	sadd.s32 @!p0 $0x11B8D, s7;
	_ =	swait.eq @!p0 [sflag:s6], $0x1  }
0xb2: {  	s5 =	sor.u32 @!p0 s5, s7;
	[sflag:s6] =	ssyncadd.s32 @!p0 $0xFFFFFFFF  }
0xb3: {  	s25 =	simm.s32 $0x1B8E;
	s24 =	sld [smem:$0x3FFE];
	[sflag:s5] =	ssyncadd.remote.s32 @!p0 $0x1  }
0xb4: {  	s26 =	simm.s32 $execute0_lowered;
	[smem:$0x3FD2] =	sst s25  }
0xb5: {  	s6 =	sshll.u32 s26, $0x1;
	_ =	strace $0x80000049;
	[dreg:$0x1] =	wrdreg $0xFFFFFFFF  }
0xb6: {  	s28 =	simm.s32 $_size_execute0_lowered;
	s4 =	sadd.s32 s4, s6;
	[dreg:$0x0] =	wrdreg $0x0  }
0xb7: {  	s6 =	sshll.u32 s28, $0x1;
	[dreg:$0x2] =	wrdreg s4  }
0xb8: {  	[dreg:$0x3] =	wrdreg s6  }
0xb9: {  	[dreg:$0x4] =	wrdreg $0xC0  }
0xba: {  	_ =	task [dreg:s22], $0x5FFFF  }
0xbb: {  	[dreg:$0x1] =	wrdreg $0xFFFFFFFF  }
0xbc: {  	[dreg:$0x0] =	wrdreg $0x60  }
0xbd: {  	[dreg:$0x2] =	wrdreg s24  }
0xbe: {  	[dreg:$0x3] =	wrdreg s18  }
0xbf: {  	[dreg:$0x4] =	wrdreg $0x50000  }
0xc0: {  	[dreg:$0x5] =	wrdreg $0x9  }
0xc1: {  	_ =	task.clear_ibuf [dreg:s22], $0x6FFFF;
	_ =	strace $0x90000049  }
0xc2: {  	s29 =	simm.s32 $0x9;
	_ =	strace $0x8000004B  }
0xc3: {  	_ =	swait.ge [sflag:s29], $0x1  }
0xc4: {  	[sflag:s29] =	ssyncadd.s32 $0xFFFFFFFF  }
0xc5: {  	_ =	strace $0x9000004B  }
0xc6: {  	_ =	sfence  }
0xc7: {  	s30 =	sld [smem:$0x0];
	_ =	sdelay $0x2  }
0xc8: {  	s31 =	sshll.u32 s1, $0xD;
	s1 =	sshrl.u32 s1, $0x2  }
0xc9: {  	s4 =	sand.u32 $0x4000, s31;
	s1 =	sadd.s32 s1, s30  }
0xca: {  	s0 =	sor.u32 s4, s0;
	s1 =	sshll.u32 s1, $0x11  }
0xcb: {  	s0 =	sor.u32 s1, s0  }
0xcc: {  	s0 =	sadd.s32 $0x8F2B, s0  }
0xcd: {  	[sflag:s0] =	ssyncadd.remote.s32 $0x1  }
0xce: {  	_ =	sfence.sel $0xFFFF  }
0xcf: {  	[dreg:$0x0] =	wrdreg $0xFFFFFFFF;
	(pc) =	sbr.abs _section_cstart, $3  }
0xd0: {  	[dreg:$0x1] =	wrdreg $0xFFFFFFFF  }
0xd1: {  	_ =	task.clear_ibuf [dreg:s22], $0x2FFFF;
	_ =	strace $0x9FFFFFFF  }
0xd2: {  	(tm) =	ssettm $0x7FFFFFFF  }
0xd3: {  	_ =	shalt  }
tec
execute0_lowered:
.L_overlay_start_1:
0x0: {  	(tag) =	ssettag $0x1  }
0x1: {  	s1 =	srdreg.scid  }
0x2: {  	s1 =	sand.u32 $0x1, s1  }
0x3: {  	p0 =	seq.s32 s1, $0x1  }
.Ltmp0:
0x4: {  	s4 =	rddreg [dreg:$0x0];
	(pc) =	sbr.rel @p0 .LBB2_4-.Ltmp0, $4  }
0x5: {  	s6 =	rddreg [dreg:$0x1]  }
0x6: {  	s2 =	rddreg [dreg:$0x2];
	s7 =	simm.s32 $0x0  }
0x7: {  	[smem:$0x7FF] =	sst s7  }
0x8: {  	s0 =	rddreg [dreg:$0x3];
	_ =	strace $0x8000004A;
	s1 =	stileid.u32  }
0x9: {  	s3 =	sadd.s32 $0x466200, s4;
	s5 =	sshll.u32 s1, $0x9  }
0xa: {  	s3 =	sadd.s32 s3, s5  }
0xb: {  	[tilespmem:s7], [sflag:$0x1] =	stream.linear.gather [hbm4b:s3+s7], $0xC80, $0x38;
	[tilespmem:$0x19000] =	vst v63  }
0xc: {  	s3 =	simm.s32 $0x1  }
0xd: {  	s25 =	smul.u32 $0x50000, s1;
	_ =	swait.ge [sflag:s3], $0xC80  }
0xe: {  	s9 =	smul.u32 $0x2800, s1;
	[sflag:s3] =	ssyncset.done $0x0  }
0xf: {  	s26 =	sadd.s32 $0x470200, s4;
	s5 =	simm.s32 $0x1000;
	[sflag:s3] =	ssyncadd.s32 $0xFFFFF380  }
0x10: {  	[tilespmem:s5], [sflag:$0x1] =	stream.linear.gather [hbm4b:s6+s7], $0x4000, $0x38;
	[tilespmem:$0x19000] =	vst v63  }
0x11: {  	s30 =	sshll.u32 s1, $0x6;
	s8 =	sshrl.u32 s25, $0x2;
	_ =	swait.ge [sflag:s3], $0x4000  }
0x12: {  	s29 =	sadd.s32 s26, s9;
	s28 =	sadd.s32 s8, s2;
	[sflag:s3] =	ssyncset.done $0x0  }
0x13: {  	s6 =	sor.u32 $0x1C01, s30;
	s7 =	sshrl.u32 s28, $0x3;
	[sflag:s3] =	ssyncadd.s32 $0xFFFFC000  }
0x14: {  	[spmem:s7], [sflag:s6] =	dma.local [hbm:s29], $0x2800  }
0x15: {  	_ =	swait.ge [sflag:s3], $0x2800  }
0x16: {  	[sflag:s3] =	ssyncset.done $0x0  }
0x17: {  	[sflag:s3] =	ssyncadd.s32 $0xFFFFD800  }
0x18: {  	s10 =	simm.s32 $0x0;
	s8 =	simm.s32 $0x80;
	[bflag:$0x0] =	sbarrier.arrive $0xFFFF  }
0x19: {  	[spmem:s2] =	stream.indirect.scatter.add.f32 [tilespmem:s5], [sflag:$0x1], $0x80, s10, s8, $0xb8;
	[tilespmem:$0x19000] =	vst v63  }
0x1a: {  	s31 =	sadd.s32 s9, s4;
	_ =	swait.ge [sflag:s3], $0x4000  }
0x1b: {  	s9 =	simm.s32 $0x200;
	s4 =	sadd.s32 $0x538200, s31;
	[sflag:s3] =	ssyncset.done $0x0  }
.LBB2_2:
0x1c: {  	s10 =	sshra.s32 s9, $0x2;
	[sflag:s3] =	ssyncadd.s32 $0xFFFFC000;
	p0 =	sne.s32 s9, $0x3000  }
0x1d: {  	[spmem:s2] =	stream.indirect.scatter.add.f32 [tilespmem:s5], [sflag:$0x1], $0x80, s10, s8, $0xb8;
	[tilespmem:$0x19000] =	vst v63  }
.Ltmp1:
0x1e: {  	_ = 	snop;
	(pc) =	sbr.rel @p0 .LBB2_2-.Ltmp1, $4  }
0x1f: {  	_ = 	snop  }
0x20: {  	s9 =	sadd.s32 $0x200, s9  }
0x21: {  	_ =	swait.ge [sflag:s3], $0x4000  }
0x22: {  	[sflag:s3] =	ssyncset.done $0x0  }
0x23: {  	[sflag:s3] =	ssyncadd.s32 $0xFFFFC000  }
0x24: {  	s2 =	simm.s32 $0x1;
	[bflag:$0x0] =	sbarrier.arrive $0xFFFF  }
0x25: {  	[hbm:s4], [sflag:s6] =	dma.local [spmem:s7], $0x2800  }
0x26: {  	_ =	swait.ge [sflag:s2], $0x2800  }
0x27: {  	[sflag:s2] =	ssyncset.done $0x0  }
0x28: {  	[sflag:s2] =	ssyncadd.s32 $0xFFFFD800  }
.LBB2_4:
0x29: {  	_ =	sfence.sel $0x180000  }
0x2a: {  	[bflag:$0x0] =	sbarrier.arrive $0xFFFF  }
0x2b: {  	p0 =	sne.s32 s1, $0x0;
	_ =	strace $0x9000004A  }
0x2c: {  	s0 =	sadd.s32 @!p0 $0x100000, s0;
	[bflag:$0x2] =	sbarrier.arrive $0xFFFF  }
0x2d: {  	[sflag:s0] =	ssyncadd.tile.s32 @!p0 $0x1;
	_ =	shalt  }
.Lfunc_end2:
_tile_overlayer_lowered:
.L_overlay_start_2:
0x2e: {  	(tag) =	ssettag $0x2  }
0x2f: {  	s0 =	rddreg [dreg:$0x0];
	s2 =	stileid.u32  }
0x30: {  	s1 =	rddreg [dreg:$0x1];
	p0 =	sne.s32 s2, $0x0  }
0x31: {  	s3 =	rddreg [dreg:$0x2];
	[bflag:$0x3] =	sbarrier.arrive $0xFFFF;
	s2 =	simm.s32 @!p0 $0x1C01  }
0x32: {  	[timem:s3], [sflag:s2] =	dma.local @!p0 [hbm:s0], s1  }
0x33: {  	s0 =	simm.s32 @!p0 $0x1  }
0x34: {  	_ =	swait.ge @!p0 [sflag:s0], s1  }
0x35: {  	s1 =	ssub.s32 @!p0 $0x0, s1;
	[sflag:s0] =	ssyncset.done @!p0 $0x0  }
0x36: {  	[sflag:s0] =	ssyncadd.s32 @!p0 s1  }
0x37: {  	[bflag:$0x3] =	sbarrier.arrive $0xFFFF  }
0x38: {  	_ =	shalt  }

// kernel: kernel.20.cloned.1.call-start
scs
__scs_entry_jumppad:
0x0: {  	(pc) =	sbr.rel $0x88, $3  }
0x1: {  	(tag) =	ssettag $0x0;
	lr =	simm.s32 $0x1  }
0x2: {  	[smem:$0x3F7D] =	sst lr;
	_ =	strace $0xD0000000  }
0x3: {  	_ = 	snop  }
0x4: {  	_ = 	snop  }
0x5: {  	_ = 	snop  }
0x6: {  	_ = 	snop  }
0x7: {  	_ = 	snop  }
__scs_overlays_trampoline_lowered:
0x8: {  	[smem:$0x3F8C] =	sst s0  }
0x9: {  	[smem:$0x3F8D] =	sst s1  }
0xa: {  	[smem:$0x3F8E] =	sst s2  }
0xb: {  	[smem:$0x3F8F] =	sst s3  }
0xc: {  	[smem:$0x3F90] =	sst s4  }
0xd: {  	[smem:$0x3F91] =	sst s5  }
0xe: {  	[smem:$0x3F92] =	sst s6  }
0xf: {  	[smem:$0x3F93] =	sst s7  }
0x10: {  	[smem:$0x3F94] =	sst s8  }
0x11: {  	[smem:$0x3F95] =	sst s9;
	s0 =	simm.s32 @!p0 $0x0  }
0x12: {  	s1 =	sld [smem:$0x3F7B];
	s0 =	simm.s32 @p0 $0x1  }
0x13: {  	[smem:$0x3F96] =	sst s0;
	s0 =	simm.s32 @!p1 $0x0  }
0x14: {  	s2 =	sld [smem:$0x3F7A];
	s0 =	simm.s32 @p1 $0x1  }
0x15: {  	[smem:$0x3F97] =	sst s0;
	s0 =	simm.s32 @!p2 $0x0  }
0x16: {  	s3 =	sld [smem:$0x3FDB];
	s0 =	simm.s32 @p2 $0x1  }
0x17: {  	s4 =	simm.s32 $0x1BF5;
	[smem:$0x3F99] =	sst s0  }
0x18: {  	s0 =	sld [smem:$0x3F7C];
	_ =	swait.ge [sflag:s4], $0x0  }
0x19: {  	s7 =	sld [smem:$0x3F7D]  }
0x1a: {  	s8 =	sadd.s32 $0xFFFFE003, lr  }
0x1b: {  	s9 =	sadd.s32 $0xFFFFFEF7, lr;
	s5 =	simm.s32 $0xFFFFFFFF;
	p2 =	slt.u32 s8, $0xFFFFF086  }
0x1c: {  	p1 =	slt.u32 s9, $0xF7A;
	s5 =	simm.s32 @!p2 $0x0  }
0x1d: {  	s5 =	simm.s32 @p1 $0x1;
	p0 =	seq.s32 s7, s2  }
0x1e: {  	s7 =	smul.u32 @!p0 $0xF7A, s2;
	p2 =	seq.s32 @!p0 s5, $0x0  }
0x1f: {  	s9 =	smul.u32 $0xF7A, s1;
	s8 =	simm.s32 @!p0 $0x1BF5;
	p2 =	por !p2, p0  }
0x20: {  	[sflag:s8] =	ssyncset.s32 @!p0 $0xFFFFF086;
	s6 =	sadd.s32 @!p0 s3, s7;
	s7 =	simm.s32 @!p0 $0x108  }
0x21: {  	s3 =	sadd.s32 s3, s9;
	s6 =	sadd.s32 @!p0 $0x88, s6;
	s7 =	simm.s32 @p2 $0x1082  }
0x22: {  	[simem:s7], [sflag:s8] =	dma.local @!p0 [hbm:s6], $0xF7A  }
0x23: {  	s9 =	sor.u32 $0xD0000000, s2;
	s6 =	simm.s32 $0x108;
	_ =	swait.ge @!p0 [sflag:s8], $0x0  }
0x24: {  	s3 =	sadd.s32 $0x88, s3;
	s6 =	simm.s32 @!p1 $0x1082;
	[sflag:s4] =	ssyncset.s32 $0xFFFFF086  }
0x25: {  	[simem:s6], [sflag:s4] =	dma.local [hbm:s3], $0xF7A  }
0x26: {  	[smem:$0x3F7D] =	sst s1;
	(tag) =	ssettag s2;
	_ =	strace s9  }
0x27: {  	s1 =	sld [smem:$0x3F8D]  }
0x28: {  	s2 =	sld [smem:$0x3F8E]  }
0x29: {  	s4 =	sld [smem:$0x3F90]  }
0x2a: {  	p0 =	seq.s32 s5, $0x0;
	s5 =	sld [smem:$0x3F91]  }
0x2b: {  	s6 =	sld [smem:$0x3F92]  }
0x2c: {  	s7 =	sld [smem:$0x3F93]  }
0x2d: {  	s3 =	simm.s32 $0x108;
	s8 =	sld [smem:$0x3F94]  }
0x2e: {  	s3 =	simm.s32 @!p0 $0x1082;
	s9 =	sld [smem:$0x3F95]  }
0x2f: {  	lr =	sadd.s32 s0, s3;
	s0 =	sld [smem:$0x3F8C]  }
0x30: {  	s3 =	sld [smem:$0x3F8F]  }
0x31: {  	[smem:$0x3F98] =	sst s10  }
0x32: {  	s10 =	sld [smem:$0x3F96];
	_ =	sdelay $0x3  }
0x33: {  	p0 =	seq.s32 s10, $0x1;
	s10 =	sld [smem:$0x3F98];
	_ =	sdelay $0x3  }
0x34: {  	[smem:$0x3F98] =	sst s10  }
0x35: {  	s10 =	sld [smem:$0x3F97];
	_ =	sdelay $0x3  }
0x36: {  	p1 =	seq.s32 s10, $0x1;
	s10 =	sld [smem:$0x3F98];
	_ =	sdelay $0x3  }
0x37: {  	[smem:$0x3F98] =	sst s10  }
0x38: {  	s10 =	sld [smem:$0x3F99]  }
0x39: {  	_ = 	snop;
	(pc) =	sbr.ind lr, $3  }
0x3a: {  	_ = 	snop  }
0x3b: {  	_ = 	snop  }
0x3c: {  	p2 =	seq.s32 s10, $0x1;
	s10 =	sld [smem:$0x3F98]  }
0x3d: {  	_ =	shalt  }
0x3e: {  	_ =	shalt  }
0x3f: {  	_ =	shalt  }
0x40: {  	_ =	shalt  }
0x41: {  	_ =	shalt  }
0x42: {  	_ =	shalt  }
0x43: {  	_ =	shalt  }
0x44: {  	_ =	shalt  }
0x45: {  	_ =	shalt  }
0x46: {  	_ =	shalt  }
0x47: {  	_ =	shalt  }
0x48: {  	_ =	shalt  }
0x49: {  	_ =	shalt  }
0x4a: {  	_ =	shalt  }
0x4b: {  	_ =	shalt  }
0x4c: {  	_ =	shalt  }
0x4d: {  	_ =	shalt  }
0x4e: {  	_ =	shalt  }
0x4f: {  	_ =	shalt  }
0x50: {  	_ =	shalt  }
0x51: {  	_ =	shalt  }
0x52: {  	_ =	shalt  }
0x53: {  	_ =	shalt  }
0x54: {  	_ =	shalt  }
0x55: {  	_ =	shalt  }
0x56: {  	_ =	shalt  }
0x57: {  	_ =	shalt  }
0x58: {  	_ =	shalt  }
0x59: {  	_ =	shalt  }
0x5a: {  	_ =	shalt  }
0x5b: {  	_ =	shalt  }
0x5c: {  	_ =	shalt  }
0x5d: {  	_ =	shalt  }
0x5e: {  	_ =	shalt  }
0x5f: {  	_ =	shalt  }
0x60: {  	_ =	shalt  }
0x61: {  	_ =	shalt  }
0x62: {  	_ =	shalt  }
0x63: {  	_ =	shalt  }
0x64: {  	_ =	shalt  }
0x65: {  	_ =	shalt  }
0x66: {  	_ =	shalt  }
0x67: {  	_ =	shalt  }
0x68: {  	_ =	shalt  }
0x69: {  	_ =	shalt  }
0x6a: {  	_ =	shalt  }
0x6b: {  	_ =	shalt  }
0x6c: {  	_ =	shalt  }
0x6d: {  	_ =	shalt  }
0x6e: {  	_ =	shalt  }
0x6f: {  	_ =	shalt  }
0x70: {  	_ =	shalt  }
0x71: {  	_ =	shalt  }
0x72: {  	_ =	shalt  }
0x73: {  	_ =	shalt  }
0x74: {  	_ =	shalt  }
0x75: {  	_ =	shalt  }
0x76: {  	_ =	shalt  }
0x77: {  	_ =	shalt  }
0x78: {  	_ =	shalt  }
0x79: {  	_ =	shalt  }
0x7a: {  	_ =	shalt  }
0x7b: {  	_ =	shalt  }
0x7c: {  	_ =	shalt  }
0x7d: {  	_ =	shalt  }
0x7e: {  	_ =	shalt  }
0x7f: {  	_ =	shalt  }
0x80: {  	_ =	shalt  }
0x81: {  	_ =	shalt  }
0x82: {  	_ =	shalt  }
0x83: {  	_ =	shalt  }
0x84: {  	_ =	shalt  }
0x85: {  	_ =	shalt  }
0x86: {  	_ =	shalt  }
0x87: {  	_ =	shalt  }
.Lfunc_end0:
.L_simem_size_0:
called_computation.1_lowered:
.L_overlay_start_0:
0x88: {  	s2 =	sld [smem:$0x3FD9]  }
0x89: {  	s3 =	sld [smem:$0x3FFE];
	_ =	sdelay $0x1  }
0x8a: {  	s1 =	srdreg.scid  }
0x8b: {  	s0 =	sand.u32 $0x1, s1  }
0x8c: {  	s16 =	sshll.u32 s0, $0xA;
	s2 =	sadd.s32 s3, s2  }
0x8d: {  	s2 =	sadd.s32 s2, s16  }
0x8e: {  	[smem:$0x3FA4] =	sst s2  }
0x8f: {  	_ = 	snop  }
0x90: {  	(tm) =	ssettm $0x1  }
0x91: {  	s17 =	sld [smem:$0x3FFB];
	_ =	sdelay $0x3  }
0x92: {  	_ =	strace s17  }
0x93: {  	s2 =	sld [smem:$0x3FFC];
	_ =	sdelay $0x3  }
0x94: {  	_ =	strace s2  }
0x95: {  	s2 =	sld [smem:$0x3FFD];
	_ =	sdelay $0x3  }
0x96: {  	_ =	strace s2  }
0x97: {  	_ =	strace $0x8FFFFFFF  }
0x98: {  	s18 =	sld [smem:$0x3FDB];
	_ =	sdelay $0x1  }
0x99: {  	s19 =	simm.s32 $_scs_section_size  }
0x9a: {  	s4 =	simm.s32 $_size__tile_overlayer_lowered;
	s5 =	simm.s32 $_tile_overlayer_lowered  }
0x9b: {  	s22 =	simm.s32 $0x1BFF;
	s21 =	sshll.u32 s5, $0x1;
	s2 =	sadd.s32 s19, s18  }
0x9c: {  	s6 =	simm.s32 $0x0;
	s20 =	sshll.u32 s4, $0x1;
	s4 =	sadd.s32 s21, s2  }
0x9d: {  	[timem:s6], [sflag:s22] =	dma.local [hbm:s4], s20  }
0x9e: {  	_ =	swait.ge [sflag:s22], s20  }
0x9f: {  	s3 =	ssub.s32 $0x0, s20;
	[sflag:s22] =	ssyncset.done $0x0  }
0xa0: {  	[sflag:s22] =	ssyncadd.s32 s3;
	_ =	sdelay $0x1  }
0xa1: {  	s23 =	simm.s32 $0x1B8B  }
0xa2: {  	_ =	swait.ge [sflag:s23], $0x1  }
0xa3: {  	[sflag:s23] =	ssyncset.done $0x0  }
0xa4: {  	s25 =	simm.s32 $0x1B8E;
	s24 =	sld [smem:$0x3FFE];
	[sflag:s23] =	ssyncadd.s32 $0xFFFFFFFF  }
0xa5: {  	s26 =	simm.s32 $execute0_lowered;
	[smem:$0x3FD2] =	sst s25  }
0xa6: {  	s4 =	sshll.u32 s26, $0x1;
	_ =	strace $0x80000046;
	[dreg:$0x1] =	wrdreg $0xFFFFFFFF  }
0xa7: {  	s28 =	simm.s32 $_size_execute0_lowered;
	s2 =	sadd.s32 s2, s4;
	[dreg:$0x0] =	wrdreg $0x0  }
0xa8: {  	s4 =	sshll.u32 s28, $0x1;
	[dreg:$0x2] =	wrdreg s2  }
0xa9: {  	[dreg:$0x3] =	wrdreg s4  }
0xaa: {  	[dreg:$0x4] =	wrdreg $0xC0  }
0xab: {  	_ =	task [dreg:s6], $0x5FFFF  }
0xac: {  	[dreg:$0x1] =	wrdreg $0xFFFFFFFF  }
0xad: {  	[dreg:$0x0] =	wrdreg $0x60  }
0xae: {  	[dreg:$0x2] =	wrdreg s24  }
0xaf: {  	[dreg:$0x3] =	wrdreg $0x60000  }
0xb0: {  	[dreg:$0x4] =	wrdreg $0xA  }
0xb1: {  	_ =	task.clear_ibuf [dreg:s6], $0x5FFFF;
	_ =	strace $0x90000046  }
0xb2: {  	s29 =	simm.s32 $0xA;
	_ =	strace $0x80000048  }
0xb3: {  	_ =	swait.ge [sflag:s29], $0x1  }
0xb4: {  	[sflag:s29] =	ssyncadd.s32 $0xFFFFFFFF  }
0xb5: {  	_ =	strace $0x90000048  }
0xb6: {  	_ =	sfence  }
0xb7: {  	s30 =	sld [smem:$0x0];
	_ =	sdelay $0x2  }
0xb8: {  	s31 =	sshll.u32 s1, $0xD;
	s1 =	sshrl.u32 s1, $0x2  }
0xb9: {  	s3 =	sand.u32 $0x4000, s31;
	s1 =	sadd.s32 s1, s30  }
0xba: {  	s0 =	sor.u32 s3, s0;
	s1 =	sshll.u32 s1, $0x11  }
0xbb: {  	s0 =	sor.u32 s1, s0  }
0xbc: {  	s0 =	sadd.s32 $0x8F2B, s0  }
0xbd: {  	[sflag:s0] =	ssyncadd.remote.s32 $0x1  }
0xbe: {  	_ =	sfence.sel $0xFFFF  }
0xbf: {  	[dreg:$0x0] =	wrdreg $0xFFFFFFFF;
	(pc) =	sbr.abs _section_cstart, $3  }
0xc0: {  	[dreg:$0x1] =	wrdreg $0xFFFFFFFF  }
0xc1: {  	_ =	task.clear_ibuf [dreg:s6], $0x2FFFF;
	_ =	strace $0x9FFFFFFF  }
0xc2: {  	(tm) =	ssettm $0x7FFFFFFF  }
0xc3: {  	_ =	shalt  }
tec
execute0_lowered:
.L_overlay_start_1:
0x0: {  	(tag) =	ssettag $0x1  }
0x1: {  	s5 =	rddreg [dreg:$0x0]  }
0x2: {  	s1 =	rddreg [dreg:$0x1]  }
0x3: {  	s0 =	rddreg [dreg:$0x2];
	s3 =	simm.s32 $0x0;
	s2 =	stileid.u32  }
0x4: {  	s6 =	srdreg.scid;
	[smem:$0x7FF] =	sst s3;
	s4 =	sadd.s32 $0x286200, s5  }
0x5: {  	s7 =	sadd.s32 $0x468200, s5;
	s18 =	smul.u32 $0x2800, s2;
	s17 =	sshll.u32 s2, $0x9  }
0x6: {  	s8 =	sand.u32 $0x1, s6;
	s26 =	smul.u32 $0x50000, s2;
	s12 =	sadd.s32 $0x498200, s5  }
0x7: {  	s31 =	sshll.u32 s2, $0x6;
	_ =	strace $0x80000047;
	s9 =	sadd.s32 s17, s5  }
0x8: {  	s11 =	ssub.s32 $0x2, s8;
	s29 =	smul.u32 $0x50000, s8;
	s30 =	sshllo.u32 s8, $0x1  }
0x9: {  	s8 =	sshll.u32 s8, $0xE;
	s10 =	sadd.s32 s18, s5;
	s28 =	sshrl.u32 s11, $0x1  }
0xa: {  	s6 =	sshrl.u32 s26, $0x2;
	s5 =	sadd.s32 $0x466200, s9;
	s14 =	sshll.u32 s30, $0xD  }
0xb: {  	s15 =	sadd.s32 s7, s8;
	s8 =	simm.s32 $0x1000;
	s9 =	simm.s32 $0x2  }
0xc: {  	s11 =	ssub.s32 s11, s28;
	s13 =	sadd.s32 s6, s1;
	s6 =	sadd.s32 $0x470200, s10  }
0xd: {  	s10 =	smul.u32 $0x28000, s30;
	s16 =	sadd.s32 s12, s29;
	s19 =	sadd.s32 s7, s14  }
0xe: {  	s14 =	simm.s32 $0x2000;
	s7 =	smax.u32 s11, $0x1;
	s11 =	sshrl.u32 s13, $0x3  }
0xf: {  	s13 =	simm.s32 $0x80;
	s16 =	sadd.s32 s18, s16;
	s20 =	sadd.s32 s12, s10  }
0x10: {  	s10 =	sor.u32 $0x1C02, s31;
	s12 =	sadd.s32 s17, s15;
	s15 =	simm.s32 $0x1  }
0x11: {  	s17 =	sadd.s32 s17, s19;
	s19 =	simm.s32 $0x0;
	s18 =	sadd.s32 s18, s20  }
.LBB2_1:
0x12: {  	[tilespmem:s8], [sflag:$0x2] =	stream.linear.gather [hbm4b:s5+s3], $0xC80, $0x38;
	[tilespmem:$0x1A000] =	vst v63  }
0x13: {  	_ =	swait.ge [sflag:s9], $0xC80  }
0x14: {  	[sflag:s9] =	ssyncset.done $0x0  }
0x15: {  	[sflag:s9] =	ssyncadd.s32 $0xFFFFF380  }
0x16: {  	[spmem:s11], [sflag:s10] =	dma.local [hbm:s6], $0x2800  }
0x17: {  	_ =	swait.ge [sflag:s9], $0x2800  }
0x18: {  	[sflag:s9] =	ssyncset.done $0x0  }
0x19: {  	[sflag:s9] =	ssyncadd.s32 $0xFFFFD800  }
0x1a: {  	[tilespmem:s3], [sflag:$0x2] =	stream.linear.gather [hbm4b:s12+s3], $0xC80, $0x38;
	[tilespmem:$0x1A000] =	vst v63  }
0x1b: {  	_ =	swait.ge [sflag:s9], $0xC80  }
0x1c: {  	[sflag:s9] =	ssyncset.done $0x0  }
0x1d: {  	[sflag:s9] =	ssyncadd.s32 $0xFFFFF380  }
0x1e: {  	s20 =	simm.s32 $0x0;
	[bflag:$0x0] =	sbarrier.arrive $0xFFFF  }
0x1f: {  	[tilespmem:s14], [sflag:$0x1] =	stream.indirect.gather [hbm4b:s4+s13], $0x80, s20, s13, $0xb8;
	[tilespmem:$0x1A000] =	vst v63  }
0x20: {  	_ =	swait.ge [sflag:s15], $0x4000  }
0x21: {  	[sflag:s15] =	ssyncset.done $0x0  }
0x22: {  	s31 =	simm.s32 $0x1000;
	[sflag:s15] =	ssyncadd.s32 $0xFFFFC000  }
0x23: {  	[spmem:s1] =	stream.indirect.scatter.add.f32 [tilespmem:s14], [sflag:$0x2], $0x80, s31, s13, $0xb8;
	[tilespmem:$0x1A000] =	vst v63  }
0x24: {  	_ =	swait.ge [sflag:s9], $0x4000  }
0x25: {  	s21 =	simm.s32 $0x400;
	s20 =	simm.s32 $0x200;
	[sflag:s9] =	ssyncset.done $0x0  }
.LBB2_2:
0x26: {  	s22 =	sshra.s32 s20, $0x2  }
0x27: {  	[sflag:s9] =	ssyncadd.s32 $0xFFFFC000;
	s20 =	smov.u32 s21;
	s23 =	sadd.s32 $0x200, s21  }
0x28: {  	[tilespmem:s14], [sflag:$0x1] =	stream.indirect.gather [hbm4b:s4+s13], $0x80, s22, s13, $0xb8;
	[tilespmem:$0x1A000] =	vst v63  }
0x29: {  	p0 =	sne.s32 s21, $0x3000;
	_ =	swait.ge [sflag:s15], $0x4000  }
.Ltmp0:
0x2a: {  	[sflag:s15] =	ssyncset.done $0x0;
	(pc) =	sbr.rel @p0 .LBB2_2-.Ltmp0, $4  }
0x2b: {  	s21 =	sadd.s32 $0x1000, s22;
	[sflag:s15] =	ssyncadd.s32 $0xFFFFC000  }
0x2c: {  	[spmem:s1] =	stream.indirect.scatter.add.f32 [tilespmem:s14], [sflag:$0x2], $0x80, s21, s13, $0xb8;
	[tilespmem:$0x1A000] =	vst v63  }
0x2d: {  	_ =	swait.ge [sflag:s9], $0x4000  }
0x2e: {  	s21 =	smov.u32 s23;
	[sflag:s9] =	ssyncset.done $0x0  }
0x2f: {  	s20 =	sshra.s32 s20, $0x2;
	[sflag:s9] =	ssyncadd.s32 $0xFFFFC000  }
0x30: {  	[tilespmem:s14], [sflag:$0x1] =	stream.indirect.gather [hbm4b:s4+s13], $0x80, s20, s13, $0xb8;
	[tilespmem:$0x1A000] =	vst v63  }
0x31: {  	_ =	swait.ge [sflag:s15], $0x4000  }
0x32: {  	[sflag:s15] =	ssyncset.done $0x0  }
0x33: {  	s20 =	sadd.s32 $0x1000, s20;
	[sflag:s15] =	ssyncadd.s32 $0xFFFFC000  }
0x34: {  	[spmem:s1] =	stream.indirect.scatter.add.f32 [tilespmem:s14], [sflag:$0x2], $0x80, s20, s13, $0xb8;
	[tilespmem:$0x1A000] =	vst v63  }
0x35: {  	_ =	swait.ge [sflag:s9], $0x4000  }
0x36: {  	[sflag:s9] =	ssyncset.done $0x0  }
0x37: {  	[sflag:s9] =	ssyncadd.s32 $0xFFFFC000  }
0x38: {  	[bflag:$0x0] =	sbarrier.arrive $0xFFFF  }
0x39: {  	[hbm:s16], [sflag:s10] =	dma.local [spmem:s11], $0x2800  }
0x3a: {  	_ =	swait.ge [sflag:s9], $0x2800  }
0x3b: {  	[sflag:s9] =	ssyncset.done $0x0  }
0x3c: {  	[sflag:s9] =	ssyncadd.s32 $0xFFFFD800  }
0x3d: {  	[bflag:$0x0] =	sbarrier.arrive $0xFFFF  }
0x3e: {  	[spmem:s11], [sflag:s10] =	dma.local [hbm:s6], $0x2800  }
0x3f: {  	_ =	swait.ge [sflag:s9], $0x2800  }
0x40: {  	[sflag:s9] =	ssyncset.done $0x0  }
0x41: {  	s29 =	simm.s32 $0x0;
	[sflag:s9] =	ssyncadd.s32 $0xFFFFD800  }
0x42: {  	[tilespmem:s29], [sflag:$0x2] =	stream.linear.gather [hbm4b:s17+s29], $0xC80, $0x38;
	[tilespmem:$0x1A000] =	vst v63  }
0x43: {  	_ =	swait.ge [sflag:s9], $0xC80  }
0x44: {  	[sflag:s9] =	ssyncset.done $0x0  }
0x45: {  	[sflag:s9] =	ssyncadd.s32 $0xFFFFF380  }
0x46: {  	s30 =	simm.s32 $0x0;
	[bflag:$0x0] =	sbarrier.arrive $0xFFFF  }
0x47: {  	[tilespmem:s14], [sflag:$0x1] =	stream.indirect.gather [hbm4b:s4+s13], $0x80, s30, s13, $0xb8;
	[tilespmem:$0x1A000] =	vst v63  }
0x48: {  	_ =	swait.ge [sflag:s15], $0x4000  }
0x49: {  	[sflag:s15] =	ssyncset.done $0x0  }
0x4a: {  	s31 =	simm.s32 $0x1000;
	[sflag:s15] =	ssyncadd.s32 $0xFFFFC000  }
0x4b: {  	[spmem:s1] =	stream.indirect.scatter.add.f32 [tilespmem:s14], [sflag:$0x2], $0x80, s31, s13, $0xb8;
	[tilespmem:$0x1A000] =	vst v63  }
0x4c: {  	_ =	swait.ge [sflag:s9], $0x4000  }
0x4d: {  	s21 =	simm.s32 $0x400;
	s20 =	simm.s32 $0x200;
	[sflag:s9] =	ssyncset.done $0x0  }
.LBB2_4:
0x4e: {  	s22 =	sshra.s32 s20, $0x2  }
0x4f: {  	[sflag:s9] =	ssyncadd.s32 $0xFFFFC000;
	s20 =	smov.u32 s21;
	s23 =	sadd.s32 $0x200, s21  }
0x50: {  	[tilespmem:s14], [sflag:$0x1] =	stream.indirect.gather [hbm4b:s4+s13], $0x80, s22, s13, $0xb8;
	[tilespmem:$0x1A000] =	vst v63  }
0x51: {  	p0 =	sne.s32 s21, $0x3000;
	_ =	swait.ge [sflag:s15], $0x4000  }
.Ltmp1:
0x52: {  	[sflag:s15] =	ssyncset.done $0x0;
	(pc) =	sbr.rel @p0 .LBB2_4-.Ltmp1, $4  }
0x53: {  	s21 =	sadd.s32 $0x1000, s22;
	[sflag:s15] =	ssyncadd.s32 $0xFFFFC000  }
0x54: {  	[spmem:s1] =	stream.indirect.scatter.add.f32 [tilespmem:s14], [sflag:$0x2], $0x80, s21, s13, $0xb8;
	[tilespmem:$0x1A000] =	vst v63  }
0x55: {  	_ =	swait.ge [sflag:s9], $0x4000  }
0x56: {  	s21 =	smov.u32 s23;
	[sflag:s9] =	ssyncset.done $0x0  }
0x57: {  	s20 =	sshra.s32 s20, $0x2;
	[sflag:s9] =	ssyncadd.s32 $0xFFFFC000  }
0x58: {  	[tilespmem:s14], [sflag:$0x1] =	stream.indirect.gather [hbm4b:s4+s13], $0x80, s20, s13, $0xb8;
	[tilespmem:$0x1A000] =	vst v63  }
0x59: {  	_ =	swait.ge [sflag:s15], $0x4000  }
0x5a: {  	[sflag:s15] =	ssyncset.done $0x0  }
0x5b: {  	s20 =	sadd.s32 $0x1000, s20;
	[sflag:s15] =	ssyncadd.s32 $0xFFFFC000  }
0x5c: {  	[spmem:s1] =	stream.indirect.scatter.add.f32 [tilespmem:s14], [sflag:$0x2], $0x80, s20, s13, $0xb8;
	[tilespmem:$0x1A000] =	vst v63  }
0x5d: {  	_ =	swait.ge [sflag:s9], $0x4000  }
0x5e: {  	[sflag:s9] =	ssyncset.done $0x0  }
0x5f: {  	s19 =	sadd.s32 $0x1, s19;
	[sflag:s9] =	ssyncadd.s32 $0xFFFFC000  }
0x60: {  	p0 =	sne.s32 s19, s7;
	[bflag:$0x0] =	sbarrier.arrive $0xFFFF  }
0x61: {  	[hbm:s18], [sflag:s10] =	dma.local [spmem:s11], $0x2800  }
.Ltmp2:
0x62: {  	_ =	swait.ge [sflag:s9], $0x2800;
	(pc) =	sbr.rel @p0 .LBB2_1-.Ltmp2, $3  }
0x63: {  	[sflag:s9] =	ssyncset.done $0x0  }
0x64: {  	[sflag:s9] =	ssyncadd.s32 $0xFFFFD800  }
0x65: {  	[bflag:$0x0] =	sbarrier.arrive $0xFFFF;
	_ =	sdelay $0x1  }
0x66: {  	_ =	sfence.sel $0x180000  }
0x67: {  	[bflag:$0x0] =	sbarrier.arrive $0xFFFF  }
0x68: {  	p0 =	sne.s32 s2, $0x0;
	_ =	strace $0x90000047  }
0x69: {  	s0 =	sadd.s32 @!p0 $0x100000, s0;
	[bflag:$0x2] =	sbarrier.arrive $0xFFFF  }
0x6a: {  	[sflag:s0] =	ssyncadd.tile.s32 @!p0 $0x1;
	_ =	shalt  }
.Lfunc_end2:
_tile_overlayer_lowered:
.L_overlay_start_2:
0x6b: {  	(tag) =	ssettag $0x2  }
0x6c: {  	s0 =	rddreg [dreg:$0x0];
	s2 =	stileid.u32  }
0x6d: {  	s1 =	rddreg [dreg:$0x1];
	p0 =	sne.s32 s2, $0x0  }
0x6e: {  	s3 =	rddreg [dreg:$0x2];
	[bflag:$0x3] =	sbarrier.arrive $0xFFFF;
	s2 =	simm.s32 @!p0 $0x1C02  }
0x6f: {  	[timem:s3], [sflag:s2] =	dma.local @!p0 [hbm:s0], s1  }
0x70: {  	s0 =	simm.s32 @!p0 $0x2  }
0x71: {  	_ =	swait.ge @!p0 [sflag:s0], s1  }
0x72: {  	s1 =	ssub.s32 @!p0 $0x0, s1;
	[sflag:s0] =	ssyncset.done @!p0 $0x0  }
0x73: {  	[sflag:s0] =	ssyncadd.s32 @!p0 s1  }
0x74: {  	[bflag:$0x3] =	sbarrier.arrive $0xFFFF  }
0x75: {  	_ =	shalt  }

// kernel: kernel.23.cloned.1.call-start
scs
__scs_entry_jumppad:
0x0: {  	(pc) =	sbr.rel $0x88, $3  }
0x1: {  	(tag) =	ssettag $0x0;
	lr =	simm.s32 $0x1  }
0x2: {  	[smem:$0x3F7D] =	sst lr;
	_ =	strace $0xD0000000  }
0x3: {  	_ = 	snop  }
0x4: {  	_ = 	snop  }
0x5: {  	_ = 	snop  }
0x6: {  	_ = 	snop  }
0x7: {  	_ = 	snop  }
__scs_overlays_trampoline_lowered:
0x8: {  	[smem:$0x3F8C] =	sst s0  }
0x9: {  	[smem:$0x3F8D] =	sst s1  }
0xa: {  	[smem:$0x3F8E] =	sst s2  }
0xb: {  	[smem:$0x3F8F] =	sst s3  }
0xc: {  	[smem:$0x3F90] =	sst s4  }
0xd: {  	[smem:$0x3F91] =	sst s5  }
0xe: {  	[smem:$0x3F92] =	sst s6  }
0xf: {  	[smem:$0x3F93] =	sst s7  }
0x10: {  	[smem:$0x3F94] =	sst s8  }
0x11: {  	[smem:$0x3F95] =	sst s9;
	s0 =	simm.s32 @!p0 $0x0  }
0x12: {  	s1 =	sld [smem:$0x3F7B];
	s0 =	simm.s32 @p0 $0x1  }
0x13: {  	[smem:$0x3F96] =	sst s0;
	s0 =	simm.s32 @!p1 $0x0  }
0x14: {  	s2 =	sld [smem:$0x3F7A];
	s0 =	simm.s32 @p1 $0x1  }
0x15: {  	[smem:$0x3F97] =	sst s0;
	s0 =	simm.s32 @!p2 $0x0  }
0x16: {  	s3 =	sld [smem:$0x3FDB];
	s0 =	simm.s32 @p2 $0x1  }
0x17: {  	s4 =	simm.s32 $0x1BF5;
	[smem:$0x3F99] =	sst s0  }
0x18: {  	s0 =	sld [smem:$0x3F7C];
	_ =	swait.ge [sflag:s4], $0x0  }
0x19: {  	s7 =	sld [smem:$0x3F7D]  }
0x1a: {  	s8 =	sadd.s32 $0xFFFFE003, lr  }
0x1b: {  	s9 =	sadd.s32 $0xFFFFFEF7, lr;
	s5 =	simm.s32 $0xFFFFFFFF;
	p2 =	slt.u32 s8, $0xFFFFF086  }
0x1c: {  	p1 =	slt.u32 s9, $0xF7A;
	s5 =	simm.s32 @!p2 $0x0  }
0x1d: {  	s5 =	simm.s32 @p1 $0x1;
	p0 =	seq.s32 s7, s2  }
0x1e: {  	s7 =	smul.u32 @!p0 $0xF7A, s2;
	p2 =	seq.s32 @!p0 s5, $0x0  }
0x1f: {  	s9 =	smul.u32 $0xF7A, s1;
	s8 =	simm.s32 @!p0 $0x1BF5;
	p2 =	por !p2, p0  }
0x20: {  	[sflag:s8] =	ssyncset.s32 @!p0 $0xFFFFF086;
	s6 =	sadd.s32 @!p0 s3, s7;
	s7 =	simm.s32 @!p0 $0x108  }
0x21: {  	s3 =	sadd.s32 s3, s9;
	s6 =	sadd.s32 @!p0 $0x88, s6;
	s7 =	simm.s32 @p2 $0x1082  }
0x22: {  	[simem:s7], [sflag:s8] =	dma.local @!p0 [hbm:s6], $0xF7A  }
0x23: {  	s9 =	sor.u32 $0xD0000000, s2;
	s6 =	simm.s32 $0x108;
	_ =	swait.ge @!p0 [sflag:s8], $0x0  }
0x24: {  	s3 =	sadd.s32 $0x88, s3;
	s6 =	simm.s32 @!p1 $0x1082;
	[sflag:s4] =	ssyncset.s32 $0xFFFFF086  }
0x25: {  	[simem:s6], [sflag:s4] =	dma.local [hbm:s3], $0xF7A  }
0x26: {  	[smem:$0x3F7D] =	sst s1;
	(tag) =	ssettag s2;
	_ =	strace s9  }
0x27: {  	s1 =	sld [smem:$0x3F8D]  }
0x28: {  	s2 =	sld [smem:$0x3F8E]  }
0x29: {  	s4 =	sld [smem:$0x3F90]  }
0x2a: {  	p0 =	seq.s32 s5, $0x0;
	s5 =	sld [smem:$0x3F91]  }
0x2b: {  	s6 =	sld [smem:$0x3F92]  }
0x2c: {  	s7 =	sld [smem:$0x3F93]  }
0x2d: {  	s3 =	simm.s32 $0x108;
	s8 =	sld [smem:$0x3F94]  }
0x2e: {  	s3 =	simm.s32 @!p0 $0x1082;
	s9 =	sld [smem:$0x3F95]  }
0x2f: {  	lr =	sadd.s32 s0, s3;
	s0 =	sld [smem:$0x3F8C]  }
0x30: {  	s3 =	sld [smem:$0x3F8F]  }
0x31: {  	[smem:$0x3F98] =	sst s10  }
0x32: {  	s10 =	sld [smem:$0x3F96];
	_ =	sdelay $0x3  }
0x33: {  	p0 =	seq.s32 s10, $0x1;
	s10 =	sld [smem:$0x3F98];
	_ =	sdelay $0x3  }
0x34: {  	[smem:$0x3F98] =	sst s10  }
0x35: {  	s10 =	sld [smem:$0x3F97];
	_ =	sdelay $0x3  }
0x36: {  	p1 =	seq.s32 s10, $0x1;
	s10 =	sld [smem:$0x3F98];
	_ =	sdelay $0x3  }
0x37: {  	[smem:$0x3F98] =	sst s10  }
0x38: {  	s10 =	sld [smem:$0x3F99]  }
0x39: {  	_ = 	snop;
	(pc) =	sbr.ind lr, $3  }
0x3a: {  	_ = 	snop  }
0x3b: {  	_ = 	snop  }
0x3c: {  	p2 =	seq.s32 s10, $0x1;
	s10 =	sld [smem:$0x3F98]  }
0x3d: {  	_ =	shalt  }
0x3e: {  	_ =	shalt  }
0x3f: {  	_ =	shalt  }
0x40: {  	_ =	shalt  }
0x41: {  	_ =	shalt  }
0x42: {  	_ =	shalt  }
0x43: {  	_ =	shalt  }
0x44: {  	_ =	shalt  }
0x45: {  	_ =	shalt  }
0x46: {  	_ =	shalt  }
0x47: {  	_ =	shalt  }
0x48: {  	_ =	shalt  }
0x49: {  	_ =	shalt  }
0x4a: {  	_ =	shalt  }
0x4b: {  	_ =	shalt  }
0x4c: {  	_ =	shalt  }
0x4d: {  	_ =	shalt  }
0x4e: {  	_ =	shalt  }
0x4f: {  	_ =	shalt  }
0x50: {  	_ =	shalt  }
0x51: {  	_ =	shalt  }
0x52: {  	_ =	shalt  }
0x53: {  	_ =	shalt  }
0x54: {  	_ =	shalt  }
0x55: {  	_ =	shalt  }
0x56: {  	_ =	shalt  }
0x57: {  	_ =	shalt  }
0x58: {  	_ =	shalt  }
0x59: {  	_ =	shalt  }
0x5a: {  	_ =	shalt  }
0x5b: {  	_ =	shalt  }
0x5c: {  	_ =	shalt  }
0x5d: {  	_ =	shalt  }
0x5e: {  	_ =	shalt  }
0x5f: {  	_ =	shalt  }
0x60: {  	_ =	shalt  }
0x61: {  	_ =	shalt  }
0x62: {  	_ =	shalt  }
0x63: {  	_ =	shalt  }
0x64: {  	_ =	shalt  }
0x65: {  	_ =	shalt  }
0x66: {  	_ =	shalt  }
0x67: {  	_ =	shalt  }
0x68: {  	_ =	shalt  }
0x69: {  	_ =	shalt  }
0x6a: {  	_ =	shalt  }
0x6b: {  	_ =	shalt  }
0x6c: {  	_ =	shalt  }
0x6d: {  	_ =	shalt  }
0x6e: {  	_ =	shalt  }
0x6f: {  	_ =	shalt  }
0x70: {  	_ =	shalt  }
0x71: {  	_ =	shalt  }
0x72: {  	_ =	shalt  }
0x73: {  	_ =	shalt  }
0x74: {  	_ =	shalt  }
0x75: {  	_ =	shalt  }
0x76: {  	_ =	shalt  }
0x77: {  	_ =	shalt  }
0x78: {  	_ =	shalt  }
0x79: {  	_ =	shalt  }
0x7a: {  	_ =	shalt  }
0x7b: {  	_ =	shalt  }
0x7c: {  	_ =	shalt  }
0x7d: {  	_ =	shalt  }
0x7e: {  	_ =	shalt  }
0x7f: {  	_ =	shalt  }
0x80: {  	_ =	shalt  }
0x81: {  	_ =	shalt  }
0x82: {  	_ =	shalt  }
0x83: {  	_ =	shalt  }
0x84: {  	_ =	shalt  }
0x85: {  	_ =	shalt  }
0x86: {  	_ =	shalt  }
0x87: {  	_ =	shalt  }
.Lfunc_end0:
.L_simem_size_0:
called_computation.2_lowered:
.L_overlay_start_0:
0x88: {  	s2 =	sld [smem:$0x3FD9]  }
0x89: {  	s3 =	sld [smem:$0x3FFE];
	_ =	sdelay $0x1  }
0x8a: {  	s1 =	srdreg.scid  }
0x8b: {  	s0 =	sand.u32 $0x1, s1  }
0x8c: {  	s16 =	sshll.u32 s0, $0xA;
	s2 =	sadd.s32 s3, s2  }
0x8d: {  	s2 =	sadd.s32 s2, s16  }
0x8e: {  	[smem:$0x3FA4] =	sst s2  }
0x8f: {  	_ = 	snop  }
0x90: {  	(tm) =	ssettm $0x1  }
0x91: {  	s17 =	sld [smem:$0x3FFB];
	_ =	sdelay $0x3  }
0x92: {  	_ =	strace s17  }
0x93: {  	s2 =	sld [smem:$0x3FFC];
	_ =	sdelay $0x3  }
0x94: {  	_ =	strace s2  }
0x95: {  	s2 =	sld [smem:$0x3FFD];
	_ =	sdelay $0x3  }
0x96: {  	_ =	strace s2  }
0x97: {  	_ =	strace $0x8FFFFFFF  }
0x98: {  	s18 =	sld [smem:$0x3FDB];
	_ =	sdelay $0x1  }
0x99: {  	s19 =	simm.s32 $_scs_section_size  }
0x9a: {  	s4 =	simm.s32 $_size__tile_overlayer_lowered;
	s5 =	simm.s32 $_tile_overlayer_lowered  }
0x9b: {  	s22 =	simm.s32 $0x1BFF;
	s21 =	sshll.u32 s5, $0x1;
	s2 =	sadd.s32 s19, s18  }
0x9c: {  	s6 =	simm.s32 $0x0;
	s20 =	sshll.u32 s4, $0x1;
	s4 =	sadd.s32 s21, s2  }
0x9d: {  	[timem:s6], [sflag:s22] =	dma.local [hbm:s4], s20  }
0x9e: {  	_ =	swait.ge [sflag:s22], s20  }
0x9f: {  	s3 =	ssub.s32 $0x0, s20;
	[sflag:s22] =	ssyncset.done $0x0  }
0xa0: {  	[sflag:s22] =	ssyncadd.s32 s3;
	_ =	sdelay $0x1  }
0xa1: {  	s23 =	simm.s32 $0x1B8B  }
0xa2: {  	_ =	swait.ge [sflag:s23], $0x1  }
0xa3: {  	[sflag:s23] =	ssyncset.done $0x0  }
0xa4: {  	s25 =	simm.s32 $0x1B8E;
	s24 =	sld [smem:$0x3FFE];
	[sflag:s23] =	ssyncadd.s32 $0xFFFFFFFF  }
0xa5: {  	s26 =	simm.s32 $execute0_lowered;
	[smem:$0x3FD2] =	sst s25  }
0xa6: {  	s4 =	sshll.u32 s26, $0x1;
	_ =	strace $0x8000004C;
	[dreg:$0x1] =	wrdreg $0xFFFFFFFF  }
0xa7: {  	s28 =	simm.s32 $_size_execute0_lowered;
	s2 =	sadd.s32 s2, s4;
	[dreg:$0x0] =	wrdreg $0x0  }
0xa8: {  	s4 =	sshll.u32 s28, $0x1;
	[dreg:$0x2] =	wrdreg s2  }
0xa9: {  	[dreg:$0x3] =	wrdreg s4  }
0xaa: {  	[dreg:$0x4] =	wrdreg $0xC0  }
0xab: {  	_ =	task [dreg:s6], $0x5FFFF  }
0xac: {  	[dreg:$0x1] =	wrdreg $0xFFFFFFFF  }
0xad: {  	[dreg:$0x0] =	wrdreg $0x60  }
0xae: {  	[dreg:$0x2] =	wrdreg s24  }
0xaf: {  	[dreg:$0x3] =	wrdreg $0x60000  }
0xb0: {  	[dreg:$0x4] =	wrdreg $0x9  }
0xb1: {  	_ =	task.clear_ibuf [dreg:s6], $0x5FFFF;
	_ =	strace $0x9000004C  }
0xb2: {  	s29 =	simm.s32 $0x9;
	_ =	strace $0x8000004E  }
0xb3: {  	_ =	swait.ge [sflag:s29], $0x1  }
0xb4: {  	[sflag:s29] =	ssyncadd.s32 $0xFFFFFFFF  }
0xb5: {  	_ =	strace $0x9000004E  }
0xb6: {  	_ =	sfence  }
0xb7: {  	s30 =	sld [smem:$0x0];
	_ =	sdelay $0x2  }
0xb8: {  	s31 =	sshll.u32 s1, $0xD;
	s1 =	sshrl.u32 s1, $0x2  }
0xb9: {  	s3 =	sand.u32 $0x4000, s31;
	s1 =	sadd.s32 s1, s30  }
0xba: {  	s0 =	sor.u32 s3, s0;
	s1 =	sshll.u32 s1, $0x11  }
0xbb: {  	s0 =	sor.u32 s1, s0  }
0xbc: {  	s0 =	sadd.s32 $0x8F2B, s0  }
0xbd: {  	[sflag:s0] =	ssyncadd.remote.s32 $0x1  }
0xbe: {  	_ =	sfence.sel $0xFFFF  }
0xbf: {  	[dreg:$0x0] =	wrdreg $0xFFFFFFFF;
	(pc) =	sbr.abs _section_cstart, $3  }
0xc0: {  	[dreg:$0x1] =	wrdreg $0xFFFFFFFF  }
0xc1: {  	_ =	task.clear_ibuf [dreg:s6], $0x2FFFF;
	_ =	strace $0x9FFFFFFF  }
0xc2: {  	(tm) =	ssettm $0x7FFFFFFF  }
0xc3: {  	_ =	shalt  }
tec
execute0_lowered:
.L_overlay_start_1:
0x0: {  	(tag) =	ssettag $0x1  }
0x1: {  	s5 =	rddreg [dreg:$0x0]  }
0x2: {  	s1 =	rddreg [dreg:$0x1]  }
0x3: {  	s0 =	rddreg [dreg:$0x2];
	s3 =	simm.s32 $0x0;
	s2 =	stileid.u32  }
0x4: {  	s6 =	srdreg.scid;
	[smem:$0x7FF] =	sst s3;
	s4 =	sadd.s32 $0x560200, s5  }
0x5: {  	s7 =	sadd.s32 $0x468200, s5;
	s18 =	smul.u32 $0x2800, s2;
	s17 =	sshll.u32 s2, $0x9  }
0x6: {  	s8 =	sand.u32 $0x1, s6;
	s26 =	smul.u32 $0x50000, s2;
	s12 =	sadd.s32 $0x1E6200, s5  }
0x7: {  	s31 =	sshll.u32 s2, $0x6;
	_ =	strace $0x8000004D;
	s9 =	sadd.s32 s17, s5  }
0x8: {  	s11 =	ssub.s32 $0x2, s8;
	s29 =	smul.u32 $0x50000, s8;
	s30 =	sshllo.u32 s8, $0x1  }
0x9: {  	s8 =	sshll.u32 s8, $0xE;
	s10 =	sadd.s32 s18, s5;
	s28 =	sshrl.u32 s11, $0x1  }
0xa: {  	s6 =	sshrl.u32 s26, $0x2;
	s5 =	sadd.s32 $0x466200, s9;
	s14 =	sshll.u32 s30, $0xD  }
0xb: {  	s15 =	sadd.s32 s7, s8;
	s8 =	simm.s32 $0x1000;
	s9 =	simm.s32 $0x2  }
0xc: {  	s11 =	ssub.s32 s11, s28;
	s13 =	sadd.s32 s6, s1;
	s6 =	sadd.s32 $0x470200, s10  }
0xd: {  	s10 =	smul.u32 $0x28000, s30;
	s16 =	sadd.s32 s12, s29;
	s19 =	sadd.s32 s7, s14  }
0xe: {  	s14 =	simm.s32 $0x2000;
	s7 =	smax.u32 s11, $0x1;
	s11 =	sshrl.u32 s13, $0x3  }
0xf: {  	s13 =	simm.s32 $0x80;
	s16 =	sadd.s32 s18, s16;
	s20 =	sadd.s32 s12, s10  }
0x10: {  	s10 =	sor.u32 $0x1C02, s31;
	s12 =	sadd.s32 s17, s15;
	s15 =	simm.s32 $0x1  }
0x11: {  	s17 =	sadd.s32 s17, s19;
	s19 =	simm.s32 $0x0;
	s18 =	sadd.s32 s18, s20  }
.LBB2_1:
0x12: {  	[tilespmem:s8], [sflag:$0x2] =	stream.linear.gather [hbm4b:s5+s3], $0xC80, $0x38;
	[tilespmem:$0x1A000] =	vst v63  }
0x13: {  	_ =	swait.ge [sflag:s9], $0xC80  }
0x14: {  	[sflag:s9] =	ssyncset.done $0x0  }
0x15: {  	[sflag:s9] =	ssyncadd.s32 $0xFFFFF380  }
0x16: {  	[spmem:s11], [sflag:s10] =	dma.local [hbm:s6], $0x2800  }
0x17: {  	_ =	swait.ge [sflag:s9], $0x2800  }
0x18: {  	[sflag:s9] =	ssyncset.done $0x0  }
0x19: {  	[sflag:s9] =	ssyncadd.s32 $0xFFFFD800  }
0x1a: {  	[tilespmem:s3], [sflag:$0x2] =	stream.linear.gather [hbm4b:s12+s3], $0xC80, $0x38;
	[tilespmem:$0x1A000] =	vst v63  }
0x1b: {  	_ =	swait.ge [sflag:s9], $0xC80  }
0x1c: {  	[sflag:s9] =	ssyncset.done $0x0  }
0x1d: {  	[sflag:s9] =	ssyncadd.s32 $0xFFFFF380  }
0x1e: {  	s20 =	simm.s32 $0x0;
	[bflag:$0x0] =	sbarrier.arrive $0xFFFF  }
0x1f: {  	[tilespmem:s14], [sflag:$0x1] =	stream.indirect.gather [hbm4b:s4+s13], $0x80, s20, s13, $0xb8;
	[tilespmem:$0x1A000] =	vst v63  }
0x20: {  	_ =	swait.ge [sflag:s15], $0x4000  }
0x21: {  	[sflag:s15] =	ssyncset.done $0x0  }
0x22: {  	s31 =	simm.s32 $0x1000;
	[sflag:s15] =	ssyncadd.s32 $0xFFFFC000  }
0x23: {  	[spmem:s1] =	stream.indirect.scatter.add.f32 [tilespmem:s14], [sflag:$0x2], $0x80, s31, s13, $0xb8;
	[tilespmem:$0x1A000] =	vst v63  }
0x24: {  	_ =	swait.ge [sflag:s9], $0x4000  }
0x25: {  	s21 =	simm.s32 $0x400;
	s20 =	simm.s32 $0x200;
	[sflag:s9] =	ssyncset.done $0x0  }
.LBB2_2:
0x26: {  	s22 =	sshra.s32 s20, $0x2  }
0x27: {  	[sflag:s9] =	ssyncadd.s32 $0xFFFFC000;
	s20 =	smov.u32 s21;
	s23 =	sadd.s32 $0x200, s21  }
0x28: {  	[tilespmem:s14], [sflag:$0x1] =	stream.indirect.gather [hbm4b:s4+s13], $0x80, s22, s13, $0xb8;
	[tilespmem:$0x1A000] =	vst v63  }
0x29: {  	p0 =	sne.s32 s21, $0x3000;
	_ =	swait.ge [sflag:s15], $0x4000  }
.Ltmp0:
0x2a: {  	[sflag:s15] =	ssyncset.done $0x0;
	(pc) =	sbr.rel @p0 .LBB2_2-.Ltmp0, $4  }
0x2b: {  	s21 =	sadd.s32 $0x1000, s22;
	[sflag:s15] =	ssyncadd.s32 $0xFFFFC000  }
0x2c: {  	[spmem:s1] =	stream.indirect.scatter.add.f32 [tilespmem:s14], [sflag:$0x2], $0x80, s21, s13, $0xb8;
	[tilespmem:$0x1A000] =	vst v63  }
0x2d: {  	_ =	swait.ge [sflag:s9], $0x4000  }
0x2e: {  	s21 =	smov.u32 s23;
	[sflag:s9] =	ssyncset.done $0x0  }
0x2f: {  	s20 =	sshra.s32 s20, $0x2;
	[sflag:s9] =	ssyncadd.s32 $0xFFFFC000  }
0x30: {  	[tilespmem:s14], [sflag:$0x1] =	stream.indirect.gather [hbm4b:s4+s13], $0x80, s20, s13, $0xb8;
	[tilespmem:$0x1A000] =	vst v63  }
0x31: {  	_ =	swait.ge [sflag:s15], $0x4000  }
0x32: {  	[sflag:s15] =	ssyncset.done $0x0  }
0x33: {  	s20 =	sadd.s32 $0x1000, s20;
	[sflag:s15] =	ssyncadd.s32 $0xFFFFC000  }
0x34: {  	[spmem:s1] =	stream.indirect.scatter.add.f32 [tilespmem:s14], [sflag:$0x2], $0x80, s20, s13, $0xb8;
	[tilespmem:$0x1A000] =	vst v63  }
0x35: {  	_ =	swait.ge [sflag:s9], $0x4000  }
0x36: {  	[sflag:s9] =	ssyncset.done $0x0  }
0x37: {  	[sflag:s9] =	ssyncadd.s32 $0xFFFFC000  }
0x38: {  	[bflag:$0x0] =	sbarrier.arrive $0xFFFF  }
0x39: {  	[hbm:s16], [sflag:s10] =	dma.local [spmem:s11], $0x2800  }
0x3a: {  	_ =	swait.ge [sflag:s9], $0x2800  }
0x3b: {  	[sflag:s9] =	ssyncset.done $0x0  }
0x3c: {  	[sflag:s9] =	ssyncadd.s32 $0xFFFFD800  }
0x3d: {  	[bflag:$0x0] =	sbarrier.arrive $0xFFFF  }
0x3e: {  	[spmem:s11], [sflag:s10] =	dma.local [hbm:s6], $0x2800  }
0x3f: {  	_ =	swait.ge [sflag:s9], $0x2800  }
0x40: {  	[sflag:s9] =	ssyncset.done $0x0  }
0x41: {  	s29 =	simm.s32 $0x0;
	[sflag:s9] =	ssyncadd.s32 $0xFFFFD800  }
0x42: {  	[tilespmem:s29], [sflag:$0x2] =	stream.linear.gather [hbm4b:s17+s29], $0xC80, $0x38;
	[tilespmem:$0x1A000] =	vst v63  }
0x43: {  	_ =	swait.ge [sflag:s9], $0xC80  }
0x44: {  	[sflag:s9] =	ssyncset.done $0x0  }
0x45: {  	[sflag:s9] =	ssyncadd.s32 $0xFFFFF380  }
0x46: {  	s30 =	simm.s32 $0x0;
	[bflag:$0x0] =	sbarrier.arrive $0xFFFF  }
0x47: {  	[tilespmem:s14], [sflag:$0x1] =	stream.indirect.gather [hbm4b:s4+s13], $0x80, s30, s13, $0xb8;
	[tilespmem:$0x1A000] =	vst v63  }
0x48: {  	_ =	swait.ge [sflag:s15], $0x4000  }
0x49: {  	[sflag:s15] =	ssyncset.done $0x0  }
0x4a: {  	s31 =	simm.s32 $0x1000;
	[sflag:s15] =	ssyncadd.s32 $0xFFFFC000  }
0x4b: {  	[spmem:s1] =	stream.indirect.scatter.add.f32 [tilespmem:s14], [sflag:$0x2], $0x80, s31, s13, $0xb8;
	[tilespmem:$0x1A000] =	vst v63  }
0x4c: {  	_ =	swait.ge [sflag:s9], $0x4000  }
0x4d: {  	s21 =	simm.s32 $0x400;
	s20 =	simm.s32 $0x200;
	[sflag:s9] =	ssyncset.done $0x0  }
.LBB2_4:
0x4e: {  	s22 =	sshra.s32 s20, $0x2  }
0x4f: {  	[sflag:s9] =	ssyncadd.s32 $0xFFFFC000;
	s20 =	smov.u32 s21;
	s23 =	sadd.s32 $0x200, s21  }
0x50: {  	[tilespmem:s14], [sflag:$0x1] =	stream.indirect.gather [hbm4b:s4+s13], $0x80, s22, s13, $0xb8;
	[tilespmem:$0x1A000] =	vst v63  }
0x51: {  	p0 =	sne.s32 s21, $0x3000;
	_ =	swait.ge [sflag:s15], $0x4000  }
.Ltmp1:
0x52: {  	[sflag:s15] =	ssyncset.done $0x0;
	(pc) =	sbr.rel @p0 .LBB2_4-.Ltmp1, $4  }
0x53: {  	s21 =	sadd.s32 $0x1000, s22;
	[sflag:s15] =	ssyncadd.s32 $0xFFFFC000  }
0x54: {  	[spmem:s1] =	stream.indirect.scatter.add.f32 [tilespmem:s14], [sflag:$0x2], $0x80, s21, s13, $0xb8;
	[tilespmem:$0x1A000] =	vst v63  }
0x55: {  	_ =	swait.ge [sflag:s9], $0x4000  }
0x56: {  	s21 =	smov.u32 s23;
	[sflag:s9] =	ssyncset.done $0x0  }
0x57: {  	s20 =	sshra.s32 s20, $0x2;
	[sflag:s9] =	ssyncadd.s32 $0xFFFFC000  }
0x58: {  	[tilespmem:s14], [sflag:$0x1] =	stream.indirect.gather [hbm4b:s4+s13], $0x80, s20, s13, $0xb8;
	[tilespmem:$0x1A000] =	vst v63  }
0x59: {  	_ =	swait.ge [sflag:s15], $0x4000  }
0x5a: {  	[sflag:s15] =	ssyncset.done $0x0  }
0x5b: {  	s20 =	sadd.s32 $0x1000, s20;
	[sflag:s15] =	ssyncadd.s32 $0xFFFFC000  }
0x5c: {  	[spmem:s1] =	stream.indirect.scatter.add.f32 [tilespmem:s14], [sflag:$0x2], $0x80, s20, s13, $0xb8;
	[tilespmem:$0x1A000] =	vst v63  }
0x5d: {  	_ =	swait.ge [sflag:s9], $0x4000  }
0x5e: {  	[sflag:s9] =	ssyncset.done $0x0  }
0x5f: {  	s19 =	sadd.s32 $0x1, s19;
	[sflag:s9] =	ssyncadd.s32 $0xFFFFC000  }
0x60: {  	p0 =	sne.s32 s19, s7;
	[bflag:$0x0] =	sbarrier.arrive $0xFFFF  }
0x61: {  	[hbm:s18], [sflag:s10] =	dma.local [spmem:s11], $0x2800  }
.Ltmp2:
0x62: {  	_ =	swait.ge [sflag:s9], $0x2800;
	(pc) =	sbr.rel @p0 .LBB2_1-.Ltmp2, $3  }
0x63: {  	[sflag:s9] =	ssyncset.done $0x0  }
0x64: {  	[sflag:s9] =	ssyncadd.s32 $0xFFFFD800  }
0x65: {  	[bflag:$0x0] =	sbarrier.arrive $0xFFFF;
	_ =	sdelay $0x1  }
0x66: {  	_ =	sfence.sel $0x180000  }
0x67: {  	[bflag:$0x0] =	sbarrier.arrive $0xFFFF  }
0x68: {  	p0 =	sne.s32 s2, $0x0;
	_ =	strace $0x9000004D  }
0x69: {  	s0 =	sadd.s32 @!p0 $0x100000, s0;
	[bflag:$0x2] =	sbarrier.arrive $0xFFFF  }
0x6a: {  	[sflag:s0] =	ssyncadd.tile.s32 @!p0 $0x1;
	_ =	shalt  }
.Lfunc_end2:
_tile_overlayer_lowered:
.L_overlay_start_2:
0x6b: {  	(tag) =	ssettag $0x2  }
0x6c: {  	s0 =	rddreg [dreg:$0x0];
	s2 =	stileid.u32  }
0x6d: {  	s1 =	rddreg [dreg:$0x1];
	p0 =	sne.s32 s2, $0x0  }
0x6e: {  	s3 =	rddreg [dreg:$0x2];
	[bflag:$0x3] =	sbarrier.arrive $0xFFFF;
	s2 =	simm.s32 @!p0 $0x1C02  }
0x6f: {  	[timem:s3], [sflag:s2] =	dma.local @!p0 [hbm:s0], s1  }
0x70: {  	s0 =	simm.s32 @!p0 $0x2  }
0x71: {  	_ =	swait.ge @!p0 [sflag:s0], s1  }
0x72: {  	s1 =	ssub.s32 @!p0 $0x0, s1;
	[sflag:s0] =	ssyncset.done @!p0 $0x0  }
0x73: {  	[sflag:s0] =	ssyncadd.s32 @!p0 s1  }
0x74: {  	[bflag:$0x3] =	sbarrier.arrive $0xFFFF  }
0x75: {  	_ =	shalt  }

// kernel: kernel.26.cloned.1.call-start
scs
__scs_entry_jumppad:
0x0: {  	(pc) =	sbr.rel $0x88, $3  }
0x1: {  	(tag) =	ssettag $0x0;
	lr =	simm.s32 $0x1  }
0x2: {  	[smem:$0x3F7D] =	sst lr;
	_ =	strace $0xD0000000  }
0x3: {  	_ = 	snop  }
0x4: {  	_ = 	snop  }
0x5: {  	_ = 	snop  }
0x6: {  	_ = 	snop  }
0x7: {  	_ = 	snop  }
__scs_overlays_trampoline_lowered:
0x8: {  	[smem:$0x3F8C] =	sst s0  }
0x9: {  	[smem:$0x3F8D] =	sst s1  }
0xa: {  	[smem:$0x3F8E] =	sst s2  }
0xb: {  	[smem:$0x3F8F] =	sst s3  }
0xc: {  	[smem:$0x3F90] =	sst s4  }
0xd: {  	[smem:$0x3F91] =	sst s5  }
0xe: {  	[smem:$0x3F92] =	sst s6  }
0xf: {  	[smem:$0x3F93] =	sst s7  }
0x10: {  	[smem:$0x3F94] =	sst s8  }
0x11: {  	[smem:$0x3F95] =	sst s9;
	s0 =	simm.s32 @!p0 $0x0  }
0x12: {  	s1 =	sld [smem:$0x3F7B];
	s0 =	simm.s32 @p0 $0x1  }
0x13: {  	[smem:$0x3F96] =	sst s0;
	s0 =	simm.s32 @!p1 $0x0  }
0x14: {  	s2 =	sld [smem:$0x3F7A];
	s0 =	simm.s32 @p1 $0x1  }
0x15: {  	[smem:$0x3F97] =	sst s0;
	s0 =	simm.s32 @!p2 $0x0  }
0x16: {  	s3 =	sld [smem:$0x3FDB];
	s0 =	simm.s32 @p2 $0x1  }
0x17: {  	s4 =	simm.s32 $0x1BF5;
	[smem:$0x3F99] =	sst s0  }
0x18: {  	s0 =	sld [smem:$0x3F7C];
	_ =	swait.ge [sflag:s4], $0x0  }
0x19: {  	s7 =	sld [smem:$0x3F7D]  }
0x1a: {  	s8 =	sadd.s32 $0xFFFFE003, lr  }
0x1b: {  	s9 =	sadd.s32 $0xFFFFFEF7, lr;
	s5 =	simm.s32 $0xFFFFFFFF;
	p2 =	slt.u32 s8, $0xFFFFF086  }
0x1c: {  	p1 =	slt.u32 s9, $0xF7A;
	s5 =	simm.s32 @!p2 $0x0  }
0x1d: {  	s5 =	simm.s32 @p1 $0x1;
	p0 =	seq.s32 s7, s2  }
0x1e: {  	s7 =	smul.u32 @!p0 $0xF7A, s2;
	p2 =	seq.s32 @!p0 s5, $0x0  }
0x1f: {  	s9 =	smul.u32 $0xF7A, s1;
	s8 =	simm.s32 @!p0 $0x1BF5;
	p2 =	por !p2, p0  }
0x20: {  	[sflag:s8] =	ssyncset.s32 @!p0 $0xFFFFF086;
	s6 =	sadd.s32 @!p0 s3, s7;
	s7 =	simm.s32 @!p0 $0x108  }
0x21: {  	s3 =	sadd.s32 s3, s9;
	s6 =	sadd.s32 @!p0 $0x88, s6;
	s7 =	simm.s32 @p2 $0x1082  }
0x22: {  	[simem:s7], [sflag:s8] =	dma.local @!p0 [hbm:s6], $0xF7A  }
0x23: {  	s9 =	sor.u32 $0xD0000000, s2;
	s6 =	simm.s32 $0x108;
	_ =	swait.ge @!p0 [sflag:s8], $0x0  }
0x24: {  	s3 =	sadd.s32 $0x88, s3;
	s6 =	simm.s32 @!p1 $0x1082;
	[sflag:s4] =	ssyncset.s32 $0xFFFFF086  }
0x25: {  	[simem:s6], [sflag:s4] =	dma.local [hbm:s3], $0xF7A  }
0x26: {  	[smem:$0x3F7D] =	sst s1;
	(tag) =	ssettag s2;
	_ =	strace s9  }
0x27: {  	s1 =	sld [smem:$0x3F8D]  }
0x28: {  	s2 =	sld [smem:$0x3F8E]  }
0x29: {  	s4 =	sld [smem:$0x3F90]  }
0x2a: {  	p0 =	seq.s32 s5, $0x0;
	s5 =	sld [smem:$0x3F91]  }
0x2b: {  	s6 =	sld [smem:$0x3F92]  }
0x2c: {  	s7 =	sld [smem:$0x3F93]  }
0x2d: {  	s3 =	simm.s32 $0x108;
	s8 =	sld [smem:$0x3F94]  }
0x2e: {  	s3 =	simm.s32 @!p0 $0x1082;
	s9 =	sld [smem:$0x3F95]  }
0x2f: {  	lr =	sadd.s32 s0, s3;
	s0 =	sld [smem:$0x3F8C]  }
0x30: {  	s3 =	sld [smem:$0x3F8F]  }
0x31: {  	[smem:$0x3F98] =	sst s10  }
0x32: {  	s10 =	sld [smem:$0x3F96];
	_ =	sdelay $0x3  }
0x33: {  	p0 =	seq.s32 s10, $0x1;
	s10 =	sld [smem:$0x3F98];
	_ =	sdelay $0x3  }
0x34: {  	[smem:$0x3F98] =	sst s10  }
0x35: {  	s10 =	sld [smem:$0x3F97];
	_ =	sdelay $0x3  }
0x36: {  	p1 =	seq.s32 s10, $0x1;
	s10 =	sld [smem:$0x3F98];
	_ =	sdelay $0x3  }
0x37: {  	[smem:$0x3F98] =	sst s10  }
0x38: {  	s10 =	sld [smem:$0x3F99]  }
0x39: {  	_ = 	snop;
	(pc) =	sbr.ind lr, $3  }
0x3a: {  	_ = 	snop  }
0x3b: {  	_ = 	snop  }
0x3c: {  	p2 =	seq.s32 s10, $0x1;
	s10 =	sld [smem:$0x3F98]  }
0x3d: {  	_ =	shalt  }
0x3e: {  	_ =	shalt  }
0x3f: {  	_ =	shalt  }
0x40: {  	_ =	shalt  }
0x41: {  	_ =	shalt  }
0x42: {  	_ =	shalt  }
0x43: {  	_ =	shalt  }
0x44: {  	_ =	shalt  }
0x45: {  	_ =	shalt  }
0x46: {  	_ =	shalt  }
0x47: {  	_ =	shalt  }
0x48: {  	_ =	shalt  }
0x49: {  	_ =	shalt  }
0x4a: {  	_ =	shalt  }
0x4b: {  	_ =	shalt  }
0x4c: {  	_ =	shalt  }
0x4d: {  	_ =	shalt  }
0x4e: {  	_ =	shalt  }
0x4f: {  	_ =	shalt  }
0x50: {  	_ =	shalt  }
0x51: {  	_ =	shalt  }
0x52: {  	_ =	shalt  }
0x53: {  	_ =	shalt  }
0x54: {  	_ =	shalt  }
0x55: {  	_ =	shalt  }
0x56: {  	_ =	shalt  }
0x57: {  	_ =	shalt  }
0x58: {  	_ =	shalt  }
0x59: {  	_ =	shalt  }
0x5a: {  	_ =	shalt  }
0x5b: {  	_ =	shalt  }
0x5c: {  	_ =	shalt  }
0x5d: {  	_ =	shalt  }
0x5e: {  	_ =	shalt  }
0x5f: {  	_ =	shalt  }
0x60: {  	_ =	shalt  }
0x61: {  	_ =	shalt  }
0x62: {  	_ =	shalt  }
0x63: {  	_ =	shalt  }
0x64: {  	_ =	shalt  }
0x65: {  	_ =	shalt  }
0x66: {  	_ =	shalt  }
0x67: {  	_ =	shalt  }
0x68: {  	_ =	shalt  }
0x69: {  	_ =	shalt  }
0x6a: {  	_ =	shalt  }
0x6b: {  	_ =	shalt  }
0x6c: {  	_ =	shalt  }
0x6d: {  	_ =	shalt  }
0x6e: {  	_ =	shalt  }
0x6f: {  	_ =	shalt  }
0x70: {  	_ =	shalt  }
0x71: {  	_ =	shalt  }
0x72: {  	_ =	shalt  }
0x73: {  	_ =	shalt  }
0x74: {  	_ =	shalt  }
0x75: {  	_ =	shalt  }
0x76: {  	_ =	shalt  }
0x77: {  	_ =	shalt  }
0x78: {  	_ =	shalt  }
0x79: {  	_ =	shalt  }
0x7a: {  	_ =	shalt  }
0x7b: {  	_ =	shalt  }
0x7c: {  	_ =	shalt  }
0x7d: {  	_ =	shalt  }
0x7e: {  	_ =	shalt  }
0x7f: {  	_ =	shalt  }
0x80: {  	_ =	shalt  }
0x81: {  	_ =	shalt  }
0x82: {  	_ =	shalt  }
0x83: {  	_ =	shalt  }
0x84: {  	_ =	shalt  }
0x85: {  	_ =	shalt  }
0x86: {  	_ =	shalt  }
0x87: {  	_ =	shalt  }
.Lfunc_end0:
.L_simem_size_0:
called_computation.3_lowered:
.L_overlay_start_0:
0x88: {  	s2 =	sld [smem:$0x3FD9]  }
0x89: {  	s3 =	sld [smem:$0x3FFE];
	_ =	sdelay $0x1  }
0x8a: {  	s1 =	srdreg.scid  }
0x8b: {  	s0 =	sand.u32 $0x1, s1  }
0x8c: {  	s16 =	sshll.u32 s0, $0xA;
	s2 =	sadd.s32 s3, s2  }
0x8d: {  	s2 =	sadd.s32 s2, s16  }
0x8e: {  	[smem:$0x3FA4] =	sst s2  }
0x8f: {  	_ = 	snop  }
0x90: {  	(tm) =	ssettm $0x1  }
0x91: {  	s17 =	sld [smem:$0x3FFB];
	_ =	sdelay $0x3  }
0x92: {  	_ =	strace s17  }
0x93: {  	s2 =	sld [smem:$0x3FFC];
	_ =	sdelay $0x3  }
0x94: {  	_ =	strace s2  }
0x95: {  	s2 =	sld [smem:$0x3FFD];
	_ =	sdelay $0x3  }
0x96: {  	_ =	strace s2  }
0x97: {  	_ =	strace $0x8FFFFFFF  }
0x98: {  	s18 =	sld [smem:$0x3FDB];
	_ =	sdelay $0x1  }
0x99: {  	s19 =	simm.s32 $_scs_section_size  }
0x9a: {  	s4 =	simm.s32 $_size__tile_overlayer_lowered;
	s5 =	simm.s32 $_tile_overlayer_lowered  }
0x9b: {  	s22 =	simm.s32 $0x1BFF;
	s21 =	sshll.u32 s5, $0x1;
	s2 =	sadd.s32 s19, s18  }
0x9c: {  	s6 =	simm.s32 $0x0;
	s20 =	sshll.u32 s4, $0x1;
	s4 =	sadd.s32 s21, s2  }
0x9d: {  	[timem:s6], [sflag:s22] =	dma.local [hbm:s4], s20  }
0x9e: {  	_ =	swait.ge [sflag:s22], s20  }
0x9f: {  	s3 =	ssub.s32 $0x0, s20;
	[sflag:s22] =	ssyncset.done $0x0  }
0xa0: {  	[sflag:s22] =	ssyncadd.s32 s3;
	_ =	sdelay $0x1  }
0xa1: {  	s23 =	simm.s32 $0x1B8B  }
0xa2: {  	_ =	swait.ge [sflag:s23], $0x1  }
0xa3: {  	[sflag:s23] =	ssyncset.done $0x0  }
0xa4: {  	s25 =	simm.s32 $0x1B8E;
	s24 =	sld [smem:$0x3FFE];
	[sflag:s23] =	ssyncadd.s32 $0xFFFFFFFF  }
0xa5: {  	s26 =	simm.s32 $execute0_lowered;
	[smem:$0x3FD2] =	sst s25  }
0xa6: {  	s4 =	sshll.u32 s26, $0x1;
	_ =	strace $0x8000004F;
	[dreg:$0x1] =	wrdreg $0xFFFFFFFF  }
0xa7: {  	s28 =	simm.s32 $_size_execute0_lowered;
	s2 =	sadd.s32 s2, s4;
	[dreg:$0x0] =	wrdreg $0x0  }
0xa8: {  	s4 =	sshll.u32 s28, $0x1;
	[dreg:$0x2] =	wrdreg s2  }
0xa9: {  	[dreg:$0x3] =	wrdreg s4  }
0xaa: {  	[dreg:$0x4] =	wrdreg $0xC0  }
0xab: {  	_ =	task [dreg:s6], $0x5FFFF  }
0xac: {  	[dreg:$0x1] =	wrdreg $0xFFFFFFFF  }
0xad: {  	[dreg:$0x0] =	wrdreg $0x60  }
0xae: {  	[dreg:$0x2] =	wrdreg s24  }
0xaf: {  	[dreg:$0x3] =	wrdreg $0x60000  }
0xb0: {  	[dreg:$0x4] =	wrdreg $0x9  }
0xb1: {  	_ =	task.clear_ibuf [dreg:s6], $0x5FFFF;
	_ =	strace $0x9000004F  }
0xb2: {  	s29 =	simm.s32 $0x9;
	_ =	strace $0x80000051  }
0xb3: {  	_ =	swait.ge [sflag:s29], $0x1  }
0xb4: {  	[sflag:s29] =	ssyncadd.s32 $0xFFFFFFFF  }
0xb5: {  	_ =	strace $0x90000051  }
0xb6: {  	_ =	sfence  }
0xb7: {  	s30 =	sld [smem:$0x0];
	_ =	sdelay $0x2  }
0xb8: {  	s31 =	sshll.u32 s1, $0xD;
	s1 =	sshrl.u32 s1, $0x2  }
0xb9: {  	s3 =	sand.u32 $0x4000, s31;
	s1 =	sadd.s32 s1, s30  }
0xba: {  	s0 =	sor.u32 s3, s0;
	s1 =	sshll.u32 s1, $0x11  }
0xbb: {  	s0 =	sor.u32 s1, s0  }
0xbc: {  	s0 =	sadd.s32 $0x8F2B, s0  }
0xbd: {  	[sflag:s0] =	ssyncadd.remote.s32 $0x1  }
0xbe: {  	_ =	sfence.sel $0xFFFF  }
0xbf: {  	[dreg:$0x0] =	wrdreg $0xFFFFFFFF;
	(pc) =	sbr.abs _section_cstart, $3  }
0xc0: {  	[dreg:$0x1] =	wrdreg $0xFFFFFFFF  }
0xc1: {  	_ =	task.clear_ibuf [dreg:s6], $0x2FFFF;
	_ =	strace $0x9FFFFFFF  }
0xc2: {  	(tm) =	ssettm $0x7FFFFFFF  }
0xc3: {  	_ =	shalt  }
tec
execute0_lowered:
.L_overlay_start_1:
0x0: {  	(tag) =	ssettag $0x1  }
0x1: {  	s5 =	rddreg [dreg:$0x0]  }
0x2: {  	s1 =	rddreg [dreg:$0x1]  }
0x3: {  	s0 =	rddreg [dreg:$0x2];
	s3 =	simm.s32 $0x0;
	s2 =	stileid.u32  }
0x4: {  	s6 =	srdreg.scid;
	[smem:$0x7FF] =	sst s3;
	s4 =	sadd.s32 $0x498200, s5  }
0x5: {  	s7 =	sadd.s32 $0x468200, s5;
	s18 =	smul.u32 $0x2800, s2;
	s17 =	sshll.u32 s2, $0x9  }
0x6: {  	s8 =	sand.u32 $0x1, s6;
	s26 =	smul.u32 $0x50000, s2;
	s12 =	sadd.s32 $0x3C6200, s5  }
0x7: {  	s31 =	sshll.u32 s2, $0x6;
	_ =	strace $0x80000050;
	s9 =	sadd.s32 s17, s5  }
0x8: {  	s11 =	ssub.s32 $0x2, s8;
	s29 =	smul.u32 $0x50000, s8;
	s30 =	sshllo.u32 s8, $0x1  }
0x9: {  	s8 =	sshll.u32 s8, $0xE;
	s10 =	sadd.s32 s18, s5;
	s28 =	sshrl.u32 s11, $0x1  }
0xa: {  	s6 =	sshrl.u32 s26, $0x2;
	s5 =	sadd.s32 $0x466200, s9;
	s14 =	sshll.u32 s30, $0xD  }
0xb: {  	s15 =	sadd.s32 s7, s8;
	s8 =	simm.s32 $0x1000;
	s9 =	simm.s32 $0x2  }
0xc: {  	s11 =	ssub.s32 s11, s28;
	s13 =	sadd.s32 s6, s1;
	s6 =	sadd.s32 $0x470200, s10  }
0xd: {  	s10 =	smul.u32 $0x28000, s30;
	s16 =	sadd.s32 s12, s29;
	s19 =	sadd.s32 s7, s14  }
0xe: {  	s14 =	simm.s32 $0x2000;
	s7 =	smax.u32 s11, $0x1;
	s11 =	sshrl.u32 s13, $0x3  }
0xf: {  	s13 =	simm.s32 $0x80;
	s16 =	sadd.s32 s18, s16;
	s20 =	sadd.s32 s12, s10  }
0x10: {  	s10 =	sor.u32 $0x1C02, s31;
	s12 =	sadd.s32 s17, s15;
	s15 =	simm.s32 $0x1  }
0x11: {  	s17 =	sadd.s32 s17, s19;
	s19 =	simm.s32 $0x0;
	s18 =	sadd.s32 s18, s20  }
.LBB2_1:
0x12: {  	[tilespmem:s8], [sflag:$0x2] =	stream.linear.gather [hbm4b:s5+s3], $0xC80, $0x38;
	[tilespmem:$0x1A000] =	vst v63  }
0x13: {  	_ =	swait.ge [sflag:s9], $0xC80  }
0x14: {  	[sflag:s9] =	ssyncset.done $0x0  }
0x15: {  	[sflag:s9] =	ssyncadd.s32 $0xFFFFF380  }
0x16: {  	[spmem:s11], [sflag:s10] =	dma.local [hbm:s6], $0x2800  }
0x17: {  	_ =	swait.ge [sflag:s9], $0x2800  }
0x18: {  	[sflag:s9] =	ssyncset.done $0x0  }
0x19: {  	[sflag:s9] =	ssyncadd.s32 $0xFFFFD800  }
0x1a: {  	[tilespmem:s3], [sflag:$0x2] =	stream.linear.gather [hbm4b:s12+s3], $0xC80, $0x38;
	[tilespmem:$0x1A000] =	vst v63  }
0x1b: {  	_ =	swait.ge [sflag:s9], $0xC80  }
0x1c: {  	[sflag:s9] =	ssyncset.done $0x0  }
0x1d: {  	[sflag:s9] =	ssyncadd.s32 $0xFFFFF380  }
0x1e: {  	s20 =	simm.s32 $0x0;
	[bflag:$0x0] =	sbarrier.arrive $0xFFFF  }
0x1f: {  	[tilespmem:s14], [sflag:$0x1] =	stream.indirect.gather [hbm4b:s4+s13], $0x80, s20, s13, $0xb8;
	[tilespmem:$0x1A000] =	vst v63  }
0x20: {  	_ =	swait.ge [sflag:s15], $0x4000  }
0x21: {  	[sflag:s15] =	ssyncset.done $0x0  }
0x22: {  	s31 =	simm.s32 $0x1000;
	[sflag:s15] =	ssyncadd.s32 $0xFFFFC000  }
0x23: {  	[spmem:s1] =	stream.indirect.scatter.add.f32 [tilespmem:s14], [sflag:$0x2], $0x80, s31, s13, $0xb8;
	[tilespmem:$0x1A000] =	vst v63  }
0x24: {  	_ =	swait.ge [sflag:s9], $0x4000  }
0x25: {  	s21 =	simm.s32 $0x400;
	s20 =	simm.s32 $0x200;
	[sflag:s9] =	ssyncset.done $0x0  }
.LBB2_2:
0x26: {  	s22 =	sshra.s32 s20, $0x2  }
0x27: {  	[sflag:s9] =	ssyncadd.s32 $0xFFFFC000;
	s20 =	smov.u32 s21;
	s23 =	sadd.s32 $0x200, s21  }
0x28: {  	[tilespmem:s14], [sflag:$0x1] =	stream.indirect.gather [hbm4b:s4+s13], $0x80, s22, s13, $0xb8;
	[tilespmem:$0x1A000] =	vst v63  }
0x29: {  	p0 =	sne.s32 s21, $0x3000;
	_ =	swait.ge [sflag:s15], $0x4000  }
.Ltmp0:
0x2a: {  	[sflag:s15] =	ssyncset.done $0x0;
	(pc) =	sbr.rel @p0 .LBB2_2-.Ltmp0, $4  }
0x2b: {  	s21 =	sadd.s32 $0x1000, s22;
	[sflag:s15] =	ssyncadd.s32 $0xFFFFC000  }
0x2c: {  	[spmem:s1] =	stream.indirect.scatter.add.f32 [tilespmem:s14], [sflag:$0x2], $0x80, s21, s13, $0xb8;
	[tilespmem:$0x1A000] =	vst v63  }
0x2d: {  	_ =	swait.ge [sflag:s9], $0x4000  }
0x2e: {  	s21 =	smov.u32 s23;
	[sflag:s9] =	ssyncset.done $0x0  }
0x2f: {  	s20 =	sshra.s32 s20, $0x2;
	[sflag:s9] =	ssyncadd.s32 $0xFFFFC000  }
0x30: {  	[tilespmem:s14], [sflag:$0x1] =	stream.indirect.gather [hbm4b:s4+s13], $0x80, s20, s13, $0xb8;
	[tilespmem:$0x1A000] =	vst v63  }
0x31: {  	_ =	swait.ge [sflag:s15], $0x4000  }
0x32: {  	[sflag:s15] =	ssyncset.done $0x0  }
0x33: {  	s20 =	sadd.s32 $0x1000, s20;
	[sflag:s15] =	ssyncadd.s32 $0xFFFFC000  }
0x34: {  	[spmem:s1] =	stream.indirect.scatter.add.f32 [tilespmem:s14], [sflag:$0x2], $0x80, s20, s13, $0xb8;
	[tilespmem:$0x1A000] =	vst v63  }
0x35: {  	_ =	swait.ge [sflag:s9], $0x4000  }
0x36: {  	[sflag:s9] =	ssyncset.done $0x0  }
0x37: {  	[sflag:s9] =	ssyncadd.s32 $0xFFFFC000  }
0x38: {  	[bflag:$0x0] =	sbarrier.arrive $0xFFFF  }
0x39: {  	[hbm:s16], [sflag:s10] =	dma.local [spmem:s11], $0x2800  }
0x3a: {  	_ =	swait.ge [sflag:s9], $0x2800  }
0x3b: {  	[sflag:s9] =	ssyncset.done $0x0  }
0x3c: {  	[sflag:s9] =	ssyncadd.s32 $0xFFFFD800  }
0x3d: {  	[bflag:$0x0] =	sbarrier.arrive $0xFFFF  }
0x3e: {  	[spmem:s11], [sflag:s10] =	dma.local [hbm:s6], $0x2800  }
0x3f: {  	_ =	swait.ge [sflag:s9], $0x2800  }
0x40: {  	[sflag:s9] =	ssyncset.done $0x0  }
0x41: {  	s29 =	simm.s32 $0x0;
	[sflag:s9] =	ssyncadd.s32 $0xFFFFD800  }
0x42: {  	[tilespmem:s29], [sflag:$0x2] =	stream.linear.gather [hbm4b:s17+s29], $0xC80, $0x38;
	[tilespmem:$0x1A000] =	vst v63  }
0x43: {  	_ =	swait.ge [sflag:s9], $0xC80  }
0x44: {  	[sflag:s9] =	ssyncset.done $0x0  }
0x45: {  	[sflag:s9] =	ssyncadd.s32 $0xFFFFF380  }
0x46: {  	s30 =	simm.s32 $0x0;
	[bflag:$0x0] =	sbarrier.arrive $0xFFFF  }
0x47: {  	[tilespmem:s14], [sflag:$0x1] =	stream.indirect.gather [hbm4b:s4+s13], $0x80, s30, s13, $0xb8;
	[tilespmem:$0x1A000] =	vst v63  }
0x48: {  	_ =	swait.ge [sflag:s15], $0x4000  }
0x49: {  	[sflag:s15] =	ssyncset.done $0x0  }
0x4a: {  	s31 =	simm.s32 $0x1000;
	[sflag:s15] =	ssyncadd.s32 $0xFFFFC000  }
0x4b: {  	[spmem:s1] =	stream.indirect.scatter.add.f32 [tilespmem:s14], [sflag:$0x2], $0x80, s31, s13, $0xb8;
	[tilespmem:$0x1A000] =	vst v63  }
0x4c: {  	_ =	swait.ge [sflag:s9], $0x4000  }
0x4d: {  	s21 =	simm.s32 $0x400;
	s20 =	simm.s32 $0x200;
	[sflag:s9] =	ssyncset.done $0x0  }
.LBB2_4:
0x4e: {  	s22 =	sshra.s32 s20, $0x2  }
0x4f: {  	[sflag:s9] =	ssyncadd.s32 $0xFFFFC000;
	s20 =	smov.u32 s21;
	s23 =	sadd.s32 $0x200, s21  }
0x50: {  	[tilespmem:s14], [sflag:$0x1] =	stream.indirect.gather [hbm4b:s4+s13], $0x80, s22, s13, $0xb8;
	[tilespmem:$0x1A000] =	vst v63  }
0x51: {  	p0 =	sne.s32 s21, $0x3000;
	_ =	swait.ge [sflag:s15], $0x4000  }
.Ltmp1:
0x52: {  	[sflag:s15] =	ssyncset.done $0x0;
	(pc) =	sbr.rel @p0 .LBB2_4-.Ltmp1, $4  }
0x53: {  	s21 =	sadd.s32 $0x1000, s22;
	[sflag:s15] =	ssyncadd.s32 $0xFFFFC000  }
0x54: {  	[spmem:s1] =	stream.indirect.scatter.add.f32 [tilespmem:s14], [sflag:$0x2], $0x80, s21, s13, $0xb8;
	[tilespmem:$0x1A000] =	vst v63  }
0x55: {  	_ =	swait.ge [sflag:s9], $0x4000  }
0x56: {  	s21 =	smov.u32 s23;
	[sflag:s9] =	ssyncset.done $0x0  }
0x57: {  	s20 =	sshra.s32 s20, $0x2;
	[sflag:s9] =	ssyncadd.s32 $0xFFFFC000  }
0x58: {  	[tilespmem:s14], [sflag:$0x1] =	stream.indirect.gather [hbm4b:s4+s13], $0x80, s20, s13, $0xb8;
	[tilespmem:$0x1A000] =	vst v63  }
0x59: {  	_ =	swait.ge [sflag:s15], $0x4000  }
0x5a: {  	[sflag:s15] =	ssyncset.done $0x0  }
0x5b: {  	s20 =	sadd.s32 $0x1000, s20;
	[sflag:s15] =	ssyncadd.s32 $0xFFFFC000  }
0x5c: {  	[spmem:s1] =	stream.indirect.scatter.add.f32 [tilespmem:s14], [sflag:$0x2], $0x80, s20, s13, $0xb8;
	[tilespmem:$0x1A000] =	vst v63  }
0x5d: {  	_ =	swait.ge [sflag:s9], $0x4000  }
0x5e: {  	[sflag:s9] =	ssyncset.done $0x0  }
0x5f: {  	s19 =	sadd.s32 $0x1, s19;
	[sflag:s9] =	ssyncadd.s32 $0xFFFFC000  }
0x60: {  	p0 =	sne.s32 s19, s7;
	[bflag:$0x0] =	sbarrier.arrive $0xFFFF  }
0x61: {  	[hbm:s18], [sflag:s10] =	dma.local [spmem:s11], $0x2800  }
.Ltmp2:
0x62: {  	_ =	swait.ge [sflag:s9], $0x2800;
	(pc) =	sbr.rel @p0 .LBB2_1-.Ltmp2, $3  }
0x63: {  	[sflag:s9] =	ssyncset.done $0x0  }
0x64: {  	[sflag:s9] =	ssyncadd.s32 $0xFFFFD800  }
0x65: {  	[bflag:$0x0] =	sbarrier.arrive $0xFFFF;
	_ =	sdelay $0x1  }
0x66: {  	_ =	sfence.sel $0x180000  }
0x67: {  	[bflag:$0x0] =	sbarrier.arrive $0xFFFF  }
0x68: {  	p0 =	sne.s32 s2, $0x0;
	_ =	strace $0x90000050  }
0x69: {  	s0 =	sadd.s32 @!p0 $0x100000, s0;
	[bflag:$0x2] =	sbarrier.arrive $0xFFFF  }
0x6a: {  	[sflag:s0] =	ssyncadd.tile.s32 @!p0 $0x1;
	_ =	shalt  }
.Lfunc_end2:
_tile_overlayer_lowered:
.L_overlay_start_2:
0x6b: {  	(tag) =	ssettag $0x2  }
0x6c: {  	s0 =	rddreg [dreg:$0x0];
	s2 =	stileid.u32  }
0x6d: {  	s1 =	rddreg [dreg:$0x1];
	p0 =	sne.s32 s2, $0x0  }
0x6e: {  	s3 =	rddreg [dreg:$0x2];
	[bflag:$0x3] =	sbarrier.arrive $0xFFFF;
	s2 =	simm.s32 @!p0 $0x1C02  }
0x6f: {  	[timem:s3], [sflag:s2] =	dma.local @!p0 [hbm:s0], s1  }
0x70: {  	s0 =	simm.s32 @!p0 $0x2  }
0x71: {  	_ =	swait.ge @!p0 [sflag:s0], s1  }
0x72: {  	s1 =	ssub.s32 @!p0 $0x0, s1;
	[sflag:s0] =	ssyncset.done @!p0 $0x0  }
0x73: {  	[sflag:s0] =	ssyncadd.s32 @!p0 s1  }
0x74: {  	[bflag:$0x3] =	sbarrier.arrive $0xFFFF  }
0x75: {  	_ =	shalt  }

// kernel: kernel.29.cloned.1.call-start
scs
__scs_entry_jumppad:
0x0: {  	(pc) =	sbr.rel $0x88, $3  }
0x1: {  	(tag) =	ssettag $0x0;
	lr =	simm.s32 $0x1  }
0x2: {  	[smem:$0x3F7D] =	sst lr;
	_ =	strace $0xD0000000  }
0x3: {  	_ = 	snop  }
0x4: {  	_ = 	snop  }
0x5: {  	_ = 	snop  }
0x6: {  	_ = 	snop  }
0x7: {  	_ = 	snop  }
__scs_overlays_trampoline_lowered:
0x8: {  	[smem:$0x3F8C] =	sst s0  }
0x9: {  	[smem:$0x3F8D] =	sst s1  }
0xa: {  	[smem:$0x3F8E] =	sst s2  }
0xb: {  	[smem:$0x3F8F] =	sst s3  }
0xc: {  	[smem:$0x3F90] =	sst s4  }
0xd: {  	[smem:$0x3F91] =	sst s5  }
0xe: {  	[smem:$0x3F92] =	sst s6  }
0xf: {  	[smem:$0x3F93] =	sst s7  }
0x10: {  	[smem:$0x3F94] =	sst s8  }
0x11: {  	[smem:$0x3F95] =	sst s9;
	s0 =	simm.s32 @!p0 $0x0  }
0x12: {  	s1 =	sld [smem:$0x3F7B];
	s0 =	simm.s32 @p0 $0x1  }
0x13: {  	[smem:$0x3F96] =	sst s0;
	s0 =	simm.s32 @!p1 $0x0  }
0x14: {  	s2 =	sld [smem:$0x3F7A];
	s0 =	simm.s32 @p1 $0x1  }
0x15: {  	[smem:$0x3F97] =	sst s0;
	s0 =	simm.s32 @!p2 $0x0  }
0x16: {  	s3 =	sld [smem:$0x3FDB];
	s0 =	simm.s32 @p2 $0x1  }
0x17: {  	s4 =	simm.s32 $0x1BF5;
	[smem:$0x3F99] =	sst s0  }
0x18: {  	s0 =	sld [smem:$0x3F7C];
	_ =	swait.ge [sflag:s4], $0x0  }
0x19: {  	s7 =	sld [smem:$0x3F7D]  }
0x1a: {  	s8 =	sadd.s32 $0xFFFFE003, lr  }
0x1b: {  	s9 =	sadd.s32 $0xFFFFFEF7, lr;
	s5 =	simm.s32 $0xFFFFFFFF;
	p2 =	slt.u32 s8, $0xFFFFF086  }
0x1c: {  	p1 =	slt.u32 s9, $0xF7A;
	s5 =	simm.s32 @!p2 $0x0  }
0x1d: {  	s5 =	simm.s32 @p1 $0x1;
	p0 =	seq.s32 s7, s2  }
0x1e: {  	s7 =	smul.u32 @!p0 $0xF7A, s2;
	p2 =	seq.s32 @!p0 s5, $0x0  }
0x1f: {  	s9 =	smul.u32 $0xF7A, s1;
	s8 =	simm.s32 @!p0 $0x1BF5;
	p2 =	por !p2, p0  }
0x20: {  	[sflag:s8] =	ssyncset.s32 @!p0 $0xFFFFF086;
	s6 =	sadd.s32 @!p0 s3, s7;
	s7 =	simm.s32 @!p0 $0x108  }
0x21: {  	s3 =	sadd.s32 s3, s9;
	s6 =	sadd.s32 @!p0 $0x88, s6;
	s7 =	simm.s32 @p2 $0x1082  }
0x22: {  	[simem:s7], [sflag:s8] =	dma.local @!p0 [hbm:s6], $0xF7A  }
0x23: {  	s9 =	sor.u32 $0xD0000000, s2;
	s6 =	simm.s32 $0x108;
	_ =	swait.ge @!p0 [sflag:s8], $0x0  }
0x24: {  	s3 =	sadd.s32 $0x88, s3;
	s6 =	simm.s32 @!p1 $0x1082;
	[sflag:s4] =	ssyncset.s32 $0xFFFFF086  }
0x25: {  	[simem:s6], [sflag:s4] =	dma.local [hbm:s3], $0xF7A  }
0x26: {  	[smem:$0x3F7D] =	sst s1;
	(tag) =	ssettag s2;
	_ =	strace s9  }
0x27: {  	s1 =	sld [smem:$0x3F8D]  }
0x28: {  	s2 =	sld [smem:$0x3F8E]  }
0x29: {  	s4 =	sld [smem:$0x3F90]  }
0x2a: {  	p0 =	seq.s32 s5, $0x0;
	s5 =	sld [smem:$0x3F91]  }
0x2b: {  	s6 =	sld [smem:$0x3F92]  }
0x2c: {  	s7 =	sld [smem:$0x3F93]  }
0x2d: {  	s3 =	simm.s32 $0x108;
	s8 =	sld [smem:$0x3F94]  }
0x2e: {  	s3 =	simm.s32 @!p0 $0x1082;
	s9 =	sld [smem:$0x3F95]  }
0x2f: {  	lr =	sadd.s32 s0, s3;
	s0 =	sld [smem:$0x3F8C]  }
0x30: {  	s3 =	sld [smem:$0x3F8F]  }
0x31: {  	[smem:$0x3F98] =	sst s10  }
0x32: {  	s10 =	sld [smem:$0x3F96];
	_ =	sdelay $0x3  }
0x33: {  	p0 =	seq.s32 s10, $0x1;
	s10 =	sld [smem:$0x3F98];
	_ =	sdelay $0x3  }
0x34: {  	[smem:$0x3F98] =	sst s10  }
0x35: {  	s10 =	sld [smem:$0x3F97];
	_ =	sdelay $0x3  }
0x36: {  	p1 =	seq.s32 s10, $0x1;
	s10 =	sld [smem:$0x3F98];
	_ =	sdelay $0x3  }
0x37: {  	[smem:$0x3F98] =	sst s10  }
0x38: {  	s10 =	sld [smem:$0x3F99]  }
0x39: {  	_ = 	snop;
	(pc) =	sbr.ind lr, $3  }
0x3a: {  	_ = 	snop  }
0x3b: {  	_ = 	snop  }
0x3c: {  	p2 =	seq.s32 s10, $0x1;
	s10 =	sld [smem:$0x3F98]  }
0x3d: {  	_ =	shalt  }
0x3e: {  	_ =	shalt  }
0x3f: {  	_ =	shalt  }
0x40: {  	_ =	shalt  }
0x41: {  	_ =	shalt  }
0x42: {  	_ =	shalt  }
0x43: {  	_ =	shalt  }
0x44: {  	_ =	shalt  }
0x45: {  	_ =	shalt  }
0x46: {  	_ =	shalt  }
0x47: {  	_ =	shalt  }
0x48: {  	_ =	shalt  }
0x49: {  	_ =	shalt  }
0x4a: {  	_ =	shalt  }
0x4b: {  	_ =	shalt  }
0x4c: {  	_ =	shalt  }
0x4d: {  	_ =	shalt  }
0x4e: {  	_ =	shalt  }
0x4f: {  	_ =	shalt  }
0x50: {  	_ =	shalt  }
0x51: {  	_ =	shalt  }
0x52: {  	_ =	shalt  }
0x53: {  	_ =	shalt  }
0x54: {  	_ =	shalt  }
0x55: {  	_ =	shalt  }
0x56: {  	_ =	shalt  }
0x57: {  	_ =	shalt  }
0x58: {  	_ =	shalt  }
0x59: {  	_ =	shalt  }
0x5a: {  	_ =	shalt  }
0x5b: {  	_ =	shalt  }
0x5c: {  	_ =	shalt  }
0x5d: {  	_ =	shalt  }
0x5e: {  	_ =	shalt  }
0x5f: {  	_ =	shalt  }
0x60: {  	_ =	shalt  }
0x61: {  	_ =	shalt  }
0x62: {  	_ =	shalt  }
0x63: {  	_ =	shalt  }
0x64: {  	_ =	shalt  }
0x65: {  	_ =	shalt  }
0x66: {  	_ =	shalt  }
0x67: {  	_ =	shalt  }
0x68: {  	_ =	shalt  }
0x69: {  	_ =	shalt  }
0x6a: {  	_ =	shalt  }
0x6b: {  	_ =	shalt  }
0x6c: {  	_ =	shalt  }
0x6d: {  	_ =	shalt  }
0x6e: {  	_ =	shalt  }
0x6f: {  	_ =	shalt  }
0x70: {  	_ =	shalt  }
0x71: {  	_ =	shalt  }
0x72: {  	_ =	shalt  }
0x73: {  	_ =	shalt  }
0x74: {  	_ =	shalt  }
0x75: {  	_ =	shalt  }
0x76: {  	_ =	shalt  }
0x77: {  	_ =	shalt  }
0x78: {  	_ =	shalt  }
0x79: {  	_ =	shalt  }
0x7a: {  	_ =	shalt  }
0x7b: {  	_ =	shalt  }
0x7c: {  	_ =	shalt  }
0x7d: {  	_ =	shalt  }
0x7e: {  	_ =	shalt  }
0x7f: {  	_ =	shalt  }
0x80: {  	_ =	shalt  }
0x81: {  	_ =	shalt  }
0x82: {  	_ =	shalt  }
0x83: {  	_ =	shalt  }
0x84: {  	_ =	shalt  }
0x85: {  	_ =	shalt  }
0x86: {  	_ =	shalt  }
0x87: {  	_ =	shalt  }
.Lfunc_end0:
.L_simem_size_0:
called_computation.4_lowered:
.L_overlay_start_0:
0x88: {  	s2 =	sld [smem:$0x3FD9]  }
0x89: {  	s3 =	sld [smem:$0x3FFE];
	_ =	sdelay $0x1  }
0x8a: {  	s1 =	srdreg.scid  }
0x8b: {  	s0 =	sand.u32 $0x1, s1  }
0x8c: {  	s16 =	sshll.u32 s0, $0xA;
	s2 =	sadd.s32 s3, s2  }
0x8d: {  	s2 =	sadd.s32 s2, s16  }
0x8e: {  	[smem:$0x3FA4] =	sst s2  }
0x8f: {  	_ = 	snop  }
0x90: {  	(tm) =	ssettm $0x1  }
0x91: {  	s17 =	sld [smem:$0x3FFB];
	_ =	sdelay $0x3  }
0x92: {  	_ =	strace s17  }
0x93: {  	s2 =	sld [smem:$0x3FFC];
	_ =	sdelay $0x3  }
0x94: {  	_ =	strace s2  }
0x95: {  	s2 =	sld [smem:$0x3FFD];
	_ =	sdelay $0x3  }
0x96: {  	_ =	strace s2  }
0x97: {  	_ =	strace $0x8FFFFFFF  }
0x98: {  	s18 =	sld [smem:$0x3FDB];
	_ =	sdelay $0x1  }
0x99: {  	s19 =	simm.s32 $_scs_section_size  }
0x9a: {  	s4 =	simm.s32 $_size__tile_overlayer_lowered;
	s5 =	simm.s32 $_tile_overlayer_lowered  }
0x9b: {  	s22 =	simm.s32 $0x1BFF;
	s21 =	sshll.u32 s5, $0x1;
	s2 =	sadd.s32 s19, s18  }
0x9c: {  	s6 =	simm.s32 $0x0;
	s20 =	sshll.u32 s4, $0x1;
	s4 =	sadd.s32 s21, s2  }
0x9d: {  	[timem:s6], [sflag:s22] =	dma.local [hbm:s4], s20  }
0x9e: {  	_ =	swait.ge [sflag:s22], s20  }
0x9f: {  	s3 =	ssub.s32 $0x0, s20;
	[sflag:s22] =	ssyncset.done $0x0  }
0xa0: {  	[sflag:s22] =	ssyncadd.s32 s3;
	_ =	sdelay $0x1  }
0xa1: {  	s23 =	simm.s32 $0x1B8B  }
0xa2: {  	_ =	swait.ge [sflag:s23], $0x1  }
0xa3: {  	[sflag:s23] =	ssyncset.done $0x0  }
0xa4: {  	s25 =	simm.s32 $0x1B8E;
	s24 =	sld [smem:$0x3FFE];
	[sflag:s23] =	ssyncadd.s32 $0xFFFFFFFF  }
0xa5: {  	s26 =	simm.s32 $execute0_lowered;
	[smem:$0x3FD2] =	sst s25  }
0xa6: {  	s4 =	sshll.u32 s26, $0x1;
	_ =	strace $0x80000052;
	[dreg:$0x1] =	wrdreg $0xFFFFFFFF  }
0xa7: {  	s28 =	simm.s32 $_size_execute0_lowered;
	s2 =	sadd.s32 s2, s4;
	[dreg:$0x0] =	wrdreg $0x0  }
0xa8: {  	s4 =	sshll.u32 s28, $0x1;
	[dreg:$0x2] =	wrdreg s2  }
0xa9: {  	[dreg:$0x3] =	wrdreg s4  }
0xaa: {  	[dreg:$0x4] =	wrdreg $0xC0  }
0xab: {  	_ =	task [dreg:s6], $0x5FFFF  }
0xac: {  	[dreg:$0x1] =	wrdreg $0xFFFFFFFF  }
0xad: {  	[dreg:$0x0] =	wrdreg $0x60  }
0xae: {  	[dreg:$0x2] =	wrdreg s24  }
0xaf: {  	[dreg:$0x3] =	wrdreg $0x60000  }
0xb0: {  	[dreg:$0x4] =	wrdreg $0x9  }
0xb1: {  	_ =	task.clear_ibuf [dreg:s6], $0x5FFFF;
	_ =	strace $0x90000052  }
0xb2: {  	s29 =	simm.s32 $0x9;
	_ =	strace $0x80000054  }
0xb3: {  	_ =	swait.ge [sflag:s29], $0x1  }
0xb4: {  	[sflag:s29] =	ssyncadd.s32 $0xFFFFFFFF  }
0xb5: {  	_ =	strace $0x90000054  }
0xb6: {  	_ =	sfence  }
0xb7: {  	s30 =	sld [smem:$0x0];
	_ =	sdelay $0x2  }
0xb8: {  	s31 =	sshll.u32 s1, $0xD;
	s1 =	sshrl.u32 s1, $0x2  }
0xb9: {  	s3 =	sand.u32 $0x4000, s31;
	s1 =	sadd.s32 s1, s30  }
0xba: {  	s0 =	sor.u32 s3, s0;
	s1 =	sshll.u32 s1, $0x11  }
0xbb: {  	s0 =	sor.u32 s1, s0  }
0xbc: {  	s0 =	sadd.s32 $0x8F2B, s0  }
0xbd: {  	[sflag:s0] =	ssyncadd.remote.s32 $0x1  }
0xbe: {  	_ =	sfence.sel $0xFFFF  }
0xbf: {  	[dreg:$0x0] =	wrdreg $0xFFFFFFFF;
	(pc) =	sbr.abs _section_cstart, $3  }
0xc0: {  	[dreg:$0x1] =	wrdreg $0xFFFFFFFF  }
0xc1: {  	_ =	task.clear_ibuf [dreg:s6], $0x2FFFF;
	_ =	strace $0x9FFFFFFF  }
0xc2: {  	(tm) =	ssettm $0x7FFFFFFF  }
0xc3: {  	_ =	shalt  }
tec
execute0_lowered:
.L_overlay_start_1:
0x0: {  	(tag) =	ssettag $0x1  }
0x1: {  	s5 =	rddreg [dreg:$0x0]  }
0x2: {  	s1 =	rddreg [dreg:$0x1]  }
0x3: {  	s0 =	rddreg [dreg:$0x2];
	s3 =	simm.s32 $0x0;
	s2 =	stileid.u32  }
0x4: {  	s6 =	srdreg.scid;
	[smem:$0x7FF] =	sst s3;
	s4 =	sadd.s32 $0x286200, s5  }
0x5: {  	s7 =	sadd.s32 $0x468200, s5;
	s18 =	smul.u32 $0x2800, s2;
	s17 =	sshll.u32 s2, $0x9  }
0x6: {  	s8 =	sand.u32 $0x1, s6;
	s26 =	smul.u32 $0x50000, s2;
	s12 =	sadd.s32 $0x498200, s5  }
0x7: {  	s31 =	sshll.u32 s2, $0x6;
	_ =	strace $0x80000053;
	s9 =	sadd.s32 s17, s5  }
0x8: {  	s11 =	ssub.s32 $0x2, s8;
	s29 =	smul.u32 $0x50000, s8;
	s30 =	sshllo.u32 s8, $0x1  }
0x9: {  	s8 =	sshll.u32 s8, $0xE;
	s10 =	sadd.s32 s18, s5;
	s28 =	sshrl.u32 s11, $0x1  }
0xa: {  	s6 =	sshrl.u32 s26, $0x2;
	s5 =	sadd.s32 $0x466200, s9;
	s14 =	sshll.u32 s30, $0xD  }
0xb: {  	s15 =	sadd.s32 s7, s8;
	s8 =	simm.s32 $0x1000;
	s9 =	simm.s32 $0x2  }
0xc: {  	s11 =	ssub.s32 s11, s28;
	s13 =	sadd.s32 s6, s1;
	s6 =	sadd.s32 $0x470200, s10  }
0xd: {  	s10 =	smul.u32 $0x28000, s30;
	s16 =	sadd.s32 s12, s29;
	s19 =	sadd.s32 s7, s14  }
0xe: {  	s14 =	simm.s32 $0x2000;
	s7 =	smax.u32 s11, $0x1;
	s11 =	sshrl.u32 s13, $0x3  }
0xf: {  	s13 =	simm.s32 $0x80;
	s16 =	sadd.s32 s18, s16;
	s20 =	sadd.s32 s12, s10  }
0x10: {  	s10 =	sor.u32 $0x1C02, s31;
	s12 =	sadd.s32 s17, s15;
	s15 =	simm.s32 $0x1  }
0x11: {  	s17 =	sadd.s32 s17, s19;
	s19 =	simm.s32 $0x0;
	s18 =	sadd.s32 s18, s20  }
.LBB2_1:
0x12: {  	[tilespmem:s8], [sflag:$0x2] =	stream.linear.gather [hbm4b:s5+s3], $0xC80, $0x38;
	[tilespmem:$0x1A000] =	vst v63  }
0x13: {  	_ =	swait.ge [sflag:s9], $0xC80  }
0x14: {  	[sflag:s9] =	ssyncset.done $0x0  }
0x15: {  	[sflag:s9] =	ssyncadd.s32 $0xFFFFF380  }
0x16: {  	[spmem:s11], [sflag:s10] =	dma.local [hbm:s6], $0x2800  }
0x17: {  	_ =	swait.ge [sflag:s9], $0x2800  }
0x18: {  	[sflag:s9] =	ssyncset.done $0x0  }
0x19: {  	[sflag:s9] =	ssyncadd.s32 $0xFFFFD800  }
0x1a: {  	[tilespmem:s3], [sflag:$0x2] =	stream.linear.gather [hbm4b:s12+s3], $0xC80, $0x38;
	[tilespmem:$0x1A000] =	vst v63  }
0x1b: {  	_ =	swait.ge [sflag:s9], $0xC80  }
0x1c: {  	[sflag:s9] =	ssyncset.done $0x0  }
0x1d: {  	[sflag:s9] =	ssyncadd.s32 $0xFFFFF380  }
0x1e: {  	s20 =	simm.s32 $0x0;
	[bflag:$0x0] =	sbarrier.arrive $0xFFFF  }
0x1f: {  	[tilespmem:s14], [sflag:$0x1] =	stream.indirect.gather [hbm4b:s4+s13], $0x80, s20, s13, $0xb8;
	[tilespmem:$0x1A000] =	vst v63  }
0x20: {  	_ =	swait.ge [sflag:s15], $0x4000  }
0x21: {  	[sflag:s15] =	ssyncset.done $0x0  }
0x22: {  	s31 =	simm.s32 $0x1000;
	[sflag:s15] =	ssyncadd.s32 $0xFFFFC000  }
0x23: {  	[spmem:s1] =	stream.indirect.scatter.add.f32 [tilespmem:s14], [sflag:$0x2], $0x80, s31, s13, $0xb8;
	[tilespmem:$0x1A000] =	vst v63  }
0x24: {  	_ =	swait.ge [sflag:s9], $0x4000  }
0x25: {  	s21 =	simm.s32 $0x400;
	s20 =	simm.s32 $0x200;
	[sflag:s9] =	ssyncset.done $0x0  }
.LBB2_2:
0x26: {  	s22 =	sshra.s32 s20, $0x2  }
0x27: {  	[sflag:s9] =	ssyncadd.s32 $0xFFFFC000;
	s20 =	smov.u32 s21;
	s23 =	sadd.s32 $0x200, s21  }
0x28: {  	[tilespmem:s14], [sflag:$0x1] =	stream.indirect.gather [hbm4b:s4+s13], $0x80, s22, s13, $0xb8;
	[tilespmem:$0x1A000] =	vst v63  }
0x29: {  	p0 =	sne.s32 s21, $0x3000;
	_ =	swait.ge [sflag:s15], $0x4000  }
.Ltmp0:
0x2a: {  	[sflag:s15] =	ssyncset.done $0x0;
	(pc) =	sbr.rel @p0 .LBB2_2-.Ltmp0, $4  }
0x2b: {  	s21 =	sadd.s32 $0x1000, s22;
	[sflag:s15] =	ssyncadd.s32 $0xFFFFC000  }
0x2c: {  	[spmem:s1] =	stream.indirect.scatter.add.f32 [tilespmem:s14], [sflag:$0x2], $0x80, s21, s13, $0xb8;
	[tilespmem:$0x1A000] =	vst v63  }
0x2d: {  	_ =	swait.ge [sflag:s9], $0x4000  }
0x2e: {  	s21 =	smov.u32 s23;
	[sflag:s9] =	ssyncset.done $0x0  }
0x2f: {  	s20 =	sshra.s32 s20, $0x2;
	[sflag:s9] =	ssyncadd.s32 $0xFFFFC000  }
0x30: {  	[tilespmem:s14], [sflag:$0x1] =	stream.indirect.gather [hbm4b:s4+s13], $0x80, s20, s13, $0xb8;
	[tilespmem:$0x1A000] =	vst v63  }
0x31: {  	_ =	swait.ge [sflag:s15], $0x4000  }
0x32: {  	[sflag:s15] =	ssyncset.done $0x0  }
0x33: {  	s20 =	sadd.s32 $0x1000, s20;
	[sflag:s15] =	ssyncadd.s32 $0xFFFFC000  }
0x34: {  	[spmem:s1] =	stream.indirect.scatter.add.f32 [tilespmem:s14], [sflag:$0x2], $0x80, s20, s13, $0xb8;
	[tilespmem:$0x1A000] =	vst v63  }
0x35: {  	_ =	swait.ge [sflag:s9], $0x4000  }
0x36: {  	[sflag:s9] =	ssyncset.done $0x0  }
0x37: {  	[sflag:s9] =	ssyncadd.s32 $0xFFFFC000  }
0x38: {  	[bflag:$0x0] =	sbarrier.arrive $0xFFFF  }
0x39: {  	[hbm:s16], [sflag:s10] =	dma.local [spmem:s11], $0x2800  }
0x3a: {  	_ =	swait.ge [sflag:s9], $0x2800  }
0x3b: {  	[sflag:s9] =	ssyncset.done $0x0  }
0x3c: {  	[sflag:s9] =	ssyncadd.s32 $0xFFFFD800  }
0x3d: {  	[bflag:$0x0] =	sbarrier.arrive $0xFFFF  }
0x3e: {  	[spmem:s11], [sflag:s10] =	dma.local [hbm:s6], $0x2800  }
0x3f: {  	_ =	swait.ge [sflag:s9], $0x2800  }
0x40: {  	[sflag:s9] =	ssyncset.done $0x0  }
0x41: {  	s29 =	simm.s32 $0x0;
	[sflag:s9] =	ssyncadd.s32 $0xFFFFD800  }
0x42: {  	[tilespmem:s29], [sflag:$0x2] =	stream.linear.gather [hbm4b:s17+s29], $0xC80, $0x38;
	[tilespmem:$0x1A000] =	vst v63  }
0x43: {  	_ =	swait.ge [sflag:s9], $0xC80  }
0x44: {  	[sflag:s9] =	ssyncset.done $0x0  }
0x45: {  	[sflag:s9] =	ssyncadd.s32 $0xFFFFF380  }
0x46: {  	s30 =	simm.s32 $0x0;
	[bflag:$0x0] =	sbarrier.arrive $0xFFFF  }
0x47: {  	[tilespmem:s14], [sflag:$0x1] =	stream.indirect.gather [hbm4b:s4+s13], $0x80, s30, s13, $0xb8;
	[tilespmem:$0x1A000] =	vst v63  }
0x48: {  	_ =	swait.ge [sflag:s15], $0x4000  }
0x49: {  	[sflag:s15] =	ssyncset.done $0x0  }
0x4a: {  	s31 =	simm.s32 $0x1000;
	[sflag:s15] =	ssyncadd.s32 $0xFFFFC000  }
0x4b: {  	[spmem:s1] =	stream.indirect.scatter.add.f32 [tilespmem:s14], [sflag:$0x2], $0x80, s31, s13, $0xb8;
	[tilespmem:$0x1A000] =	vst v63  }
0x4c: {  	_ =	swait.ge [sflag:s9], $0x4000  }
0x4d: {  	s21 =	simm.s32 $0x400;
	s20 =	simm.s32 $0x200;
	[sflag:s9] =	ssyncset.done $0x0  }
.LBB2_4:
0x4e: {  	s22 =	sshra.s32 s20, $0x2  }
0x4f: {  	[sflag:s9] =	ssyncadd.s32 $0xFFFFC000;
	s20 =	smov.u32 s21;
	s23 =	sadd.s32 $0x200, s21  }
0x50: {  	[tilespmem:s14], [sflag:$0x1] =	stream.indirect.gather [hbm4b:s4+s13], $0x80, s22, s13, $0xb8;
	[tilespmem:$0x1A000] =	vst v63  }
0x51: {  	p0 =	sne.s32 s21, $0x3000;
	_ =	swait.ge [sflag:s15], $0x4000  }
.Ltmp1:
0x52: {  	[sflag:s15] =	ssyncset.done $0x0;
	(pc) =	sbr.rel @p0 .LBB2_4-.Ltmp1, $4  }
0x53: {  	s21 =	sadd.s32 $0x1000, s22;
	[sflag:s15] =	ssyncadd.s32 $0xFFFFC000  }
0x54: {  	[spmem:s1] =	stream.indirect.scatter.add.f32 [tilespmem:s14], [sflag:$0x2], $0x80, s21, s13, $0xb8;
	[tilespmem:$0x1A000] =	vst v63  }
0x55: {  	_ =	swait.ge [sflag:s9], $0x4000  }
0x56: {  	s21 =	smov.u32 s23;
	[sflag:s9] =	ssyncset.done $0x0  }
0x57: {  	s20 =	sshra.s32 s20, $0x2;
	[sflag:s9] =	ssyncadd.s32 $0xFFFFC000  }
0x58: {  	[tilespmem:s14], [sflag:$0x1] =	stream.indirect.gather [hbm4b:s4+s13], $0x80, s20, s13, $0xb8;
	[tilespmem:$0x1A000] =	vst v63  }
0x59: {  	_ =	swait.ge [sflag:s15], $0x4000  }
0x5a: {  	[sflag:s15] =	ssyncset.done $0x0  }
0x5b: {  	s20 =	sadd.s32 $0x1000, s20;
	[sflag:s15] =	ssyncadd.s32 $0xFFFFC000  }
0x5c: {  	[spmem:s1] =	stream.indirect.scatter.add.f32 [tilespmem:s14], [sflag:$0x2], $0x80, s20, s13, $0xb8;
	[tilespmem:$0x1A000] =	vst v63  }
0x5d: {  	_ =	swait.ge [sflag:s9], $0x4000  }
0x5e: {  	[sflag:s9] =	ssyncset.done $0x0  }
0x5f: {  	s19 =	sadd.s32 $0x1, s19;
	[sflag:s9] =	ssyncadd.s32 $0xFFFFC000  }
0x60: {  	p0 =	sne.s32 s19, s7;
	[bflag:$0x0] =	sbarrier.arrive $0xFFFF  }
0x61: {  	[hbm:s18], [sflag:s10] =	dma.local [spmem:s11], $0x2800  }
.Ltmp2:
0x62: {  	_ =	swait.ge [sflag:s9], $0x2800;
	(pc) =	sbr.rel @p0 .LBB2_1-.Ltmp2, $3  }
0x63: {  	[sflag:s9] =	ssyncset.done $0x0  }
0x64: {  	[sflag:s9] =	ssyncadd.s32 $0xFFFFD800  }
0x65: {  	[bflag:$0x0] =	sbarrier.arrive $0xFFFF;
	_ =	sdelay $0x1  }
0x66: {  	_ =	sfence.sel $0x180000  }
0x67: {  	[bflag:$0x0] =	sbarrier.arrive $0xFFFF  }
0x68: {  	p0 =	sne.s32 s2, $0x0;
	_ =	strace $0x90000053  }
0x69: {  	s0 =	sadd.s32 @!p0 $0x100000, s0;
	[bflag:$0x2] =	sbarrier.arrive $0xFFFF  }
0x6a: {  	[sflag:s0] =	ssyncadd.tile.s32 @!p0 $0x1;
	_ =	shalt  }
.Lfunc_end2:
_tile_overlayer_lowered:
.L_overlay_start_2:
0x6b: {  	(tag) =	ssettag $0x2  }
0x6c: {  	s0 =	rddreg [dreg:$0x0];
	s2 =	stileid.u32  }
0x6d: {  	s1 =	rddreg [dreg:$0x1];
	p0 =	sne.s32 s2, $0x0  }
0x6e: {  	s3 =	rddreg [dreg:$0x2];
	[bflag:$0x3] =	sbarrier.arrive $0xFFFF;
	s2 =	simm.s32 @!p0 $0x1C02  }
0x6f: {  	[timem:s3], [sflag:s2] =	dma.local @!p0 [hbm:s0], s1  }
0x70: {  	s0 =	simm.s32 @!p0 $0x2  }
0x71: {  	_ =	swait.ge @!p0 [sflag:s0], s1  }
0x72: {  	s1 =	ssub.s32 @!p0 $0x0, s1;
	[sflag:s0] =	ssyncset.done @!p0 $0x0  }
0x73: {  	[sflag:s0] =	ssyncadd.s32 @!p0 s1  }
0x74: {  	[bflag:$0x3] =	sbarrier.arrive $0xFFFF  }
0x75: {  	_ =	shalt  }

</sc_bundles>
